<compile_context>
chip_gen: v7x
topology: tpu7x:2x2x1
jax: 0.10.2.dev20260603
libtpu: 0.0.44.dev20260713+nightly
codegen_flags: <defaults>
</compile_context>

<pallas_src>
import functools

import jax
import jax.numpy as jnp
from jax import lax
from jax.experimental import pallas as pl
from jax.experimental.pallas import tpu as pltpu
from jax.experimental.pallas import tpu_sc as plsc

N = 10000
E = 160000
NPAD = 10240
NC, NS = 2, 16
NW = NC * NS
EPT = E // NW
CHUNK = 125
NCHUNK = EPT // CHUNK
RPT = NPAD // NS

_F32 = jnp.float32


NBUF = 4
NGRP = NCHUNK // NBUF


_SPT = N // NS


def _make_sc_aggregate(D, nbuf):
  mesh = plsc.VectorSubcoreMesh(core_axis_name="c", subcore_axis_name="s")
  ngrp = NCHUNK // nbuf

  @functools.partial(
      pl.kernel,
      out_type=jax.ShapeDtypeStruct((NC, NPAD, 128), _F32),
      mesh=mesh,
      compiler_params=pltpu.CompilerParams(use_tc_tiling_on_sc=False),
      scratch_types=[
          pltpu.VMEM((NCHUNK, CHUNK), jnp.int32),
          pltpu.VMEM((NCHUNK, CHUNK), jnp.int32),
          [pltpu.VMEM((CHUNK, D), _F32) for _ in range(nbuf)],
          [pltpu.SemaphoreType.DMA for _ in range(nbuf)],
          [pltpu.SemaphoreType.DMA for _ in range(nbuf)],
          pltpu.VMEM_SHARED((NPAD, D), _F32),
      ],
  )
  def agg(table_hbm, srcs_hbm, dsts_hbm, zeros_hbm, out_hbm,
          src_v, dst_v, bufs, gsems, ssems, acc_sh):
    c = lax.axis_index("c")
    s = lax.axis_index("s")
    wid = s * NC + c
    pltpu.sync_copy(zeros_hbm.at[pl.ds(s * RPT, RPT)],
                    acc_sh.at[pl.ds(s * RPT, RPT)])
    pltpu.sync_copy(srcs_hbm.at[pl.ds(wid * NCHUNK, NCHUNK)], src_v)
    pltpu.sync_copy(dsts_hbm.at[pl.ds(wid * NCHUNK, NCHUNK)], dst_v)
    plsc.subcore_barrier()

    for b in range(nbuf):
      pltpu.async_copy(table_hbm.at[src_v.at[b]], bufs[b], gsems[b])

    def body(g, carry):
      for b in range(nbuf):
        j = g * nbuf + b
        pltpu.make_async_copy(table_hbm.at[src_v.at[j]], bufs[b],
                              gsems[b]).wait()
        pltpu.async_copy(bufs[b], acc_sh.at[dst_v.at[j]], ssems[b], add=True)
      for b in range(nbuf):
        j = g * nbuf + b
        pltpu.make_async_copy(bufs[b], acc_sh.at[dst_v.at[j]],
                              ssems[b]).wait()

        @pl.when(g + 1 < ngrp)
        def _():
          pltpu.async_copy(table_hbm.at[src_v.at[j + nbuf]], bufs[b],
                           gsems[b])
      return carry

    lax.fori_loop(0, ngrp, body, 0)
    plsc.subcore_barrier()
    pltpu.sync_copy(acc_sh.at[pl.ds(s * RPT, RPT)],
                    out_hbm.at[c].at[pl.ds(s * RPT, RPT), pl.ds(0, D)])

  return agg


_sc_agg64 = _make_sc_aggregate(64, nbuf=8)
_sc_agg16 = _make_sc_aggregate(16, nbuf=10)

_deg_mesh = plsc.VectorSubcoreMesh(core_axis_name="c", subcore_axis_name="s")


@functools.partial(
    pl.kernel,
    out_type=jax.ShapeDtypeStruct((NC, NPAD, 128), _F32),
    mesh=_deg_mesh,
    compiler_params=pltpu.CompilerParams(use_tc_tiling_on_sc=False),
    scratch_types=[
        pltpu.VMEM((NCHUNK, CHUNK), jnp.int32),
        pltpu.VMEM((CHUNK, 16), _F32),
        pltpu.VMEM_SHARED((NPAD, 16), _F32),
        pltpu.SemaphoreType.DMA,
    ],
)
def _sc_degree(dsts_hbm, ones_hbm, zeros_hbm, out_hbm,
               dst_v, ones_v, deg_sh, sem):
  c = lax.axis_index("c")
  s = lax.axis_index("s")
  wid = s * NC + c
  pltpu.sync_copy(zeros_hbm.at[pl.ds(s * RPT, RPT)],
                  deg_sh.at[pl.ds(s * RPT, RPT)])
  pltpu.sync_copy(ones_hbm, ones_v)
  pltpu.sync_copy(dsts_hbm.at[pl.ds(wid * NCHUNK, NCHUNK)], dst_v)
  plsc.subcore_barrier()

  def body(j, carry):
    pltpu.async_copy(ones_v, deg_sh.at[dst_v.at[j]], sem, add=True)
    return carry

  lax.fori_loop(0, NCHUNK, body, 0)

  def drain(j, carry):
    pltpu.make_async_copy(ones_v, deg_sh.at[dst_v.at[j]], sem).wait()
    return carry

  lax.fori_loop(0, NCHUNK, drain, 0)
  plsc.subcore_barrier()
  pltpu.sync_copy(deg_sh.at[pl.ds(s * RPT, RPT)],
                  out_hbm.at[c].at[pl.ds(s * RPT, RPT), pl.ds(0, 16)])


_BLK = 2000
_NBLK = N // _BLK


def _tcms_body(x_ref, w_ref, d_ref, y_ref, dis_ref):
  deg = d_ref[0, :, 0:1] + d_ref[1, :, 0:1] + 1.0
  dis = lax.rsqrt(deg)
  xw = jnp.dot(x_ref[...], w_ref[...], preferred_element_type=_F32)
  y = xw * dis
  y_ref[...] = jnp.concatenate([y, jnp.zeros_like(y)], axis=1)
  dis_ref[...] = dis


_tc_ms = pl.pallas_call(
    _tcms_body,
    grid=(_NBLK,),
    in_specs=[
        pl.BlockSpec((_BLK, 256), lambda i: (i, 0)),
        pl.BlockSpec((256, 64), lambda i: (0, 0)),
        pl.BlockSpec((2, _BLK, 128), lambda i: (0, i, 0)),
    ],
    out_specs=[
        pl.BlockSpec((_BLK, 128), lambda i: (i, 0)),
        pl.BlockSpec((_BLK, 1), lambda i: (i, 0)),
    ],
    out_shape=[
        jax.ShapeDtypeStruct((N, 128), _F32),
        jax.ShapeDtypeStruct((N, 1), _F32),
    ],
)


def _tcb_body(p_ref, y1_ref, dis_ref, b1_ref, w2_ref, y2_ref):
  dis = dis_ref[...]
  acc = p_ref[0, :, 0:64] + p_ref[1, :, 0:64] + y1_ref[:, 0:64]
  z = acc * dis + b1_ref[...]
  h = jnp.where(z >= 0, z, 0.01 * z)
  y2_ref[...] = jnp.dot(h, w2_ref[...], preferred_element_type=_F32) * dis


_tc_b = pl.pallas_call(
    _tcb_body,
    grid=(_NBLK,),
    in_specs=[
        pl.BlockSpec((2, _BLK, 128), lambda i: (0, i, 0)),
        pl.BlockSpec((_BLK, 128), lambda i: (i, 0)),
        pl.BlockSpec((_BLK, 1), lambda i: (i, 0)),
        pl.BlockSpec((1, 64), lambda i: (0, 0)),
        pl.BlockSpec((64, 128), lambda i: (0, 0)),
    ],
    out_specs=pl.BlockSpec((_BLK, 128), lambda i: (i, 0)),
    out_shape=jax.ShapeDtypeStruct((N, 128), _F32),
)


def _tcc_body(q_ref, y2_ref, dis_ref, b2_ref, o_ref):
  z = (q_ref[0, :, 0:16] + q_ref[1, :, 0:16] + y2_ref[:, 0:16])
  z = z * dis_ref[...] + b2_ref[...]
  m = jnp.max(z, axis=1, keepdims=True)
  e = jnp.exp(z - m)
  o_ref[...] = (e / jnp.sum(e, axis=1, keepdims=True))[:, 0:4]


_tc_c = pl.pallas_call(
    _tcc_body,
    grid=(_NBLK,),
    in_specs=[
        pl.BlockSpec((2, _BLK, 128), lambda i: (0, i, 0)),
        pl.BlockSpec((_BLK, 128), lambda i: (i, 0)),
        pl.BlockSpec((_BLK, 1), lambda i: (i, 0)),
        pl.BlockSpec((1, 16), lambda i: (0, 0)),
    ],
    out_specs=pl.BlockSpec((_BLK, 4), lambda i: (i, 0)),
    out_shape=jax.ShapeDtypeStruct((N, 4), _F32),
)


def kernel(x, edge_index, W1, b1, W2, b2):
  srcs = edge_index[0].reshape(NW * NCHUNK, CHUNK)
  srcs2 = srcs * 2
  srcs8 = srcs * 8
  dsts = edge_index[1].reshape(NW * NCHUNK, CHUNK)
  zeros16 = jnp.zeros((NPAD, 16), _F32)
  zeros64 = jnp.zeros((NPAD, 64), _F32)
  ones16 = jnp.ones((CHUNK, 16), _F32)
  w2pad = jnp.pad(W2, ((0, 0), (0, 124)))
  b2pad = jnp.concatenate([b2, jnp.full((12,), -1e30, _F32)]).reshape(1, 16)

  d = _sc_degree(dsts, ones16, zeros16)
  y1, dis = _tc_ms(x, W1, d)
  y1v = y1.reshape(2 * N, 64)
  p = _sc_agg64(y1v, srcs2, dsts, zeros64)
  y2 = _tc_b(p, y1, dis, b1.reshape(1, 64), w2pad)
  y2v = y2.reshape(8 * N, 16)
  q = _sc_agg16(y2v, srcs8, dsts, zeros16)
  return _tc_c(q, y2, dis, b2pad)

# --- scband reference (transcript-rebuilt; emitter-appended) ---
"""Pipeline reference for scband-gcnn-88991722373506 (READ-ONLY COPY).

The authoritative reference and input builder live on the scoring server;
editing this copy changes nothing except your own understanding.
"""

import jax, jax.numpy as jnp
import numpy as np

N_NODES = 10000
N_EDGES = 160000


def gcn_conv(x, edge_index, W, b):
    N = x.shape[0]
    loop = jnp.arange(N, dtype=edge_index.dtype)
    src = jnp.concatenate([edge_index[0], loop])
    dst = jnp.concatenate([edge_index[1], loop])
    deg = jnp.zeros((N,), dtype=x.dtype).at[dst].add(1.0)
    deg_inv_sqrt = jnp.where(deg > 0, 1.0 / jnp.sqrt(deg), 0.0)
    norm = deg_inv_sqrt[src] * deg_inv_sqrt[dst]
    xw = x @ W
    msg = xw[src] * norm[:, None]
    out = jnp.zeros((N, W.shape[1]), dtype=x.dtype).at[dst].add(msg)
    return out + b


def setup_inputs(seed: int = 0) -> dict:
    key = jax.random.key(seed)
    k1, k2, k3, k4, k5, k6 = jax.random.split(key, 6)
    x = jax.random.normal(k1, (N_NODES, 256), dtype=jnp.float32)
    edge_index = jax.random.randint(k2, (2, N_EDGES), 0, N_NODES, dtype=jnp.int32)
    W1 = jax.random.normal(k3, (256, 64), dtype=jnp.float32) * (1.0 / np.sqrt(256.0))
    b1 = jnp.zeros((64,), dtype=jnp.float32)
    W2 = jax.random.normal(k4, (64, 4), dtype=jnp.float32) * (1.0 / np.sqrt(64.0))
    b2 = jnp.zeros((4,), dtype=jnp.float32)
    return {"x": x, "edge_index": edge_index, "W1": W1, "b1": b1, "W2": W2, "b2": b2}


def reference(x, edge_index, W1, b1, W2, b2):
    h = gcn_conv(x, edge_index, W1, b1)
    h = jax.nn.leaky_relu(h, negative_slope=0.01)
    # F.dropout with training=False is identity (eval mode)
    h = gcn_conv(h, edge_index, W2, b2)
    return jax.nn.softmax(h, axis=1)

if __name__ == "__main__":
    import jax
    _d = setup_inputs()
    print(jax.jit(kernel)(*tuple(_d.values())))

</pallas_src>

<mosaic_0001>
#map = affine_map<(d0, d1) -> (0, 0)>
#map1 = affine_map<(d0, d1) -> (0, 0, 0)>
module attributes {stable_mosaic.version = 14 : i64} {
  func.func @_sc_degree(%arg0: i32, %arg1: i32, %arg2: memref<1280x125xi32, #tpu.memory_space<hbm>>, %arg3: memref<125x16xf32, #tpu.memory_space<hbm>>, %arg4: memref<10240x16xf32, #tpu.memory_space<hbm>>, %arg5: memref<2x10240x128xf32, #tpu.memory_space<hbm>>, %arg6: memref<40x125xi32, #tpu.memory_space<vmem>>, %arg7: memref<125x16xf32, #tpu.memory_space<vmem>>, %arg8: memref<10240x16xf32, #tpu.memory_space<vmem_shared>>, %arg9: memref<!tpu.dma_semaphore, #tpu.memory_space<semaphore_mem>>) attributes {dimension_semantics = [#tpu.dimension_semantics<core_parallel>, #tpu.dimension_semantics<subcore_parallel>], iteration_bounds = array<i64: 2, 16>, scalar_prefetch = 0 : i64, scratch_operands = 4 : i64, tpu.core_type = #tpu.core_type<sc_vector_subcore>, window_params = [{transform_indices = #map}, {transform_indices = #map}, {transform_indices = #map}, {transform_indices = #map1}]} {
    %mul3A = arith.constant 2 : i32
    %mul3A_0 = arith.muli %arg1, %mul3A : i32
    %add3A = arith.addi %mul3A_0, %arg0 : i32
    %mul3A_1 = arith.constant 640 : i32
    %mul3A_2 = arith.muli %arg1, %mul3A_1 : i32
    %mul3A_3 = arith.constant 640 : i32
    %mul3A_4 = arith.muli %arg1, %mul3A_3 : i32
    "tpu.region"() ({
      %run_scoped3A = tpu.sem_alloc : memref<!tpu.dma_semaphore, #tpu.memory_space<semaphore_mem>>
      %dma_start3A = arith.constant 0 : i32
      %dma_start3A_23 = tpu.memref_slice %arg8[%mul3A_4, %dma_start3A] : memref<10240x16xf32, #tpu.memory_space<vmem_shared>> -> memref<640x16xf32, #tpu.memory_space<vmem_shared>>
      %dma_start3A_24 = arith.constant 0 : i32
      %dma_start3A_25 = tpu.memref_slice %arg4[%mul3A_2, %dma_start3A_24] : memref<10240x16xf32, #tpu.memory_space<hbm>> -> memref<640x16xf32, #tpu.memory_space<hbm>>
      tpu.enqueue_dma source(%dma_start3A_25 : memref<640x16xf32, #tpu.memory_space<hbm>>) target(%dma_start3A_23 : memref<640x16xf32, #tpu.memory_space<vmem_shared>>) target_semaphore(%run_scoped3A : memref<!tpu.dma_semaphore, #tpu.memory_space<semaphore_mem>>)
      %dma_wait3A = arith.constant 0 : i32
      %dma_wait3A_26 = tpu.memref_slice %arg8[%mul3A_4, %dma_wait3A] : memref<10240x16xf32, #tpu.memory_space<vmem_shared>> -> memref<640x16xf32, #tpu.memory_space<vmem_shared>>
      %dma_wait3A_27 = arith.constant 0 : i32
      %dma_wait3A_28 = tpu.memref_slice %arg4[%mul3A_2, %dma_wait3A_27] : memref<10240x16xf32, #tpu.memory_space<hbm>> -> memref<640x16xf32, #tpu.memory_space<hbm>>
      tpu.wait_dma2 semaphore(%run_scoped3A : memref<!tpu.dma_semaphore, #tpu.memory_space<semaphore_mem>>) src(%dma_wait3A_28 : memref<640x16xf32, #tpu.memory_space<hbm>>) dst(%dma_wait3A_26 : memref<640x16xf32, #tpu.memory_space<vmem_shared>>)
      tpu.yield
    }) : () -> ()
    "tpu.region"() ({
      %run_scoped3A = tpu.sem_alloc : memref<!tpu.dma_semaphore, #tpu.memory_space<semaphore_mem>>
      tpu.enqueue_dma source(%arg3 : memref<125x16xf32, #tpu.memory_space<hbm>>) target(%arg7 : memref<125x16xf32, #tpu.memory_space<vmem>>) target_semaphore(%run_scoped3A : memref<!tpu.dma_semaphore, #tpu.memory_space<semaphore_mem>>)
      tpu.wait_dma2 semaphore(%run_scoped3A : memref<!tpu.dma_semaphore, #tpu.memory_space<semaphore_mem>>) src(%arg3 : memref<125x16xf32, #tpu.memory_space<hbm>>) dst(%arg7 : memref<125x16xf32, #tpu.memory_space<vmem>>)
      tpu.yield
    }) : () -> ()
    %mul3A_5 = arith.constant 40 : i32
    %mul3A_6 = arith.muli %add3A, %mul3A_5 : i32
    "tpu.region"() ({
      %run_scoped3A = tpu.sem_alloc : memref<!tpu.dma_semaphore, #tpu.memory_space<semaphore_mem>>
      %dma_start3A = arith.constant 0 : i32
      %dma_start3A_23 = tpu.memref_slice %arg2[%mul3A_6, %dma_start3A] : memref<1280x125xi32, #tpu.memory_space<hbm>> -> memref<40x125xi32, #tpu.memory_space<hbm>>
      %dma_start3A_24 = arith.constant 0 : i32
      %dma_start3A_25 = tpu.memref_slice %arg2[%mul3A_6, %dma_start3A_24] : memref<1280x125xi32, #tpu.memory_space<hbm>> -> memref<40x125xi32, #tpu.memory_space<hbm>>
      tpu.enqueue_dma source(%dma_start3A_25 : memref<40x125xi32, #tpu.memory_space<hbm>>) target(%arg6 : memref<40x125xi32, #tpu.memory_space<vmem>>) target_semaphore(%run_scoped3A : memref<!tpu.dma_semaphore, #tpu.memory_space<semaphore_mem>>)
      %dma_wait3A = arith.constant 0 : i32
      %dma_wait3A_26 = tpu.memref_slice %arg2[%mul3A_6, %dma_wait3A] : memref<1280x125xi32, #tpu.memory_space<hbm>> -> memref<40x125xi32, #tpu.memory_space<hbm>>
      %dma_wait3A_27 = arith.constant 0 : i32
      %dma_wait3A_28 = tpu.memref_slice %arg2[%mul3A_6, %dma_wait3A_27] : memref<1280x125xi32, #tpu.memory_space<hbm>> -> memref<40x125xi32, #tpu.memory_space<hbm>>
      tpu.wait_dma2 semaphore(%run_scoped3A : memref<!tpu.dma_semaphore, #tpu.memory_space<semaphore_mem>>) src(%dma_wait3A_28 : memref<40x125xi32, #tpu.memory_space<hbm>>) dst(%arg6 : memref<40x125xi32, #tpu.memory_space<vmem>>)
      tpu.yield
    }) : () -> ()
    %barrier3A = arith.constant 0 : index
    tpu.barrier barrier_id(%barrier3A)
    %scan3A = arith.constant 0 : i32
    %scan3A_7 = arith.constant 0 : i32
    %scan3A_8 = arith.constant 40 : i32
    %scan3A_9 = arith.addi %scan3A_7, %scan3A_8 : i32
    %scan3A_10 = arith.constant 1 : i32
    scf.for %scan3A_23 = %scan3A_7 to %scan3A_9 step %scan3A_10  : i32 {
      %dma_start3A = arith.constant 0 : i32
      %dma_start3A_24 = tpu.memref_slice %arg6[%scan3A_23, %dma_start3A] : memref<40x125xi32, #tpu.memory_space<vmem>> -> memref<1x125xi32, #tpu.memory_space<vmem>>
      %dma_start3A_25 = tpu.memref_squeeze %dma_start3A_24 : memref<1x125xi32, #tpu.memory_space<vmem>> -> memref<125xi32, #tpu.memory_space<vmem>>
      %dma_start3A_26 = arith.constant 0 : i32
      %dma_start3A_27 = arith.constant 0 : i32
      %dma_start3A_28 = tpu.memref_slice %arg8[%dma_start3A_26, %dma_start3A_27] : memref<10240x16xf32, #tpu.memory_space<vmem_shared>> -> memref<10240x16xf32, #tpu.memory_space<vmem_shared>>
      tpu.enqueue_indirect_dma source(%arg7 : memref<125x16xf32, #tpu.memory_space<vmem>>) target(%dma_start3A_28 : memref<10240x16xf32, #tpu.memory_space<vmem_shared>>) offsets(%dma_start3A_25 : memref<125xi32, #tpu.memory_space<vmem>>) semaphore(%arg9 : memref<!tpu.dma_semaphore, #tpu.memory_space<semaphore_mem>>) {add = true}
    }
    %scan3A_11 = arith.constant 40 : i32
    %scan3A_12 = arith.constant 0 : i32
    %scan3A_13 = arith.constant 0 : i32
    %scan3A_14 = arith.constant 40 : i32
    %scan3A_15 = arith.addi %scan3A_13, %scan3A_14 : i32
    %scan3A_16 = arith.constant 1 : i32
    scf.for %scan3A_23 = %scan3A_13 to %scan3A_15 step %scan3A_16  : i32 {
      %dma_wait3A = arith.constant 0 : i32
      %dma_wait3A_24 = tpu.memref_slice %arg6[%scan3A_23, %dma_wait3A] : memref<40x125xi32, #tpu.memory_space<vmem>> -> memref<1x125xi32, #tpu.memory_space<vmem>>
      %dma_wait3A_25 = tpu.memref_squeeze %dma_wait3A_24 : memref<1x125xi32, #tpu.memory_space<vmem>> -> memref<125xi32, #tpu.memory_space<vmem>>
      %dma_wait3A_26 = arith.constant 0 : i32
      %dma_wait3A_27 = arith.constant 0 : i32
      %dma_wait3A_28 = tpu.memref_slice %arg8[%dma_wait3A_26, %dma_wait3A_27] : memref<10240x16xf32, #tpu.memory_space<vmem_shared>> -> memref<10240x16xf32, #tpu.memory_space<vmem_shared>>
      tpu.wait_indirect_dma semaphore(%arg9 : memref<!tpu.dma_semaphore, #tpu.memory_space<semaphore_mem>>) src(%arg7 : memref<125x16xf32, #tpu.memory_space<vmem>>) dst(%dma_wait3A_28 : memref<10240x16xf32, #tpu.memory_space<vmem_shared>>)
    }
    %scan3A_17 = arith.constant 40 : i32
    %barrier3A_18 = arith.constant 0 : index
    tpu.barrier barrier_id(%barrier3A_18)
    %mul3A_19 = arith.constant 640 : i32
    %mul3A_20 = arith.muli %arg1, %mul3A_19 : i32
    %mul3A_21 = arith.constant 640 : i32
    %mul3A_22 = arith.muli %arg1, %mul3A_21 : i32
    "tpu.region"() ({
      %run_scoped3A = tpu.sem_alloc : memref<!tpu.dma_semaphore, #tpu.memory_space<semaphore_mem>>
      %dma_start3A = arith.constant 0 : i32
      %dma_start3A_23 = arith.constant 0 : i32
      %dma_start3A_24 = tpu.memref_slice %arg5[%arg0, %dma_start3A, %dma_start3A_23] : memref<2x10240x128xf32, #tpu.memory_space<hbm>> -> memref<1x10240x128xf32, #tpu.memory_space<hbm>>
      %dma_start3A_25 = tpu.memref_squeeze %dma_start3A_24 : memref<1x10240x128xf32, #tpu.memory_space<hbm>> -> memref<10240x128xf32, #tpu.memory_space<hbm>>
      %dma_start3A_26 = arith.constant 0 : i32
      %dma_start3A_27 = tpu.memref_slice %dma_start3A_25[%mul3A_22, %dma_start3A_26] : memref<10240x128xf32, #tpu.memory_space<hbm>> -> memref<640x16xf32, #tpu.memory_space<hbm>>
      %dma_start3A_28 = arith.constant 0 : i32
      %dma_start3A_29 = tpu.memref_slice %arg8[%mul3A_20, %dma_start3A_28] : memref<10240x16xf32, #tpu.memory_space<vmem_shared>> -> memref<640x16xf32, #tpu.memory_space<vmem_shared>>
      tpu.enqueue_dma source(%dma_start3A_29 : memref<640x16xf32, #tpu.memory_space<vmem_shared>>) target(%dma_start3A_27 : memref<640x16xf32, #tpu.memory_space<hbm>>) target_semaphore(%run_scoped3A : memref<!tpu.dma_semaphore, #tpu.memory_space<semaphore_mem>>)
      %dma_wait3A = arith.constant 0 : i32
      %dma_wait3A_30 = arith.constant 0 : i32
      %dma_wait3A_31 = tpu.memref_slice %arg5[%arg0, %dma_wait3A, %dma_wait3A_30] : memref<2x10240x128xf32, #tpu.memory_space<hbm>> -> memref<1x10240x128xf32, #tpu.memory_space<hbm>>
      %dma_wait3A_32 = tpu.memref_squeeze %dma_wait3A_31 : memref<1x10240x128xf32, #tpu.memory_space<hbm>> -> memref<10240x128xf32, #tpu.memory_space<hbm>>
      %dma_wait3A_33 = arith.constant 0 : i32
      %dma_wait3A_34 = tpu.memref_slice %dma_wait3A_32[%mul3A_22, %dma_wait3A_33] : memref<10240x128xf32, #tpu.memory_space<hbm>> -> memref<640x16xf32, #tpu.memory_space<hbm>>
      %dma_wait3A_35 = arith.constant 0 : i32
      %dma_wait3A_36 = tpu.memref_slice %arg8[%mul3A_20, %dma_wait3A_35] : memref<10240x16xf32, #tpu.memory_space<vmem_shared>> -> memref<640x16xf32, #tpu.memory_space<vmem_shared>>
      tpu.wait_dma2 semaphore(%run_scoped3A : memref<!tpu.dma_semaphore, #tpu.memory_space<semaphore_mem>>) src(%dma_wait3A_36 : memref<640x16xf32, #tpu.memory_space<vmem_shared>>) dst(%dma_wait3A_34 : memref<640x16xf32, #tpu.memory_space<hbm>>)
      tpu.yield
    }) : () -> ()
    return
  }
}

#map = affine_map<(d0, d1) -> (0, 0)>
#map1 = affine_map<(d0, d1) -> (0, 0, 0)>
module attributes {stable_mosaic.version = 14 : i64} {
  func.func @agg(%arg0: i32, %arg1: i32, %arg2: memref<20000x64xf32, #tpu.memory_space<hbm>>, %arg3: memref<1280x125xi32, #tpu.memory_space<hbm>>, %arg4: memref<1280x125xi32, #tpu.memory_space<hbm>>, %arg5: memref<10240x64xf32, #tpu.memory_space<hbm>>, %arg6: memref<2x10240x128xf32, #tpu.memory_space<hbm>>, %arg7: memref<40x125xi32, #tpu.memory_space<vmem>>, %arg8: memref<40x125xi32, #tpu.memory_space<vmem>>, %arg9: memref<125x64xf32, #tpu.memory_space<vmem>>, %arg10: memref<125x64xf32, #tpu.memory_space<vmem>>, %arg11: memref<125x64xf32, #tpu.memory_space<vmem>>, %arg12: memref<125x64xf32, #tpu.memory_space<vmem>>, %arg13: memref<125x64xf32, #tpu.memory_space<vmem>>, %arg14: memref<125x64xf32, #tpu.memory_space<vmem>>, %arg15: memref<125x64xf32, #tpu.memory_space<vmem>>, %arg16: memref<125x64xf32, #tpu.memory_space<vmem>>, %arg17: memref<!tpu.dma_semaphore, #tpu.memory_space<semaphore_mem>>, %arg18: memref<!tpu.dma_semaphore, #tpu.memory_space<semaphore_mem>>, %arg19: memref<!tpu.dma_semaphore, #tpu.memory_space<semaphore_mem>>, %arg20: memref<!tpu.dma_semaphore, #tpu.memory_space<semaphore_mem>>, %arg21: memref<!tpu.dma_semaphore, #tpu.memory_space<semaphore_mem>>, %arg22: memref<!tpu.dma_semaphore, #tpu.memory_space<semaphore_mem>>, %arg23: memref<!tpu.dma_semaphore, #tpu.memory_space<semaphore_mem>>, %arg24: memref<!tpu.dma_semaphore, #tpu.memory_space<semaphore_mem>>, %arg25: memref<!tpu.dma_semaphore, #tpu.memory_space<semaphore_mem>>, %arg26: memref<!tpu.dma_semaphore, #tpu.memory_space<semaphore_mem>>, %arg27: memref<!tpu.dma_semaphore, #tpu.memory_space<semaphore_mem>>, %arg28: memref<!tpu.dma_semaphore, #tpu.memory_space<semaphore_mem>>, %arg29: memref<!tpu.dma_semaphore, #tpu.memory_space<semaphore_mem>>, %arg30: memref<!tpu.dma_semaphore, #tpu.memory_space<semaphore_mem>>, %arg31: memref<!tpu.dma_semaphore, #tpu.memory_space<semaphore_mem>>, %arg32: memref<!tpu.dma_semaphore, #tpu.memory_space<semaphore_mem>>, %arg33: memref<10240x64xf32, #tpu.memory_space<vmem_shared>>) attributes {dimension_semantics = [#tpu.dimension_semantics<core_parallel>, #tpu.dimension_semantics<subcore_parallel>], iteration_bounds = array<i64: 2, 16>, scalar_prefetch = 0 : i64, scratch_operands = 27 : i64, tpu.core_type = #tpu.core_type<sc_vector_subcore>, window_params = [{transform_indices = #map}, {transform_indices = #map}, {transform_indices = #map}, {transform_indices = #map}, {transform_indices = #map1}]} {
    %mul3A = arith.constant 2 : i32
    %mul3A_0 = arith.muli %arg1, %mul3A : i32
    %add3A = arith.addi %mul3A_0, %arg0 : i32
    %mul3A_1 = arith.constant 640 : i32
    %mul3A_2 = arith.muli %arg1, %mul3A_1 : i32
    %mul3A_3 = arith.constant 640 : i32
    %mul3A_4 = arith.muli %arg1, %mul3A_3 : i32
    "tpu.region"() ({
      %run_scoped3A = tpu.sem_alloc : memref<!tpu.dma_semaphore, #tpu.memory_space<semaphore_mem>>
      %dma_start3A_74 = arith.constant 0 : i32
      %dma_start3A_75 = tpu.memref_slice %arg33[%mul3A_4, %dma_start3A_74] : memref<10240x64xf32, #tpu.memory_space<vmem_shared>> -> memref<640x64xf32, #tpu.memory_space<vmem_shared>>
      %dma_start3A_76 = arith.constant 0 : i32
      %dma_start3A_77 = tpu.memref_slice %arg5[%mul3A_2, %dma_start3A_76] : memref<10240x64xf32, #tpu.memory_space<hbm>> -> memref<640x64xf32, #tpu.memory_space<hbm>>
      tpu.enqueue_dma source(%dma_start3A_77 : memref<640x64xf32, #tpu.memory_space<hbm>>) target(%dma_start3A_75 : memref<640x64xf32, #tpu.memory_space<vmem_shared>>) target_semaphore(%run_scoped3A : memref<!tpu.dma_semaphore, #tpu.memory_space<semaphore_mem>>)
      %dma_wait3A = arith.constant 0 : i32
      %dma_wait3A_78 = tpu.memref_slice %arg33[%mul3A_4, %dma_wait3A] : memref<10240x64xf32, #tpu.memory_space<vmem_shared>> -> memref<640x64xf32, #tpu.memory_space<vmem_shared>>
      %dma_wait3A_79 = arith.constant 0 : i32
      %dma_wait3A_80 = tpu.memref_slice %arg5[%mul3A_2, %dma_wait3A_79] : memref<10240x64xf32, #tpu.memory_space<hbm>> -> memref<640x64xf32, #tpu.memory_space<hbm>>
      tpu.wait_dma2 semaphore(%run_scoped3A : memref<!tpu.dma_semaphore, #tpu.memory_space<semaphore_mem>>) src(%dma_wait3A_80 : memref<640x64xf32, #tpu.memory_space<hbm>>) dst(%dma_wait3A_78 : memref<640x64xf32, #tpu.memory_space<vmem_shared>>)
      tpu.yield
    }) : () -> ()
    %mul3A_5 = arith.constant 40 : i32
    %mul3A_6 = arith.muli %add3A, %mul3A_5 : i32
    "tpu.region"() ({
      %run_scoped3A = tpu.sem_alloc : memref<!tpu.dma_semaphore, #tpu.memory_space<semaphore_mem>>
      %dma_start3A_74 = arith.constant 0 : i32
      %dma_start3A_75 = tpu.memref_slice %arg3[%mul3A_6, %dma_start3A_74] : memref<1280x125xi32, #tpu.memory_space<hbm>> -> memref<40x125xi32, #tpu.memory_space<hbm>>
      %dma_start3A_76 = arith.constant 0 : i32
      %dma_start3A_77 = tpu.memref_slice %arg3[%mul3A_6, %dma_start3A_76] : memref<1280x125xi32, #tpu.memory_space<hbm>> -> memref<40x125xi32, #tpu.memory_space<hbm>>
      tpu.enqueue_dma source(%dma_start3A_77 : memref<40x125xi32, #tpu.memory_space<hbm>>) target(%arg7 : memref<40x125xi32, #tpu.memory_space<vmem>>) target_semaphore(%run_scoped3A : memref<!tpu.dma_semaphore, #tpu.memory_space<semaphore_mem>>)
      %dma_wait3A = arith.constant 0 : i32
      %dma_wait3A_78 = tpu.memref_slice %arg3[%mul3A_6, %dma_wait3A] : memref<1280x125xi32, #tpu.memory_space<hbm>> -> memref<40x125xi32, #tpu.memory_space<hbm>>
      %dma_wait3A_79 = arith.constant 0 : i32
      %dma_wait3A_80 = tpu.memref_slice %arg3[%mul3A_6, %dma_wait3A_79] : memref<1280x125xi32, #tpu.memory_space<hbm>> -> memref<40x125xi32, #tpu.memory_space<hbm>>
      tpu.wait_dma2 semaphore(%run_scoped3A : memref<!tpu.dma_semaphore, #tpu.memory_space<semaphore_mem>>) src(%dma_wait3A_80 : memref<40x125xi32, #tpu.memory_space<hbm>>) dst(%arg7 : memref<40x125xi32, #tpu.memory_space<vmem>>)
      tpu.yield
    }) : () -> ()
    %mul3A_7 = arith.constant 40 : i32
    %mul3A_8 = arith.muli %add3A, %mul3A_7 : i32
    "tpu.region"() ({
      %run_scoped3A = tpu.sem_alloc : memref<!tpu.dma_semaphore, #tpu.memory_space<semaphore_mem>>
      %dma_start3A_74 = arith.constant 0 : i32
      %dma_start3A_75 = tpu.memref_slice %arg4[%mul3A_8, %dma_start3A_74] : memref<1280x125xi32, #tpu.memory_space<hbm>> -> memref<40x125xi32, #tpu.memory_space<hbm>>
      %dma_start3A_76 = arith.constant 0 : i32
      %dma_start3A_77 = tpu.memref_slice %arg4[%mul3A_8, %dma_start3A_76] : memref<1280x125xi32, #tpu.memory_space<hbm>> -> memref<40x125xi32, #tpu.memory_space<hbm>>
      tpu.enqueue_dma source(%dma_start3A_77 : memref<40x125xi32, #tpu.memory_space<hbm>>) target(%arg8 : memref<40x125xi32, #tpu.memory_space<vmem>>) target_semaphore(%run_scoped3A : memref<!tpu.dma_semaphore, #tpu.memory_space<semaphore_mem>>)
      %dma_wait3A = arith.constant 0 : i32
      %dma_wait3A_78 = tpu.memref_slice %arg4[%mul3A_8, %dma_wait3A] : memref<1280x125xi32, #tpu.memory_space<hbm>> -> memref<40x125xi32, #tpu.memory_space<hbm>>
      %dma_wait3A_79 = arith.constant 0 : i32
      %dma_wait3A_80 = tpu.memref_slice %arg4[%mul3A_8, %dma_wait3A_79] : memref<1280x125xi32, #tpu.memory_space<hbm>> -> memref<40x125xi32, #tpu.memory_space<hbm>>
      tpu.wait_dma2 semaphore(%run_scoped3A : memref<!tpu.dma_semaphore, #tpu.memory_space<semaphore_mem>>) src(%dma_wait3A_80 : memref<40x125xi32, #tpu.memory_space<hbm>>) dst(%arg8 : memref<40x125xi32, #tpu.memory_space<vmem>>)
      tpu.yield
    }) : () -> ()
    %barrier3A = arith.constant 0 : index
    tpu.barrier barrier_id(%barrier3A)
    %dma_start3A = arith.constant 0 : i32
    %dma_start3A_9 = arith.constant 0 : i32
    %dma_start3A_10 = tpu.memref_slice %arg7[%dma_start3A, %dma_start3A_9] : memref<40x125xi32, #tpu.memory_space<vmem>> -> memref<1x125xi32, #tpu.memory_space<vmem>>
    %dma_start3A_11 = tpu.memref_squeeze %dma_start3A_10 : memref<1x125xi32, #tpu.memory_space<vmem>> -> memref<125xi32, #tpu.memory_space<vmem>>
    %dma_start3A_12 = arith.constant 0 : i32
    %dma_start3A_13 = arith.constant 0 : i32
    %dma_start3A_14 = tpu.memref_slice %arg2[%dma_start3A_12, %dma_start3A_13] : memref<20000x64xf32, #tpu.memory_space<hbm>> -> memref<20000x64xf32, #tpu.memory_space<hbm>>
    tpu.enqueue_indirect_dma source(%dma_start3A_14 : memref<20000x64xf32, #tpu.memory_space<hbm>>) target(%arg9 : memref<125x64xf32, #tpu.memory_space<vmem>>) offsets(%dma_start3A_11 : memref<125xi32, #tpu.memory_space<vmem>>) semaphore(%arg17 : memref<!tpu.dma_semaphore, #tpu.memory_space<semaphore_mem>>)
    %dma_start3A_15 = arith.constant 1 : i32
    %dma_start3A_16 = arith.constant 0 : i32
    %dma_start3A_17 = tpu.memref_slice %arg7[%dma_start3A_15, %dma_start3A_16] : memref<40x125xi32, #tpu.memory_space<vmem>> -> memref<1x125xi32, #tpu.memory_space<vmem>>
    %dma_start3A_18 = tpu.memref_squeeze %dma_start3A_17 : memref<1x125xi32, #tpu.memory_space<vmem>> -> memref<125xi32, #tpu.memory_space<vmem>>
    %dma_start3A_19 = arith.constant 0 : i32
    %dma_start3A_20 = arith.constant 0 : i32
    %dma_start3A_21 = tpu.memref_slice %arg2[%dma_start3A_19, %dma_start3A_20] : memref<20000x64xf32, #tpu.memory_space<hbm>> -> memref<20000x64xf32, #tpu.memory_space<hbm>>
    tpu.enqueue_indirect_dma source(%dma_start3A_21 : memref<20000x64xf32, #tpu.memory_space<hbm>>) target(%arg10 : memref<125x64xf32, #tpu.memory_space<vmem>>) offsets(%dma_start3A_18 : memref<125xi32, #tpu.memory_space<vmem>>) semaphore(%arg18 : memref<!tpu.dma_semaphore, #tpu.memory_space<semaphore_mem>>)
    %dma_start3A_22 = arith.constant 2 : i32
    %dma_start3A_23 = arith.constant 0 : i32
    %dma_start3A_24 = tpu.memref_slice %arg7[%dma_start3A_22, %dma_start3A_23] : memref<40x125xi32, #tpu.memory_space<vmem>> -> memref<1x125xi32, #tpu.memory_space<vmem>>
    %dma_start3A_25 = tpu.memref_squeeze %dma_start3A_24 : memref<1x125xi32, #tpu.memory_space<vmem>> -> memref<125xi32, #tpu.memory_space<vmem>>
    %dma_start3A_26 = arith.constant 0 : i32
    %dma_start3A_27 = arith.constant 0 : i32
    %dma_start3A_28 = tpu.memref_slice %arg2[%dma_start3A_26, %dma_start3A_27] : memref<20000x64xf32, #tpu.memory_space<hbm>> -> memref<20000x64xf32, #tpu.memory_space<hbm>>
    tpu.enqueue_indirect_dma source(%dma_start3A_28 : memref<20000x64xf32, #tpu.memory_space<hbm>>) target(%arg11 : memref<125x64xf32, #tpu.memory_space<vmem>>) offsets(%dma_start3A_25 : memref<125xi32, #tpu.memory_space<vmem>>) semaphore(%arg19 : memref<!tpu.dma_semaphore, #tpu.memory_space<semaphore_mem>>)
    %dma_start3A_29 = arith.constant 3 : i32
    %dma_start3A_30 = arith.constant 0 : i32
    %dma_start3A_31 = tpu.memref_slice %arg7[%dma_start3A_29, %dma_start3A_30] : memref<40x125xi32, #tpu.memory_space<vmem>> -> memref<1x125xi32, #tpu.memory_space<vmem>>
    %dma_start3A_32 = tpu.memref_squeeze %dma_start3A_31 : memref<1x125xi32, #tpu.memory_space<vmem>> -> memref<125xi32, #tpu.memory_space<vmem>>
    %dma_start3A_33 = arith.constant 0 : i32
    %dma_start3A_34 = arith.constant 0 : i32
    %dma_start3A_35 = tpu.memref_slice %arg2[%dma_start3A_33, %dma_start3A_34] : memref<20000x64xf32, #tpu.memory_space<hbm>> -> memref<20000x64xf32, #tpu.memory_space<hbm>>
    tpu.enqueue_indirect_dma source(%dma_start3A_35 : memref<20000x64xf32, #tpu.memory_space<hbm>>) target(%arg12 : memref<125x64xf32, #tpu.memory_space<vmem>>) offsets(%dma_start3A_32 : memref<125xi32, #tpu.memory_space<vmem>>) semaphore(%arg20 : memref<!tpu.dma_semaphore, #tpu.memory_space<semaphore_mem>>)
    %dma_start3A_36 = arith.constant 4 : i32
    %dma_start3A_37 = arith.constant 0 : i32
    %dma_start3A_38 = tpu.memref_slice %arg7[%dma_start3A_36, %dma_start3A_37] : memref<40x125xi32, #tpu.memory_space<vmem>> -> memref<1x125xi32, #tpu.memory_space<vmem>>
    %dma_start3A_39 = tpu.memref_squeeze %dma_start3A_38 : memref<1x125xi32, #tpu.memory_space<vmem>> -> memref<125xi32, #tpu.memory_space<vmem>>
    %dma_start3A_40 = arith.constant 0 : i32
    %dma_start3A_41 = arith.constant 0 : i32
    %dma_start3A_42 = tpu.memref_slice %arg2[%dma_start3A_40, %dma_start3A_41] : memref<20000x64xf32, #tpu.memory_space<hbm>> -> memref<20000x64xf32, #tpu.memory_space<hbm>>
    tpu.enqueue_indirect_dma source(%dma_start3A_42 : memref<20000x64xf32, #tpu.memory_space<hbm>>) target(%arg13 : memref<125x64xf32, #tpu.memory_space<vmem>>) offsets(%dma_start3A_39 : memref<125xi32, #tpu.memory_space<vmem>>) semaphore(%arg21 : memref<!tpu.dma_semaphore, #tpu.memory_space<semaphore_mem>>)
    %dma_start3A_43 = arith.constant 5 : i32
    %dma_start3A_44 = arith.constant 0 : i32
    %dma_start3A_45 = tpu.memref_slice %arg7[%dma_start3A_43, %dma_start3A_44] : memref<40x125xi32, #tpu.memory_space<vmem>> -> memref<1x125xi32, #tpu.memory_space<vmem>>
    %dma_start3A_46 = tpu.memref_squeeze %dma_start3A_45 : memref<1x125xi32, #tpu.memory_space<vmem>> -> memref<125xi32, #tpu.memory_space<vmem>>
    %dma_start3A_47 = arith.constant 0 : i32
    %dma_start3A_48 = arith.constant 0 : i32
    %dma_start3A_49 = tpu.memref_slice %arg2[%dma_start3A_47, %dma_start3A_48] : memref<20000x64xf32, #tpu.memory_space<hbm>> -> memref<20000x64xf32, #tpu.memory_space<hbm>>
    tpu.enqueue_indirect_dma source(%dma_start3A_49 : memref<20000x64xf32, #tpu.memory_space<hbm>>) target(%arg14 : memref<125x64xf32, #tpu.memory_space<vmem>>) offsets(%dma_start3A_46 : memref<125xi32, #tpu.memory_space<vmem>>) semaphore(%arg22 : memref<!tpu.dma_semaphore, #tpu.memory_space<semaphore_mem>>)
    %dma_start3A_50 = arith.constant 6 : i32
    %dma_start3A_51 = arith.constant 0 : i32
    %dma_start3A_52 = tpu.memref_slice %arg7[%dma_start3A_50, %dma_start3A_51] : memref<40x125xi32, #tpu.memory_space<vmem>> -> memref<1x125xi32, #tpu.memory_space<vmem>>
    %dma_start3A_53 = tpu.memref_squeeze %dma_start3A_52 : memref<1x125xi32, #tpu.memory_space<vmem>> -> memref<125xi32, #tpu.memory_space<vmem>>
    %dma_start3A_54 = arith.constant 0 : i32
    %dma_start3A_55 = arith.constant 0 : i32
    %dma_start3A_56 = tpu.memref_slice %arg2[%dma_start3A_54, %dma_start3A_55] : memref<20000x64xf32, #tpu.memory_space<hbm>> -> memref<20000x64xf32, #tpu.memory_space<hbm>>
    tpu.enqueue_indirect_dma source(%dma_start3A_56 : memref<20000x64xf32, #tpu.memory_space<hbm>>) target(%arg15 : memref<125x64xf32, #tpu.memory_space<vmem>>) offsets(%dma_start3A_53 : memref<125xi32, #tpu.memory_space<vmem>>) semaphore(%arg23 : memref<!tpu.dma_semaphore, #tpu.memory_space<semaphore_mem>>)
    %dma_start3A_57 = arith.constant 7 : i32
    %dma_start3A_58 = arith.constant 0 : i32
    %dma_start3A_59 = tpu.memref_slice %arg7[%dma_start3A_57, %dma_start3A_58] : memref<40x125xi32, #tpu.memory_space<vmem>> -> memref<1x125xi32, #tpu.memory_space<vmem>>
    %dma_start3A_60 = tpu.memref_squeeze %dma_start3A_59 : memref<1x125xi32, #tpu.memory_space<vmem>> -> memref<125xi32, #tpu.memory_space<vmem>>
    %dma_start3A_61 = arith.constant 0 : i32
    %dma_start3A_62 = arith.constant 0 : i32
    %dma_start3A_63 = tpu.memref_slice %arg2[%dma_start3A_61, %dma_start3A_62] : memref<20000x64xf32, #tpu.memory_space<hbm>> -> memref<20000x64xf32, #tpu.memory_space<hbm>>
    tpu.enqueue_indirect_dma source(%dma_start3A_63 : memref<20000x64xf32, #tpu.memory_space<hbm>>) target(%arg16 : memref<125x64xf32, #tpu.memory_space<vmem>>) offsets(%dma_start3A_60 : memref<125xi32, #tpu.memory_space<vmem>>) semaphore(%arg24 : memref<!tpu.dma_semaphore, #tpu.memory_space<semaphore_mem>>)
    %scan3A = arith.constant 0 : i32
    %scan3A_64 = arith.constant 0 : i32
    %scan3A_65 = arith.constant 5 : i32
    %scan3A_66 = arith.addi %scan3A_64, %scan3A_65 : i32
    %scan3A_67 = arith.constant 1 : i32
    scf.for %scan3A_74 = %scan3A_64 to %scan3A_66 step %scan3A_67  : i32 {
      %mul3A_75 = arith.constant 8 : i32
      %mul3A_76 = arith.muli %scan3A_74, %mul3A_75 : i32
      %add3A_77 = arith.constant 0 : i32
      %add3A_78 = arith.addi %mul3A_76, %add3A_77 : i32
      %dma_wait3A = arith.constant 0 : i32
      %dma_wait3A_79 = tpu.memref_slice %arg7[%add3A_78, %dma_wait3A] : memref<40x125xi32, #tpu.memory_space<vmem>> -> memref<1x125xi32, #tpu.memory_space<vmem>>
      %dma_wait3A_80 = tpu.memref_squeeze %dma_wait3A_79 : memref<1x125xi32, #tpu.memory_space<vmem>> -> memref<125xi32, #tpu.memory_space<vmem>>
      %dma_wait3A_81 = arith.constant 0 : i32
      %dma_wait3A_82 = arith.constant 0 : i32
      %dma_wait3A_83 = tpu.memref_slice %arg2[%dma_wait3A_81, %dma_wait3A_82] : memref<20000x64xf32, #tpu.memory_space<hbm>> -> memref<20000x64xf32, #tpu.memory_space<hbm>>
      tpu.wait_indirect_dma semaphore(%arg17 : memref<!tpu.dma_semaphore, #tpu.memory_space<semaphore_mem>>) src(%dma_wait3A_83 : memref<20000x64xf32, #tpu.memory_space<hbm>>) dst(%arg9 : memref<125x64xf32, #tpu.memory_space<vmem>>)
      %dma_start3A_84 = arith.constant 0 : i32
      %dma_start3A_85 = tpu.memref_slice %arg8[%add3A_78, %dma_start3A_84] : memref<40x125xi32, #tpu.memory_space<vmem>> -> memref<1x125xi32, #tpu.memory_space<vmem>>
      %dma_start3A_86 = tpu.memref_squeeze %dma_start3A_85 : memref<1x125xi32, #tpu.memory_space<vmem>> -> memref<125xi32, #tpu.memory_space<vmem>>
      %dma_start3A_87 = arith.constant 0 : i32
      %dma_start3A_88 = arith.constant 0 : i32
      %dma_start3A_89 = tpu.memref_slice %arg33[%dma_start3A_87, %dma_start3A_88] : memref<10240x64xf32, #tpu.memory_space<vmem_shared>> -> memref<10240x64xf32, #tpu.memory_space<vmem_shared>>
      tpu.enqueue_indirect_dma source(%arg9 : memref<125x64xf32, #tpu.memory_space<vmem>>) target(%dma_start3A_89 : memref<10240x64xf32, #tpu.memory_space<vmem_shared>>) offsets(%dma_start3A_86 : memref<125xi32, #tpu.memory_space<vmem>>) semaphore(%arg25 : memref<!tpu.dma_semaphore, #tpu.memory_space<semaphore_mem>>) {add = true}
      %mul3A_90 = arith.constant 8 : i32
      %mul3A_91 = arith.muli %scan3A_74, %mul3A_90 : i32
      %add3A_92 = arith.constant 1 : i32
      %add3A_93 = arith.addi %mul3A_91, %add3A_92 : i32
      %dma_wait3A_94 = arith.constant 0 : i32
      %dma_wait3A_95 = tpu.memref_slice %arg7[%add3A_93, %dma_wait3A_94] : memref<40x125xi32, #tpu.memory_space<vmem>> -> memref<1x125xi32, #tpu.memory_space<vmem>>
      %dma_wait3A_96 = tpu.memref_squeeze %dma_wait3A_95 : memref<1x125xi32, #tpu.memory_space<vmem>> -> memref<125xi32, #tpu.memory_space<vmem>>
      %dma_wait3A_97 = arith.constant 0 : i32
      %dma_wait3A_98 = arith.constant 0 : i32
      %dma_wait3A_99 = tpu.memref_slice %arg2[%dma_wait3A_97, %dma_wait3A_98] : memref<20000x64xf32, #tpu.memory_space<hbm>> -> memref<20000x64xf32, #tpu.memory_space<hbm>>
      tpu.wait_indirect_dma semaphore(%arg18 : memref<!tpu.dma_semaphore, #tpu.memory_space<semaphore_mem>>) src(%dma_wait3A_99 : memref<20000x64xf32, #tpu.memory_space<hbm>>) dst(%arg10 : memref<125x64xf32, #tpu.memory_space<vmem>>)
      %dma_start3A_100 = arith.constant 0 : i32
      %dma_start3A_101 = tpu.memref_slice %arg8[%add3A_93, %dma_start3A_100] : memref<40x125xi32, #tpu.memory_space<vmem>> -> memref<1x125xi32, #tpu.memory_space<vmem>>
      %dma_start3A_102 = tpu.memref_squeeze %dma_start3A_101 : memref<1x125xi32, #tpu.memory_space<vmem>> -> memref<125xi32, #tpu.memory_space<vmem>>
      %dma_start3A_103 = arith.constant 0 : i32
      %dma_start3A_104 = arith.constant 0 : i32
      %dma_start3A_105 = tpu.memref_slice %arg33[%dma_start3A_103, %dma_start3A_104] : memref<10240x64xf32, #tpu.memory_space<vmem_shared>> -> memref<10240x64xf32, #tpu.memory_space<vmem_shared>>
      tpu.enqueue_indirect_dma source(%arg10 : memref<125x64xf32, #tpu.memory_space<vmem>>) target(%dma_start3A_105 : memref<10240x64xf32, #tpu.memory_space<vmem_shared>>) offsets(%dma_start3A_102 : memref<125xi32, #tpu.memory_space<vmem>>) semaphore(%arg26 : memref<!tpu.dma_semaphore, #tpu.memory_space<semaphore_mem>>) {add = true}
      %mul3A_106 = arith.constant 8 : i32
      %mul3A_107 = arith.muli %scan3A_74, %mul3A_106 : i32
      %add3A_108 = arith.constant 2 : i32
      %add3A_109 = arith.addi %mul3A_107, %add3A_108 : i32
      %dma_wait3A_110 = arith.constant 0 : i32
      %dma_wait3A_111 = tpu.memref_slice %arg7[%add3A_109, %dma_wait3A_110] : memref<40x125xi32, #tpu.memory_space<vmem>> -> memref<1x125xi32, #tpu.memory_space<vmem>>
      %dma_wait3A_112 = tpu.memref_squeeze %dma_wait3A_111 : memref<1x125xi32, #tpu.memory_space<vmem>> -> memref<125xi32, #tpu.memory_space<vmem>>
      %dma_wait3A_113 = arith.constant 0 : i32
      %dma_wait3A_114 = arith.constant 0 : i32
      %dma_wait3A_115 = tpu.memref_slice %arg2[%dma_wait3A_113, %dma_wait3A_114] : memref<20000x64xf32, #tpu.memory_space<hbm>> -> memref<20000x64xf32, #tpu.memory_space<hbm>>
      tpu.wait_indirect_dma semaphore(%arg19 : memref<!tpu.dma_semaphore, #tpu.memory_space<semaphore_mem>>) src(%dma_wait3A_115 : memref<20000x64xf32, #tpu.memory_space<hbm>>) dst(%arg11 : memref<125x64xf32, #tpu.memory_space<vmem>>)
      %dma_start3A_116 = arith.constant 0 : i32
      %dma_start3A_117 = tpu.memref_slice %arg8[%add3A_109, %dma_start3A_116] : memref<40x125xi32, #tpu.memory_space<vmem>> -> memref<1x125xi32, #tpu.memory_space<vmem>>
      %dma_start3A_118 = tpu.memref_squeeze %dma_start3A_117 : memref<1x125xi32, #tpu.memory_space<vmem>> -> memref<125xi32, #tpu.memory_space<vmem>>
      %dma_start3A_119 = arith.constant 0 : i32
      %dma_start3A_120 = arith.constant 0 : i32
      %dma_start3A_121 = tpu.memref_slice %arg33[%dma_start3A_119, %dma_start3A_120] : memref<10240x64xf32, #tpu.memory_space<vmem_shared>> -> memref<10240x64xf32, #tpu.memory_space<vmem_shared>>
      tpu.enqueue_indirect_dma source(%arg11 : memref<125x64xf32, #tpu.memory_space<vmem>>) target(%dma_start3A_121 : memref<10240x64xf32, #tpu.memory_space<vmem_shared>>) offsets(%dma_start3A_118 : memref<125xi32, #tpu.memory_space<vmem>>) semaphore(%arg27 : memref<!tpu.dma_semaphore, #tpu.memory_space<semaphore_mem>>) {add = true}
      %mul3A_122 = arith.constant 8 : i32
      %mul3A_123 = arith.muli %scan3A_74, %mul3A_122 : i32
      %add3A_124 = arith.constant 3 : i32
      %add3A_125 = arith.addi %mul3A_123, %add3A_124 : i32
      %dma_wait3A_126 = arith.constant 0 : i32
      %dma_wait3A_127 = tpu.memref_slice %arg7[%add3A_125, %dma_wait3A_126] : memref<40x125xi32, #tpu.memory_space<vmem>> -> memref<1x125xi32, #tpu.memory_space<vmem>>
      %dma_wait3A_128 = tpu.memref_squeeze %dma_wait3A_127 : memref<1x125xi32, #tpu.memory_space<vmem>> -> memref<125xi32, #tpu.memory_space<vmem>>
      %dma_wait3A_129 = arith.constant 0 : i32
      %dma_wait3A_130 = arith.constant 0 : i32
      %dma_wait3A_131 = tpu.memref_slice %arg2[%dma_wait3A_129, %dma_wait3A_130] : memref<20000x64xf32, #tpu.memory_space<hbm>> -> memref<20000x64xf32, #tpu.memory_space<hbm>>
      tpu.wait_indirect_dma semaphore(%arg20 : memref<!tpu.dma_semaphore, #tpu.memory_space<semaphore_mem>>) src(%dma_wait3A_131 : memref<20000x64xf32, #tpu.memory_space<hbm>>) dst(%arg12 : memref<125x64xf32, #tpu.memory_space<vmem>>)
      %dma_start3A_132 = arith.constant 0 : i32
      %dma_start3A_133 = tpu.memref_slice %arg8[%add3A_125, %dma_start3A_132] : memref<40x125xi32, #tpu.memory_space<vmem>> -> memref<1x125xi32, #tpu.memory_space<vmem>>
      %dma_start3A_134 = tpu.memref_squeeze %dma_start3A_133 : memref<1x125xi32, #tpu.memory_space<vmem>> -> memref<125xi32, #tpu.memory_space<vmem>>
      %dma_start3A_135 = arith.constant 0 : i32
      %dma_start3A_136 = arith.constant 0 : i32
      %dma_start3A_137 = tpu.memref_slice %arg33[%dma_start3A_135, %dma_start3A_136] : memref<10240x64xf32, #tpu.memory_space<vmem_shared>> -> memref<10240x64xf32, #tpu.memory_space<vmem_shared>>
      tpu.enqueue_indirect_dma source(%arg12 : memref<125x64xf32, #tpu.memory_space<vmem>>) target(%dma_start3A_137 : memref<10240x64xf32, #tpu.memory_space<vmem_shared>>) offsets(%dma_start3A_134 : memref<125xi32, #tpu.memory_space<vmem>>) semaphore(%arg28 : memref<!tpu.dma_semaphore, #tpu.memory_space<semaphore_mem>>) {add = true}
      %mul3A_138 = arith.constant 8 : i32
      %mul3A_139 = arith.muli %scan3A_74, %mul3A_138 : i32
      %add3A_140 = arith.constant 4 : i32
      %add3A_141 = arith.addi %mul3A_139, %add3A_140 : i32
      %dma_wait3A_142 = arith.constant 0 : i32
      %dma_wait3A_143 = tpu.memref_slice %arg7[%add3A_141, %dma_wait3A_142] : memref<40x125xi32, #tpu.memory_space<vmem>> -> memref<1x125xi32, #tpu.memory_space<vmem>>
      %dma_wait3A_144 = tpu.memref_squeeze %dma_wait3A_143 : memref<1x125xi32, #tpu.memory_space<vmem>> -> memref<125xi32, #tpu.memory_space<vmem>>
      %dma_wait3A_145 = arith.constant 0 : i32
      %dma_wait3A_146 = arith.constant 0 : i32
      %dma_wait3A_147 = tpu.memref_slice %arg2[%dma_wait3A_145, %dma_wait3A_146] : memref<20000x64xf32, #tpu.memory_space<hbm>> -> memref<20000x64xf32, #tpu.memory_space<hbm>>
      tpu.wait_indirect_dma semaphore(%arg21 : memref<!tpu.dma_semaphore, #tpu.memory_space<semaphore_mem>>) src(%dma_wait3A_147 : memref<20000x64xf32, #tpu.memory_space<hbm>>) dst(%arg13 : memref<125x64xf32, #tpu.memory_space<vmem>>)
      %dma_start3A_148 = arith.constant 0 : i32
      %dma_start3A_149 = tpu.memref_slice %arg8[%add3A_141, %dma_start3A_148] : memref<40x125xi32, #tpu.memory_space<vmem>> -> memref<1x125xi32, #tpu.memory_space<vmem>>
      %dma_start3A_150 = tpu.memref_squeeze %dma_start3A_149 : memref<1x125xi32, #tpu.memory_space<vmem>> -> memref<125xi32, #tpu.memory_space<vmem>>
      %dma_start3A_151 = arith.constant 0 : i32
      %dma_start3A_152 = arith.constant 0 : i32
      %dma_start3A_153 = tpu.memref_slice %arg33[%dma_start3A_151, %dma_start3A_152] : memref<10240x64xf32, #tpu.memory_space<vmem_shared>> -> memref<10240x64xf32, #tpu.memory_space<vmem_shared>>
      tpu.enqueue_indirect_dma source(%arg13 : memref<125x64xf32, #tpu.memory_space<vmem>>) target(%dma_start3A_153 : memref<10240x64xf32, #tpu.memory_space<vmem_shared>>) offsets(%dma_start3A_150 : memref<125xi32, #tpu.memory_space<vmem>>) semaphore(%arg29 : memref<!tpu.dma_semaphore, #tpu.memory_space<semaphore_mem>>) {add = true}
      %mul3A_154 = arith.constant 8 : i32
      %mul3A_155 = arith.muli %scan3A_74, %mul3A_154 : i32
      %add3A_156 = arith.constant 5 : i32
      %add3A_157 = arith.addi %mul3A_155, %add3A_156 : i32
      %dma_wait3A_158 = arith.constant 0 : i32
      %dma_wait3A_159 = tpu.memref_slice %arg7[%add3A_157, %dma_wait3A_158] : memref<40x125xi32, #tpu.memory_space<vmem>> -> memref<1x125xi32, #tpu.memory_space<vmem>>
      %dma_wait3A_160 = tpu.memref_squeeze %dma_wait3A_159 : memref<1x125xi32, #tpu.memory_space<vmem>> -> memref<125xi32, #tpu.memory_space<vmem>>
      %dma_wait3A_161 = arith.constant 0 : i32
      %dma_wait3A_162 = arith.constant 0 : i32
      %dma_wait3A_163 = tpu.memref_slice %arg2[%dma_wait3A_161, %dma_wait3A_162] : memref<20000x64xf32, #tpu.memory_space<hbm>> -> memref<20000x64xf32, #tpu.memory_space<hbm>>
      tpu.wait_indirect_dma semaphore(%arg22 : memref<!tpu.dma_semaphore, #tpu.memory_space<semaphore_mem>>) src(%dma_wait3A_163 : memref<20000x64xf32, #tpu.memory_space<hbm>>) dst(%arg14 : memref<125x64xf32, #tpu.memory_space<vmem>>)
      %dma_start3A_164 = arith.constant 0 : i32
      %dma_start3A_165 = tpu.memref_slice %arg8[%add3A_157, %dma_start3A_164] : memref<40x125xi32, #tpu.memory_space<vmem>> -> memref<1x125xi32, #tpu.memory_space<vmem>>
      %dma_start3A_166 = tpu.memref_squeeze %dma_start3A_165 : memref<1x125xi32, #tpu.memory_space<vmem>> -> memref<125xi32, #tpu.memory_space<vmem>>
      %dma_start3A_167 = arith.constant 0 : i32
      %dma_start3A_168 = arith.constant 0 : i32
      %dma_start3A_169 = tpu.memref_slice %arg33[%dma_start3A_167, %dma_start3A_168] : memref<10240x64xf32, #tpu.memory_space<vmem_shared>> -> memref<10240x64xf32, #tpu.memory_space<vmem_shared>>
      tpu.enqueue_indirect_dma source(%arg14 : memref<125x64xf32, #tpu.memory_space<vmem>>) target(%dma_start3A_169 : memref<10240x64xf32, #tpu.memory_space<vmem_shared>>) offsets(%dma_start3A_166 : memref<125xi32, #tpu.memory_space<vmem>>) semaphore(%arg30 : memref<!tpu.dma_semaphore, #tpu.memory_space<semaphore_mem>>) {add = true}
      %mul3A_170 = arith.constant 8 : i32
      %mul3A_171 = arith.muli %scan3A_74, %mul3A_170 : i32
      %add3A_172 = arith.constant 6 : i32
      %add3A_173 = arith.addi %mul3A_171, %add3A_172 : i32
      %dma_wait3A_174 = arith.constant 0 : i32
      %dma_wait3A_175 = tpu.memref_slice %arg7[%add3A_173, %dma_wait3A_174] : memref<40x125xi32, #tpu.memory_space<vmem>> -> memref<1x125xi32, #tpu.memory_space<vmem>>
      %dma_wait3A_176 = tpu.memref_squeeze %dma_wait3A_175 : memref<1x125xi32, #tpu.memory_space<vmem>> -> memref<125xi32, #tpu.memory_space<vmem>>
      %dma_wait3A_177 = arith.constant 0 : i32
      %dma_wait3A_178 = arith.constant 0 : i32
      %dma_wait3A_179 = tpu.memref_slice %arg2[%dma_wait3A_177, %dma_wait3A_178] : memref<20000x64xf32, #tpu.memory_space<hbm>> -> memref<20000x64xf32, #tpu.memory_space<hbm>>
      tpu.wait_indirect_dma semaphore(%arg23 : memref<!tpu.dma_semaphore, #tpu.memory_space<semaphore_mem>>) src(%dma_wait3A_179 : memref<20000x64xf32, #tpu.memory_space<hbm>>) dst(%arg15 : memref<125x64xf32, #tpu.memory_space<vmem>>)
      %dma_start3A_180 = arith.constant 0 : i32
      %dma_start3A_181 = tpu.memref_slice %arg8[%add3A_173, %dma_start3A_180] : memref<40x125xi32, #tpu.memory_space<vmem>> -> memref<1x125xi32, #tpu.memory_space<vmem>>
      %dma_start3A_182 = tpu.memref_squeeze %dma_start3A_181 : memref<1x125xi32, #tpu.memory_space<vmem>> -> memref<125xi32, #tpu.memory_space<vmem>>
      %dma_start3A_183 = arith.constant 0 : i32
      %dma_start3A_184 = arith.constant 0 : i32
      %dma_start3A_185 = tpu.memref_slice %arg33[%dma_start3A_183, %dma_start3A_184] : memref<10240x64xf32, #tpu.memory_space<vmem_shared>> -> memref<10240x64xf32, #tpu.memory_space<vmem_shared>>
      tpu.enqueue_indirect_dma source(%arg15 : memref<125x64xf32, #tpu.memory_space<vmem>>) target(%dma_start3A_185 : memref<10240x64xf32, #tpu.memory_space<vmem_shared>>) offsets(%dma_start3A_182 : memref<125xi32, #tpu.memory_space<vmem>>) semaphore(%arg31 : memref<!tpu.dma_semaphore, #tpu.memory_space<semaphore_mem>>) {add = true}
      %mul3A_186 = arith.constant 8 : i32
      %mul3A_187 = arith.muli %scan3A_74, %mul3A_186 : i32
      %add3A_188 = arith.constant 7 : i32
      %add3A_189 = arith.addi %mul3A_187, %add3A_188 : i32
      %dma_wait3A_190 = arith.constant 0 : i32
      %dma_wait3A_191 = tpu.memref_slice %arg7[%add3A_189, %dma_wait3A_190] : memref<40x125xi32, #tpu.memory_space<vmem>> -> memref<1x125xi32, #tpu.memory_space<vmem>>
      %dma_wait3A_192 = tpu.memref_squeeze %dma_wait3A_191 : memref<1x125xi32, #tpu.memory_space<vmem>> -> memref<125xi32, #tpu.memory_space<vmem>>
      %dma_wait3A_193 = arith.constant 0 : i32
      %dma_wait3A_194 = arith.constant 0 : i32
      %dma_wait3A_195 = tpu.memref_slice %arg2[%dma_wait3A_193, %dma_wait3A_194] : memref<20000x64xf32, #tpu.memory_space<hbm>> -> memref<20000x64xf32, #tpu.memory_space<hbm>>
      tpu.wait_indirect_dma semaphore(%arg24 : memref<!tpu.dma_semaphore, #tpu.memory_space<semaphore_mem>>) src(%dma_wait3A_195 : memref<20000x64xf32, #tpu.memory_space<hbm>>) dst(%arg16 : memref<125x64xf32, #tpu.memory_space<vmem>>)
      %dma_start3A_196 = arith.constant 0 : i32
      %dma_start3A_197 = tpu.memref_slice %arg8[%add3A_189, %dma_start3A_196] : memref<40x125xi32, #tpu.memory_space<vmem>> -> memref<1x125xi32, #tpu.memory_space<vmem>>
      %dma_start3A_198 = tpu.memref_squeeze %dma_start3A_197 : memref<1x125xi32, #tpu.memory_space<vmem>> -> memref<125xi32, #tpu.memory_space<vmem>>
      %dma_start3A_199 = arith.constant 0 : i32
      %dma_start3A_200 = arith.constant 0 : i32
      %dma_start3A_201 = tpu.memref_slice %arg33[%dma_start3A_199, %dma_start3A_200] : memref<10240x64xf32, #tpu.memory_space<vmem_shared>> -> memref<10240x64xf32, #tpu.memory_space<vmem_shared>>
      tpu.enqueue_indirect_dma source(%arg16 : memref<125x64xf32, #tpu.memory_space<vmem>>) target(%dma_start3A_201 : memref<10240x64xf32, #tpu.memory_space<vmem_shared>>) offsets(%dma_start3A_198 : memref<125xi32, #tpu.memory_space<vmem>>) semaphore(%arg32 : memref<!tpu.dma_semaphore, #tpu.memory_space<semaphore_mem>>) {add = true}
      %mul3A_202 = arith.constant 8 : i32
      %mul3A_203 = arith.muli %scan3A_74, %mul3A_202 : i32
      %add3A_204 = arith.constant 0 : i32
      %add3A_205 = arith.addi %mul3A_203, %add3A_204 : i32
      %dma_wait3A_206 = arith.constant 0 : i32
      %dma_wait3A_207 = tpu.memref_slice %arg8[%add3A_205, %dma_wait3A_206] : memref<40x125xi32, #tpu.memory_space<vmem>> -> memref<1x125xi32, #tpu.memory_space<vmem>>
      %dma_wait3A_208 = tpu.memref_squeeze %dma_wait3A_207 : memref<1x125xi32, #tpu.memory_space<vmem>> -> memref<125xi32, #tpu.memory_space<vmem>>
      %dma_wait3A_209 = arith.constant 0 : i32
      %dma_wait3A_210 = arith.constant 0 : i32
      %dma_wait3A_211 = tpu.memref_slice %arg33[%dma_wait3A_209, %dma_wait3A_210] : memref<10240x64xf32, #tpu.memory_space<vmem_shared>> -> memref<10240x64xf32, #tpu.memory_space<vmem_shared>>
      tpu.wait_indirect_dma semaphore(%arg25 : memref<!tpu.dma_semaphore, #tpu.memory_space<semaphore_mem>>) src(%arg9 : memref<125x64xf32, #tpu.memory_space<vmem>>) dst(%dma_wait3A_211 : memref<10240x64xf32, #tpu.memory_space<vmem_shared>>)
      %add3A_212 = arith.constant 1 : i32
      %add3A_213 = arith.addi %scan3A_74, %add3A_212 : i32
      %lt3A = arith.constant 5 : i32
      %lt3A_214 = arith.cmpi slt, %add3A_213, %lt3A : i32
      %convert_element_type3A = arith.extui %lt3A_214 : i1 to i32
      %cond3A = arith.constant 0 : i32
      %cond3A_215 = arith.cmpi ne, %convert_element_type3A, %cond3A : i32
      scf.if %cond3A_215 {
        %add3A_335 = arith.constant 8 : i32
        %add3A_336 = arith.addi %add3A_205, %add3A_335 : i32
        %dma_start3A_337 = arith.constant 0 : i32
        %dma_start3A_338 = tpu.memref_slice %arg7[%add3A_336, %dma_start3A_337] : memref<40x125xi32, #tpu.memory_space<vmem>> -> memref<1x125xi32, #tpu.memory_space<vmem>>
        %dma_start3A_339 = tpu.memref_squeeze %dma_start3A_338 : memref<1x125xi32, #tpu.memory_space<vmem>> -> memref<125xi32, #tpu.memory_space<vmem>>
        %dma_start3A_340 = arith.constant 0 : i32
        %dma_start3A_341 = arith.constant 0 : i32
        %dma_start3A_342 = tpu.memref_slice %arg2[%dma_start3A_340, %dma_start3A_341] : memref<20000x64xf32, #tpu.memory_space<hbm>> -> memref<20000x64xf32, #tpu.memory_space<hbm>>
        tpu.enqueue_indirect_dma source(%dma_start3A_342 : memref<20000x64xf32, #tpu.memory_space<hbm>>) target(%arg9 : memref<125x64xf32, #tpu.memory_space<vmem>>) offsets(%dma_start3A_339 : memref<125xi32, #tpu.memory_space<vmem>>) semaphore(%arg17 : memref<!tpu.dma_semaphore, #tpu.memory_space<semaphore_mem>>)
      } else {
      }
      %mul3A_216 = arith.constant 8 : i32
      %mul3A_217 = arith.muli %scan3A_74, %mul3A_216 : i32
      %add3A_218 = arith.constant 1 : i32
      %add3A_219 = arith.addi %mul3A_217, %add3A_218 : i32
      %dma_wait3A_220 = arith.constant 0 : i32
      %dma_wait3A_221 = tpu.memref_slice %arg8[%add3A_219, %dma_wait3A_220] : memref<40x125xi32, #tpu.memory_space<vmem>> -> memref<1x125xi32, #tpu.memory_space<vmem>>
      %dma_wait3A_222 = tpu.memref_squeeze %dma_wait3A_221 : memref<1x125xi32, #tpu.memory_space<vmem>> -> memref<125xi32, #tpu.memory_space<vmem>>
      %dma_wait3A_223 = arith.constant 0 : i32
      %dma_wait3A_224 = arith.constant 0 : i32
      %dma_wait3A_225 = tpu.memref_slice %arg33[%dma_wait3A_223, %dma_wait3A_224] : memref<10240x64xf32, #tpu.memory_space<vmem_shared>> -> memref<10240x64xf32, #tpu.memory_space<vmem_shared>>
      tpu.wait_indirect_dma semaphore(%arg26 : memref<!tpu.dma_semaphore, #tpu.memory_space<semaphore_mem>>) src(%arg10 : memref<125x64xf32, #tpu.memory_space<vmem>>) dst(%dma_wait3A_225 : memref<10240x64xf32, #tpu.memory_space<vmem_shared>>)
      %add3A_226 = arith.constant 1 : i32
      %add3A_227 = arith.addi %scan3A_74, %add3A_226 : i32
      %lt3A_228 = arith.constant 5 : i32
      %lt3A_229 = arith.cmpi slt, %add3A_227, %lt3A_228 : i32
      %convert_element_type3A_230 = arith.extui %lt3A_229 : i1 to i32
      %cond3A_231 = arith.constant 0 : i32
      %cond3A_232 = arith.cmpi ne, %convert_element_type3A_230, %cond3A_231 : i32
      scf.if %cond3A_232 {
        %add3A_335 = arith.constant 8 : i32
        %add3A_336 = arith.addi %add3A_219, %add3A_335 : i32
        %dma_start3A_337 = arith.constant 0 : i32
        %dma_start3A_338 = tpu.memref_slice %arg7[%add3A_336, %dma_start3A_337] : memref<40x125xi32, #tpu.memory_space<vmem>> -> memref<1x125xi32, #tpu.memory_space<vmem>>
        %dma_start3A_339 = tpu.memref_squeeze %dma_start3A_338 : memref<1x125xi32, #tpu.memory_space<vmem>> -> memref<125xi32, #tpu.memory_space<vmem>>
        %dma_start3A_340 = arith.constant 0 : i32
        %dma_start3A_341 = arith.constant 0 : i32
        %dma_start3A_342 = tpu.memref_slice %arg2[%dma_start3A_340, %dma_start3A_341] : memref<20000x64xf32, #tpu.memory_space<hbm>> -> memref<20000x64xf32, #tpu.memory_space<hbm>>
        tpu.enqueue_indirect_dma source(%dma_start3A_342 : memref<20000x64xf32, #tpu.memory_space<hbm>>) target(%arg10 : memref<125x64xf32, #tpu.memory_space<vmem>>) offsets(%dma_start3A_339 : memref<125xi32, #tpu.memory_space<vmem>>) semaphore(%arg18 : memref<!tpu.dma_semaphore, #tpu.memory_space<semaphore_mem>>)
      } else {
      }
      %mul3A_233 = arith.constant 8 : i32
      %mul3A_234 = arith.muli %scan3A_74, %mul3A_233 : i32
      %add3A_235 = arith.constant 2 : i32
      %add3A_236 = arith.addi %mul3A_234, %add3A_235 : i32
      %dma_wait3A_237 = arith.constant 0 : i32
      %dma_wait3A_238 = tpu.memref_slice %arg8[%add3A_236, %dma_wait3A_237] : memref<40x125xi32, #tpu.memory_space<vmem>> -> memref<1x125xi32, #tpu.memory_space<vmem>>
      %dma_wait3A_239 = tpu.memref_squeeze %dma_wait3A_238 : memref<1x125xi32, #tpu.memory_space<vmem>> -> memref<125xi32, #tpu.memory_space<vmem>>
      %dma_wait3A_240 = arith.constant 0 : i32
      %dma_wait3A_241 = arith.constant 0 : i32
      %dma_wait3A_242 = tpu.memref_slice %arg33[%dma_wait3A_240, %dma_wait3A_241] : memref<10240x64xf32, #tpu.memory_space<vmem_shared>> -> memref<10240x64xf32, #tpu.memory_space<vmem_shared>>
      tpu.wait_indirect_dma semaphore(%arg27 : memref<!tpu.dma_semaphore, #tpu.memory_space<semaphore_mem>>) src(%arg11 : memref<125x64xf32, #tpu.memory_space<vmem>>) dst(%dma_wait3A_242 : memref<10240x64xf32, #tpu.memory_space<vmem_shared>>)
      %add3A_243 = arith.constant 1 : i32
      %add3A_244 = arith.addi %scan3A_74, %add3A_243 : i32
      %lt3A_245 = arith.constant 5 : i32
      %lt3A_246 = arith.cmpi slt, %add3A_244, %lt3A_245 : i32
      %convert_element_type3A_247 = arith.extui %lt3A_246 : i1 to i32
      %cond3A_248 = arith.constant 0 : i32
      %cond3A_249 = arith.cmpi ne, %convert_element_type3A_247, %cond3A_248 : i32
      scf.if %cond3A_249 {
        %add3A_335 = arith.constant 8 : i32
        %add3A_336 = arith.addi %add3A_236, %add3A_335 : i32
        %dma_start3A_337 = arith.constant 0 : i32
        %dma_start3A_338 = tpu.memref_slice %arg7[%add3A_336, %dma_start3A_337] : memref<40x125xi32, #tpu.memory_space<vmem>> -> memref<1x125xi32, #tpu.memory_space<vmem>>
        %dma_start3A_339 = tpu.memref_squeeze %dma_start3A_338 : memref<1x125xi32, #tpu.memory_space<vmem>> -> memref<125xi32, #tpu.memory_space<vmem>>
        %dma_start3A_340 = arith.constant 0 : i32
        %dma_start3A_341 = arith.constant 0 : i32
        %dma_start3A_342 = tpu.memref_slice %arg2[%dma_start3A_340, %dma_start3A_341] : memref<20000x64xf32, #tpu.memory_space<hbm>> -> memref<20000x64xf32, #tpu.memory_space<hbm>>
        tpu.enqueue_indirect_dma source(%dma_start3A_342 : memref<20000x64xf32, #tpu.memory_space<hbm>>) target(%arg11 : memref<125x64xf32, #tpu.memory_space<vmem>>) offsets(%dma_start3A_339 : memref<125xi32, #tpu.memory_space<vmem>>) semaphore(%arg19 : memref<!tpu.dma_semaphore, #tpu.memory_space<semaphore_mem>>)
      } else {
      }
      %mul3A_250 = arith.constant 8 : i32
      %mul3A_251 = arith.muli %scan3A_74, %mul3A_250 : i32
      %add3A_252 = arith.constant 3 : i32
      %add3A_253 = arith.addi %mul3A_251, %add3A_252 : i32
      %dma_wait3A_254 = arith.constant 0 : i32
      %dma_wait3A_255 = tpu.memref_slice %arg8[%add3A_253, %dma_wait3A_254] : memref<40x125xi32, #tpu.memory_space<vmem>> -> memref<1x125xi32, #tpu.memory_space<vmem>>
      %dma_wait3A_256 = tpu.memref_squeeze %dma_wait3A_255 : memref<1x125xi32, #tpu.memory_space<vmem>> -> memref<125xi32, #tpu.memory_space<vmem>>
      %dma_wait3A_257 = arith.constant 0 : i32
      %dma_wait3A_258 = arith.constant 0 : i32
      %dma_wait3A_259 = tpu.memref_slice %arg33[%dma_wait3A_257, %dma_wait3A_258] : memref<10240x64xf32, #tpu.memory_space<vmem_shared>> -> memref<10240x64xf32, #tpu.memory_space<vmem_shared>>
      tpu.wait_indirect_dma semaphore(%arg28 : memref<!tpu.dma_semaphore, #tpu.memory_space<semaphore_mem>>) src(%arg12 : memref<125x64xf32, #tpu.memory_space<vmem>>) dst(%dma_wait3A_259 : memref<10240x64xf32, #tpu.memory_space<vmem_shared>>)
      %add3A_260 = arith.constant 1 : i32
      %add3A_261 = arith.addi %scan3A_74, %add3A_260 : i32
      %lt3A_262 = arith.constant 5 : i32
      %lt3A_263 = arith.cmpi slt, %add3A_261, %lt3A_262 : i32
      %convert_element_type3A_264 = arith.extui %lt3A_263 : i1 to i32
      %cond3A_265 = arith.constant 0 : i32
      %cond3A_266 = arith.cmpi ne, %convert_element_type3A_264, %cond3A_265 : i32
      scf.if %cond3A_266 {
        %add3A_335 = arith.constant 8 : i32
        %add3A_336 = arith.addi %add3A_253, %add3A_335 : i32
        %dma_start3A_337 = arith.constant 0 : i32
        %dma_start3A_338 = tpu.memref_slice %arg7[%add3A_336, %dma_start3A_337] : memref<40x125xi32, #tpu.memory_space<vmem>> -> memref<1x125xi32, #tpu.memory_space<vmem>>
        %dma_start3A_339 = tpu.memref_squeeze %dma_start3A_338 : memref<1x125xi32, #tpu.memory_space<vmem>> -> memref<125xi32, #tpu.memory_space<vmem>>
        %dma_start3A_340 = arith.constant 0 : i32
        %dma_start3A_341 = arith.constant 0 : i32
        %dma_start3A_342 = tpu.memref_slice %arg2[%dma_start3A_340, %dma_start3A_341] : memref<20000x64xf32, #tpu.memory_space<hbm>> -> memref<20000x64xf32, #tpu.memory_space<hbm>>
        tpu.enqueue_indirect_dma source(%dma_start3A_342 : memref<20000x64xf32, #tpu.memory_space<hbm>>) target(%arg12 : memref<125x64xf32, #tpu.memory_space<vmem>>) offsets(%dma_start3A_339 : memref<125xi32, #tpu.memory_space<vmem>>) semaphore(%arg20 : memref<!tpu.dma_semaphore, #tpu.memory_space<semaphore_mem>>)
      } else {
      }
      %mul3A_267 = arith.constant 8 : i32
      %mul3A_268 = arith.muli %scan3A_74, %mul3A_267 : i32
      %add3A_269 = arith.constant 4 : i32
      %add3A_270 = arith.addi %mul3A_268, %add3A_269 : i32
      %dma_wait3A_271 = arith.constant 0 : i32
      %dma_wait3A_272 = tpu.memref_slice %arg8[%add3A_270, %dma_wait3A_271] : memref<40x125xi32, #tpu.memory_space<vmem>> -> memref<1x125xi32, #tpu.memory_space<vmem>>
      %dma_wait3A_273 = tpu.memref_squeeze %dma_wait3A_272 : memref<1x125xi32, #tpu.memory_space<vmem>> -> memref<125xi32, #tpu.memory_space<vmem>>
      %dma_wait3A_274 = arith.constant 0 : i32
      %dma_wait3A_275 = arith.constant 0 : i32
      %dma_wait3A_276 = tpu.memref_slice %arg33[%dma_wait3A_274, %dma_wait3A_275] : memref<10240x64xf32, #tpu.memory_space<vmem_shared>> -> memref<10240x64xf32, #tpu.memory_space<vmem_shared>>
      tpu.wait_indirect_dma semaphore(%arg29 : memref<!tpu.dma_semaphore, #tpu.memory_space<semaphore_mem>>) src(%arg13 : memref<125x64xf32, #tpu.memory_space<vmem>>) dst(%dma_wait3A_276 : memref<10240x64xf32, #tpu.memory_space<vmem_shared>>)
      %add3A_277 = arith.constant 1 : i32
      %add3A_278 = arith.addi %scan3A_74, %add3A_277 : i32
      %lt3A_279 = arith.constant 5 : i32
      %lt3A_280 = arith.cmpi slt, %add3A_278, %lt3A_279 : i32
      %convert_element_type3A_281 = arith.extui %lt3A_280 : i1 to i32
      %cond3A_282 = arith.constant 0 : i32
      %cond3A_283 = arith.cmpi ne, %convert_element_type3A_281, %cond3A_282 : i32
      scf.if %cond3A_283 {
        %add3A_335 = arith.constant 8 : i32
        %add3A_336 = arith.addi %add3A_270, %add3A_335 : i32
        %dma_start3A_337 = arith.constant 0 : i32
        %dma_start3A_338 = tpu.memref_slice %arg7[%add3A_336, %dma_start3A_337] : memref<40x125xi32, #tpu.memory_space<vmem>> -> memref<1x125xi32, #tpu.memory_space<vmem>>
        %dma_start3A_339 = tpu.memref_squeeze %dma_start3A_338 : memref<1x125xi32, #tpu.memory_space<vmem>> -> memref<125xi32, #tpu.memory_space<vmem>>
        %dma_start3A_340 = arith.constant 0 : i32
        %dma_start3A_341 = arith.constant 0 : i32
        %dma_start3A_342 = tpu.memref_slice %arg2[%dma_start3A_340, %dma_start3A_341] : memref<20000x64xf32, #tpu.memory_space<hbm>> -> memref<20000x64xf32, #tpu.memory_space<hbm>>
        tpu.enqueue_indirect_dma source(%dma_start3A_342 : memref<20000x64xf32, #tpu.memory_space<hbm>>) target(%arg13 : memref<125x64xf32, #tpu.memory_space<vmem>>) offsets(%dma_start3A_339 : memref<125xi32, #tpu.memory_space<vmem>>) semaphore(%arg21 : memref<!tpu.dma_semaphore, #tpu.memory_space<semaphore_mem>>)
      } else {
      }
      %mul3A_284 = arith.constant 8 : i32
      %mul3A_285 = arith.muli %scan3A_74, %mul3A_284 : i32
      %add3A_286 = arith.constant 5 : i32
      %add3A_287 = arith.addi %mul3A_285, %add3A_286 : i32
      %dma_wait3A_288 = arith.constant 0 : i32
      %dma_wait3A_289 = tpu.memref_slice %arg8[%add3A_287, %dma_wait3A_288] : memref<40x125xi32, #tpu.memory_space<vmem>> -> memref<1x125xi32, #tpu.memory_space<vmem>>
      %dma_wait3A_290 = tpu.memref_squeeze %dma_wait3A_289 : memref<1x125xi32, #tpu.memory_space<vmem>> -> memref<125xi32, #tpu.memory_space<vmem>>
      %dma_wait3A_291 = arith.constant 0 : i32
      %dma_wait3A_292 = arith.constant 0 : i32
      %dma_wait3A_293 = tpu.memref_slice %arg33[%dma_wait3A_291, %dma_wait3A_292] : memref<10240x64xf32, #tpu.memory_space<vmem_shared>> -> memref<10240x64xf32, #tpu.memory_space<vmem_shared>>
      tpu.wait_indirect_dma semaphore(%arg30 : memref<!tpu.dma_semaphore, #tpu.memory_space<semaphore_mem>>) src(%arg14 : memref<125x64xf32, #tpu.memory_space<vmem>>) dst(%dma_wait3A_293 : memref<10240x64xf32, #tpu.memory_space<vmem_shared>>)
      %add3A_294 = arith.constant 1 : i32
      %add3A_295 = arith.addi %scan3A_74, %add3A_294 : i32
      %lt3A_296 = arith.constant 5 : i32
      %lt3A_297 = arith.cmpi slt, %add3A_295, %lt3A_296 : i32
      %convert_element_type3A_298 = arith.extui %lt3A_297 : i1 to i32
      %cond3A_299 = arith.constant 0 : i32
      %cond3A_300 = arith.cmpi ne, %convert_element_type3A_298, %cond3A_299 : i32
      scf.if %cond3A_300 {
        %add3A_335 = arith.constant 8 : i32
        %add3A_336 = arith.addi %add3A_287, %add3A_335 : i32
        %dma_start3A_337 = arith.constant 0 : i32
        %dma_start3A_338 = tpu.memref_slice %arg7[%add3A_336, %dma_start3A_337] : memref<40x125xi32, #tpu.memory_space<vmem>> -> memref<1x125xi32, #tpu.memory_space<vmem>>
        %dma_start3A_339 = tpu.memref_squeeze %dma_start3A_338 : memref<1x125xi32, #tpu.memory_space<vmem>> -> memref<125xi32, #tpu.memory_space<vmem>>
        %dma_start3A_340 = arith.constant 0 : i32
        %dma_start3A_341 = arith.constant 0 : i32
        %dma_start3A_342 = tpu.memref_slice %arg2[%dma_start3A_340, %dma_start3A_341] : memref<20000x64xf32, #tpu.memory_space<hbm>> -> memref<20000x64xf32, #tpu.memory_space<hbm>>
        tpu.enqueue_indirect_dma source(%dma_start3A_342 : memref<20000x64xf32, #tpu.memory_space<hbm>>) target(%arg14 : memref<125x64xf32, #tpu.memory_space<vmem>>) offsets(%dma_start3A_339 : memref<125xi32, #tpu.memory_space<vmem>>) semaphore(%arg22 : memref<!tpu.dma_semaphore, #tpu.memory_space<semaphore_mem>>)
      } else {
      }
      %mul3A_301 = arith.constant 8 : i32
      %mul3A_302 = arith.muli %scan3A_74, %mul3A_301 : i32
      %add3A_303 = arith.constant 6 : i32
      %add3A_304 = arith.addi %mul3A_302, %add3A_303 : i32
      %dma_wait3A_305 = arith.constant 0 : i32
      %dma_wait3A_306 = tpu.memref_slice %arg8[%add3A_304, %dma_wait3A_305] : memref<40x125xi32, #tpu.memory_space<vmem>> -> memref<1x125xi32, #tpu.memory_space<vmem>>
      %dma_wait3A_307 = tpu.memref_squeeze %dma_wait3A_306 : memref<1x125xi32, #tpu.memory_space<vmem>> -> memref<125xi32, #tpu.memory_space<vmem>>
      %dma_wait3A_308 = arith.constant 0 : i32
      %dma_wait3A_309 = arith.constant 0 : i32
      %dma_wait3A_310 = tpu.memref_slice %arg33[%dma_wait3A_308, %dma_wait3A_309] : memref<10240x64xf32, #tpu.memory_space<vmem_shared>> -> memref<10240x64xf32, #tpu.memory_space<vmem_shared>>
      tpu.wait_indirect_dma semaphore(%arg31 : memref<!tpu.dma_semaphore, #tpu.memory_space<semaphore_mem>>) src(%arg15 : memref<125x64xf32, #tpu.memory_space<vmem>>) dst(%dma_wait3A_310 : memref<10240x64xf32, #tpu.memory_space<vmem_shared>>)
      %add3A_311 = arith.constant 1 : i32
      %add3A_312 = arith.addi %scan3A_74, %add3A_311 : i32
      %lt3A_313 = arith.constant 5 : i32
      %lt3A_314 = arith.cmpi slt, %add3A_312, %lt3A_313 : i32
      %convert_element_type3A_315 = arith.extui %lt3A_314 : i1 to i32
      %cond3A_316 = arith.constant 0 : i32
      %cond3A_317 = arith.cmpi ne, %convert_element_type3A_315, %cond3A_316 : i32
      scf.if %cond3A_317 {
        %add3A_335 = arith.constant 8 : i32
        %add3A_336 = arith.addi %add3A_304, %add3A_335 : i32
        %dma_start3A_337 = arith.constant 0 : i32
        %dma_start3A_338 = tpu.memref_slice %arg7[%add3A_336, %dma_start3A_337] : memref<40x125xi32, #tpu.memory_space<vmem>> -> memref<1x125xi32, #tpu.memory_space<vmem>>
        %dma_start3A_339 = tpu.memref_squeeze %dma_start3A_338 : memref<1x125xi32, #tpu.memory_space<vmem>> -> memref<125xi32, #tpu.memory_space<vmem>>
        %dma_start3A_340 = arith.constant 0 : i32
        %dma_start3A_341 = arith.constant 0 : i32
        %dma_start3A_342 = tpu.memref_slice %arg2[%dma_start3A_340, %dma_start3A_341] : memref<20000x64xf32, #tpu.memory_space<hbm>> -> memref<20000x64xf32, #tpu.memory_space<hbm>>
        tpu.enqueue_indirect_dma source(%dma_start3A_342 : memref<20000x64xf32, #tpu.memory_space<hbm>>) target(%arg15 : memref<125x64xf32, #tpu.memory_space<vmem>>) offsets(%dma_start3A_339 : memref<125xi32, #tpu.memory_space<vmem>>) semaphore(%arg23 : memref<!tpu.dma_semaphore, #tpu.memory_space<semaphore_mem>>)
      } else {
      }
      %mul3A_318 = arith.constant 8 : i32
      %mul3A_319 = arith.muli %scan3A_74, %mul3A_318 : i32
      %add3A_320 = arith.constant 7 : i32
      %add3A_321 = arith.addi %mul3A_319, %add3A_320 : i32
      %dma_wait3A_322 = arith.constant 0 : i32
      %dma_wait3A_323 = tpu.memref_slice %arg8[%add3A_321, %dma_wait3A_322] : memref<40x125xi32, #tpu.memory_space<vmem>> -> memref<1x125xi32, #tpu.memory_space<vmem>>
      %dma_wait3A_324 = tpu.memref_squeeze %dma_wait3A_323 : memref<1x125xi32, #tpu.memory_space<vmem>> -> memref<125xi32, #tpu.memory_space<vmem>>
      %dma_wait3A_325 = arith.constant 0 : i32
      %dma_wait3A_326 = arith.constant 0 : i32
      %dma_wait3A_327 = tpu.memref_slice %arg33[%dma_wait3A_325, %dma_wait3A_326] : memref<10240x64xf32, #tpu.memory_space<vmem_shared>> -> memref<10240x64xf32, #tpu.memory_space<vmem_shared>>
      tpu.wait_indirect_dma semaphore(%arg32 : memref<!tpu.dma_semaphore, #tpu.memory_space<semaphore_mem>>) src(%arg16 : memref<125x64xf32, #tpu.memory_space<vmem>>) dst(%dma_wait3A_327 : memref<10240x64xf32, #tpu.memory_space<vmem_shared>>)
      %add3A_328 = arith.constant 1 : i32
      %add3A_329 = arith.addi %scan3A_74, %add3A_328 : i32
      %lt3A_330 = arith.constant 5 : i32
      %lt3A_331 = arith.cmpi slt, %add3A_329, %lt3A_330 : i32
      %convert_element_type3A_332 = arith.extui %lt3A_331 : i1 to i32
      %cond3A_333 = arith.constant 0 : i32
      %cond3A_334 = arith.cmpi ne, %convert_element_type3A_332, %cond3A_333 : i32
      scf.if %cond3A_334 {
        %add3A_335 = arith.constant 8 : i32
        %add3A_336 = arith.addi %add3A_321, %add3A_335 : i32
        %dma_start3A_337 = arith.constant 0 : i32
        %dma_start3A_338 = tpu.memref_slice %arg7[%add3A_336, %dma_start3A_337] : memref<40x125xi32, #tpu.memory_space<vmem>> -> memref<1x125xi32, #tpu.memory_space<vmem>>
        %dma_start3A_339 = tpu.memref_squeeze %dma_start3A_338 : memref<1x125xi32, #tpu.memory_space<vmem>> -> memref<125xi32, #tpu.memory_space<vmem>>
        %dma_start3A_340 = arith.constant 0 : i32
        %dma_start3A_341 = arith.constant 0 : i32
        %dma_start3A_342 = tpu.memref_slice %arg2[%dma_start3A_340, %dma_start3A_341] : memref<20000x64xf32, #tpu.memory_space<hbm>> -> memref<20000x64xf32, #tpu.memory_space<hbm>>
        tpu.enqueue_indirect_dma source(%dma_start3A_342 : memref<20000x64xf32, #tpu.memory_space<hbm>>) target(%arg16 : memref<125x64xf32, #tpu.memory_space<vmem>>) offsets(%dma_start3A_339 : memref<125xi32, #tpu.memory_space<vmem>>) semaphore(%arg24 : memref<!tpu.dma_semaphore, #tpu.memory_space<semaphore_mem>>)
      } else {
      }
    }
    %scan3A_68 = arith.constant 5 : i32
    %barrier3A_69 = arith.constant 0 : index
    tpu.barrier barrier_id(%barrier3A_69)
    %mul3A_70 = arith.constant 640 : i32
    %mul3A_71 = arith.muli %arg1, %mul3A_70 : i32
    %mul3A_72 = arith.constant 640 : i32
    %mul3A_73 = arith.muli %arg1, %mul3A_72 : i32
    "tpu.region"() ({
      %run_scoped3A = tpu.sem_alloc : memref<!tpu.dma_semaphore, #tpu.memory_space<semaphore_mem>>
      %dma_start3A_74 = arith.constant 0 : i32
      %dma_start3A_75 = arith.constant 0 : i32
      %dma_start3A_76 = tpu.memref_slice %arg6[%arg0, %dma_start3A_74, %dma_start3A_75] : memref<2x10240x128xf32, #tpu.memory_space<hbm>> -> memref<1x10240x128xf32, #tpu.memory_space<hbm>>
      %dma_start3A_77 = tpu.memref_squeeze %dma_start3A_76 : memref<1x10240x128xf32, #tpu.memory_space<hbm>> -> memref<10240x128xf32, #tpu.memory_space<hbm>>
      %dma_start3A_78 = arith.constant 0 : i32
      %dma_start3A_79 = tpu.memref_slice %dma_start3A_77[%mul3A_73, %dma_start3A_78] : memref<10240x128xf32, #tpu.memory_space<hbm>> -> memref<640x64xf32, #tpu.memory_space<hbm>>
      %dma_start3A_80 = arith.constant 0 : i32
      %dma_start3A_81 = tpu.memref_slice %arg33[%mul3A_71, %dma_start3A_80] : memref<10240x64xf32, #tpu.memory_space<vmem_shared>> -> memref<640x64xf32, #tpu.memory_space<vmem_shared>>
      tpu.enqueue_dma source(%dma_start3A_81 : memref<640x64xf32, #tpu.memory_space<vmem_shared>>) target(%dma_start3A_79 : memref<640x64xf32, #tpu.memory_space<hbm>>) target_semaphore(%run_scoped3A : memref<!tpu.dma_semaphore, #tpu.memory_space<semaphore_mem>>)
      %dma_wait3A = arith.constant 0 : i32
      %dma_wait3A_82 = arith.constant 0 : i32
      %dma_wait3A_83 = tpu.memref_slice %arg6[%arg0, %dma_wait3A, %dma_wait3A_82] : memref<2x10240x128xf32, #tpu.memory_space<hbm>> -> memref<1x10240x128xf32, #tpu.memory_space<hbm>>
      %dma_wait3A_84 = tpu.memref_squeeze %dma_wait3A_83 : memref<1x10240x128xf32, #tpu.memory_space<hbm>> -> memref<10240x128xf32, #tpu.memory_space<hbm>>
      %dma_wait3A_85 = arith.constant 0 : i32
      %dma_wait3A_86 = tpu.memref_slice %dma_wait3A_84[%mul3A_73, %dma_wait3A_85] : memref<10240x128xf32, #tpu.memory_space<hbm>> -> memref<640x64xf32, #tpu.memory_space<hbm>>
      %dma_wait3A_87 = arith.constant 0 : i32
      %dma_wait3A_88 = tpu.memref_slice %arg33[%mul3A_71, %dma_wait3A_87] : memref<10240x64xf32, #tpu.memory_space<vmem_shared>> -> memref<640x64xf32, #tpu.memory_space<vmem_shared>>
      tpu.wait_dma2 semaphore(%run_scoped3A : memref<!tpu.dma_semaphore, #tpu.memory_space<semaphore_mem>>) src(%dma_wait3A_88 : memref<640x64xf32, #tpu.memory_space<vmem_shared>>) dst(%dma_wait3A_86 : memref<640x64xf32, #tpu.memory_space<hbm>>)
      tpu.yield
    }) : () -> ()
    return
  }
}

#map = affine_map<(d0, d1) -> (0, 0)>
#map1 = affine_map<(d0, d1) -> (0, 0, 0)>
module attributes {stable_mosaic.version = 14 : i64} {
  func.func @agg(%arg0: i32, %arg1: i32, %arg2: memref<80000x16xf32, #tpu.memory_space<hbm>>, %arg3: memref<1280x125xi32, #tpu.memory_space<hbm>>, %arg4: memref<1280x125xi32, #tpu.memory_space<hbm>>, %arg5: memref<10240x16xf32, #tpu.memory_space<hbm>>, %arg6: memref<2x10240x128xf32, #tpu.memory_space<hbm>>, %arg7: memref<40x125xi32, #tpu.memory_space<vmem>>, %arg8: memref<40x125xi32, #tpu.memory_space<vmem>>, %arg9: memref<125x16xf32, #tpu.memory_space<vmem>>, %arg10: memref<125x16xf32, #tpu.memory_space<vmem>>, %arg11: memref<125x16xf32, #tpu.memory_space<vmem>>, %arg12: memref<125x16xf32, #tpu.memory_space<vmem>>, %arg13: memref<125x16xf32, #tpu.memory_space<vmem>>, %arg14: memref<125x16xf32, #tpu.memory_space<vmem>>, %arg15: memref<125x16xf32, #tpu.memory_space<vmem>>, %arg16: memref<125x16xf32, #tpu.memory_space<vmem>>, %arg17: memref<125x16xf32, #tpu.memory_space<vmem>>, %arg18: memref<125x16xf32, #tpu.memory_space<vmem>>, %arg19: memref<!tpu.dma_semaphore, #tpu.memory_space<semaphore_mem>>, %arg20: memref<!tpu.dma_semaphore, #tpu.memory_space<semaphore_mem>>, %arg21: memref<!tpu.dma_semaphore, #tpu.memory_space<semaphore_mem>>, %arg22: memref<!tpu.dma_semaphore, #tpu.memory_space<semaphore_mem>>, %arg23: memref<!tpu.dma_semaphore, #tpu.memory_space<semaphore_mem>>, %arg24: memref<!tpu.dma_semaphore, #tpu.memory_space<semaphore_mem>>, %arg25: memref<!tpu.dma_semaphore, #tpu.memory_space<semaphore_mem>>, %arg26: memref<!tpu.dma_semaphore, #tpu.memory_space<semaphore_mem>>, %arg27: memref<!tpu.dma_semaphore, #tpu.memory_space<semaphore_mem>>, %arg28: memref<!tpu.dma_semaphore, #tpu.memory_space<semaphore_mem>>, %arg29: memref<!tpu.dma_semaphore, #tpu.memory_space<semaphore_mem>>, %arg30: memref<!tpu.dma_semaphore, #tpu.memory_space<semaphore_mem>>, %arg31: memref<!tpu.dma_semaphore, #tpu.memory_space<semaphore_mem>>, %arg32: memref<!tpu.dma_semaphore, #tpu.memory_space<semaphore_mem>>, %arg33: memref<!tpu.dma_semaphore, #tpu.memory_space<semaphore_mem>>, %arg34: memref<!tpu.dma_semaphore, #tpu.memory_space<semaphore_mem>>, %arg35: memref<!tpu.dma_semaphore, #tpu.memory_space<semaphore_mem>>, %arg36: memref<!tpu.dma_semaphore, #tpu.memory_space<semaphore_mem>>, %arg37: memref<!tpu.dma_semaphore, #tpu.memory_space<semaphore_mem>>, %arg38: memref<!tpu.dma_semaphore, #tpu.memory_space<semaphore_mem>>, %arg39: memref<10240x16xf32, #tpu.memory_space<vmem_shared>>) attributes {dimension_semantics = [#tpu.dimension_semantics<core_parallel>, #tpu.dimension_semantics<subcore_parallel>], iteration_bounds = array<i64: 2, 16>, scalar_prefetch = 0 : i64, scratch_operands = 33 : i64, tpu.core_type = #tpu.core_type<sc_vector_subcore>, window_params = [{transform_indices = #map}, {transform_indices = #map}, {transform_indices = #map}, {transform_indices = #map}, {transform_indices = #map1}]} {
    %mul3A = arith.constant 2 : i32
    %mul3A_0 = arith.muli %arg1, %mul3A : i32
    %add3A = arith.addi %mul3A_0, %arg0 : i32
    %mul3A_1 = arith.constant 640 : i32
    %mul3A_2 = arith.muli %arg1, %mul3A_1 : i32
    %mul3A_3 = arith.constant 640 : i32
    %mul3A_4 = arith.muli %arg1, %mul3A_3 : i32
    "tpu.region"() ({
      %run_scoped3A = tpu.sem_alloc : memref<!tpu.dma_semaphore, #tpu.memory_space<semaphore_mem>>
      %dma_start3A_88 = arith.constant 0 : i32
      %dma_start3A_89 = tpu.memref_slice %arg39[%mul3A_4, %dma_start3A_88] : memref<10240x16xf32, #tpu.memory_space<vmem_shared>> -> memref<640x16xf32, #tpu.memory_space<vmem_shared>>
      %dma_start3A_90 = arith.constant 0 : i32
      %dma_start3A_91 = tpu.memref_slice %arg5[%mul3A_2, %dma_start3A_90] : memref<10240x16xf32, #tpu.memory_space<hbm>> -> memref<640x16xf32, #tpu.memory_space<hbm>>
      tpu.enqueue_dma source(%dma_start3A_91 : memref<640x16xf32, #tpu.memory_space<hbm>>) target(%dma_start3A_89 : memref<640x16xf32, #tpu.memory_space<vmem_shared>>) target_semaphore(%run_scoped3A : memref<!tpu.dma_semaphore, #tpu.memory_space<semaphore_mem>>)
      %dma_wait3A = arith.constant 0 : i32
      %dma_wait3A_92 = tpu.memref_slice %arg39[%mul3A_4, %dma_wait3A] : memref<10240x16xf32, #tpu.memory_space<vmem_shared>> -> memref<640x16xf32, #tpu.memory_space<vmem_shared>>
      %dma_wait3A_93 = arith.constant 0 : i32
      %dma_wait3A_94 = tpu.memref_slice %arg5[%mul3A_2, %dma_wait3A_93] : memref<10240x16xf32, #tpu.memory_space<hbm>> -> memref<640x16xf32, #tpu.memory_space<hbm>>
      tpu.wait_dma2 semaphore(%run_scoped3A : memref<!tpu.dma_semaphore, #tpu.memory_space<semaphore_mem>>) src(%dma_wait3A_94 : memref<640x16xf32, #tpu.memory_space<hbm>>) dst(%dma_wait3A_92 : memref<640x16xf32, #tpu.memory_space<vmem_shared>>)
      tpu.yield
    }) : () -> ()
    %mul3A_5 = arith.constant 40 : i32
    %mul3A_6 = arith.muli %add3A, %mul3A_5 : i32
    "tpu.region"() ({
      %run_scoped3A = tpu.sem_alloc : memref<!tpu.dma_semaphore, #tpu.memory_space<semaphore_mem>>
      %dma_start3A_88 = arith.constant 0 : i32
      %dma_start3A_89 = tpu.memref_slice %arg3[%mul3A_6, %dma_start3A_88] : memref<1280x125xi32, #tpu.memory_space<hbm>> -> memref<40x125xi32, #tpu.memory_space<hbm>>
      %dma_start3A_90 = arith.constant 0 : i32
      %dma_start3A_91 = tpu.memref_slice %arg3[%mul3A_6, %dma_start3A_90] : memref<1280x125xi32, #tpu.memory_space<hbm>> -> memref<40x125xi32, #tpu.memory_space<hbm>>
      tpu.enqueue_dma source(%dma_start3A_91 : memref<40x125xi32, #tpu.memory_space<hbm>>) target(%arg7 : memref<40x125xi32, #tpu.memory_space<vmem>>) target_semaphore(%run_scoped3A : memref<!tpu.dma_semaphore, #tpu.memory_space<semaphore_mem>>)
      %dma_wait3A = arith.constant 0 : i32
      %dma_wait3A_92 = tpu.memref_slice %arg3[%mul3A_6, %dma_wait3A] : memref<1280x125xi32, #tpu.memory_space<hbm>> -> memref<40x125xi32, #tpu.memory_space<hbm>>
      %dma_wait3A_93 = arith.constant 0 : i32
      %dma_wait3A_94 = tpu.memref_slice %arg3[%mul3A_6, %dma_wait3A_93] : memref<1280x125xi32, #tpu.memory_space<hbm>> -> memref<40x125xi32, #tpu.memory_space<hbm>>
      tpu.wait_dma2 semaphore(%run_scoped3A : memref<!tpu.dma_semaphore, #tpu.memory_space<semaphore_mem>>) src(%dma_wait3A_94 : memref<40x125xi32, #tpu.memory_space<hbm>>) dst(%arg7 : memref<40x125xi32, #tpu.memory_space<vmem>>)
      tpu.yield
    }) : () -> ()
    %mul3A_7 = arith.constant 40 : i32
    %mul3A_8 = arith.muli %add3A, %mul3A_7 : i32
    "tpu.region"() ({
      %run_scoped3A = tpu.sem_alloc : memref<!tpu.dma_semaphore, #tpu.memory_space<semaphore_mem>>
      %dma_start3A_88 = arith.constant 0 : i32
      %dma_start3A_89 = tpu.memref_slice %arg4[%mul3A_8, %dma_start3A_88] : memref<1280x125xi32, #tpu.memory_space<hbm>> -> memref<40x125xi32, #tpu.memory_space<hbm>>
      %dma_start3A_90 = arith.constant 0 : i32
      %dma_start3A_91 = tpu.memref_slice %arg4[%mul3A_8, %dma_start3A_90] : memref<1280x125xi32, #tpu.memory_space<hbm>> -> memref<40x125xi32, #tpu.memory_space<hbm>>
      tpu.enqueue_dma source(%dma_start3A_91 : memref<40x125xi32, #tpu.memory_space<hbm>>) target(%arg8 : memref<40x125xi32, #tpu.memory_space<vmem>>) target_semaphore(%run_scoped3A : memref<!tpu.dma_semaphore, #tpu.memory_space<semaphore_mem>>)
      %dma_wait3A = arith.constant 0 : i32
      %dma_wait3A_92 = tpu.memref_slice %arg4[%mul3A_8, %dma_wait3A] : memref<1280x125xi32, #tpu.memory_space<hbm>> -> memref<40x125xi32, #tpu.memory_space<hbm>>
      %dma_wait3A_93 = arith.constant 0 : i32
      %dma_wait3A_94 = tpu.memref_slice %arg4[%mul3A_8, %dma_wait3A_93] : memref<1280x125xi32, #tpu.memory_space<hbm>> -> memref<40x125xi32, #tpu.memory_space<hbm>>
      tpu.wait_dma2 semaphore(%run_scoped3A : memref<!tpu.dma_semaphore, #tpu.memory_space<semaphore_mem>>) src(%dma_wait3A_94 : memref<40x125xi32, #tpu.memory_space<hbm>>) dst(%arg8 : memref<40x125xi32, #tpu.memory_space<vmem>>)
      tpu.yield
    }) : () -> ()
    %barrier3A = arith.constant 0 : index
    tpu.barrier barrier_id(%barrier3A)
    %dma_start3A = arith.constant 0 : i32
    %dma_start3A_9 = arith.constant 0 : i32
    %dma_start3A_10 = tpu.memref_slice %arg7[%dma_start3A, %dma_start3A_9] : memref<40x125xi32, #tpu.memory_space<vmem>> -> memref<1x125xi32, #tpu.memory_space<vmem>>
    %dma_start3A_11 = tpu.memref_squeeze %dma_start3A_10 : memref<1x125xi32, #tpu.memory_space<vmem>> -> memref<125xi32, #tpu.memory_space<vmem>>
    %dma_start3A_12 = arith.constant 0 : i32
    %dma_start3A_13 = arith.constant 0 : i32
    %dma_start3A_14 = tpu.memref_slice %arg2[%dma_start3A_12, %dma_start3A_13] : memref<80000x16xf32, #tpu.memory_space<hbm>> -> memref<80000x16xf32, #tpu.memory_space<hbm>>
    tpu.enqueue_indirect_dma source(%dma_start3A_14 : memref<80000x16xf32, #tpu.memory_space<hbm>>) target(%arg9 : memref<125x16xf32, #tpu.memory_space<vmem>>) offsets(%dma_start3A_11 : memref<125xi32, #tpu.memory_space<vmem>>) semaphore(%arg19 : memref<!tpu.dma_semaphore, #tpu.memory_space<semaphore_mem>>)
    %dma_start3A_15 = arith.constant 1 : i32
    %dma_start3A_16 = arith.constant 0 : i32
    %dma_start3A_17 = tpu.memref_slice %arg7[%dma_start3A_15, %dma_start3A_16] : memref<40x125xi32, #tpu.memory_space<vmem>> -> memref<1x125xi32, #tpu.memory_space<vmem>>
    %dma_start3A_18 = tpu.memref_squeeze %dma_start3A_17 : memref<1x125xi32, #tpu.memory_space<vmem>> -> memref<125xi32, #tpu.memory_space<vmem>>
    %dma_start3A_19 = arith.constant 0 : i32
    %dma_start3A_20 = arith.constant 0 : i32
    %dma_start3A_21 = tpu.memref_slice %arg2[%dma_start3A_19, %dma_start3A_20] : memref<80000x16xf32, #tpu.memory_space<hbm>> -> memref<80000x16xf32, #tpu.memory_space<hbm>>
    tpu.enqueue_indirect_dma source(%dma_start3A_21 : memref<80000x16xf32, #tpu.memory_space<hbm>>) target(%arg10 : memref<125x16xf32, #tpu.memory_space<vmem>>) offsets(%dma_start3A_18 : memref<125xi32, #tpu.memory_space<vmem>>) semaphore(%arg20 : memref<!tpu.dma_semaphore, #tpu.memory_space<semaphore_mem>>)
    %dma_start3A_22 = arith.constant 2 : i32
    %dma_start3A_23 = arith.constant 0 : i32
    %dma_start3A_24 = tpu.memref_slice %arg7[%dma_start3A_22, %dma_start3A_23] : memref<40x125xi32, #tpu.memory_space<vmem>> -> memref<1x125xi32, #tpu.memory_space<vmem>>
    %dma_start3A_25 = tpu.memref_squeeze %dma_start3A_24 : memref<1x125xi32, #tpu.memory_space<vmem>> -> memref<125xi32, #tpu.memory_space<vmem>>
    %dma_start3A_26 = arith.constant 0 : i32
    %dma_start3A_27 = arith.constant 0 : i32
    %dma_start3A_28 = tpu.memref_slice %arg2[%dma_start3A_26, %dma_start3A_27] : memref<80000x16xf32, #tpu.memory_space<hbm>> -> memref<80000x16xf32, #tpu.memory_space<hbm>>
    tpu.enqueue_indirect_dma source(%dma_start3A_28 : memref<80000x16xf32, #tpu.memory_space<hbm>>) target(%arg11 : memref<125x16xf32, #tpu.memory_space<vmem>>) offsets(%dma_start3A_25 : memref<125xi32, #tpu.memory_space<vmem>>) semaphore(%arg21 : memref<!tpu.dma_semaphore, #tpu.memory_space<semaphore_mem>>)
    %dma_start3A_29 = arith.constant 3 : i32
    %dma_start3A_30 = arith.constant 0 : i32
    %dma_start3A_31 = tpu.memref_slice %arg7[%dma_start3A_29, %dma_start3A_30] : memref<40x125xi32, #tpu.memory_space<vmem>> -> memref<1x125xi32, #tpu.memory_space<vmem>>
    %dma_start3A_32 = tpu.memref_squeeze %dma_start3A_31 : memref<1x125xi32, #tpu.memory_space<vmem>> -> memref<125xi32, #tpu.memory_space<vmem>>
    %dma_start3A_33 = arith.constant 0 : i32
    %dma_start3A_34 = arith.constant 0 : i32
    %dma_start3A_35 = tpu.memref_slice %arg2[%dma_start3A_33, %dma_start3A_34] : memref<80000x16xf32, #tpu.memory_space<hbm>> -> memref<80000x16xf32, #tpu.memory_space<hbm>>
    tpu.enqueue_indirect_dma source(%dma_start3A_35 : memref<80000x16xf32, #tpu.memory_space<hbm>>) target(%arg12 : memref<125x16xf32, #tpu.memory_space<vmem>>) offsets(%dma_start3A_32 : memref<125xi32, #tpu.memory_space<vmem>>) semaphore(%arg22 : memref<!tpu.dma_semaphore, #tpu.memory_space<semaphore_mem>>)
    %dma_start3A_36 = arith.constant 4 : i32
    %dma_start3A_37 = arith.constant 0 : i32
    %dma_start3A_38 = tpu.memref_slice %arg7[%dma_start3A_36, %dma_start3A_37] : memref<40x125xi32, #tpu.memory_space<vmem>> -> memref<1x125xi32, #tpu.memory_space<vmem>>
    %dma_start3A_39 = tpu.memref_squeeze %dma_start3A_38 : memref<1x125xi32, #tpu.memory_space<vmem>> -> memref<125xi32, #tpu.memory_space<vmem>>
    %dma_start3A_40 = arith.constant 0 : i32
    %dma_start3A_41 = arith.constant 0 : i32
    %dma_start3A_42 = tpu.memref_slice %arg2[%dma_start3A_40, %dma_start3A_41] : memref<80000x16xf32, #tpu.memory_space<hbm>> -> memref<80000x16xf32, #tpu.memory_space<hbm>>
    tpu.enqueue_indirect_dma source(%dma_start3A_42 : memref<80000x16xf32, #tpu.memory_space<hbm>>) target(%arg13 : memref<125x16xf32, #tpu.memory_space<vmem>>) offsets(%dma_start3A_39 : memref<125xi32, #tpu.memory_space<vmem>>) semaphore(%arg23 : memref<!tpu.dma_semaphore, #tpu.memory_space<semaphore_mem>>)
    %dma_start3A_43 = arith.constant 5 : i32
    %dma_start3A_44 = arith.constant 0 : i32
    %dma_start3A_45 = tpu.memref_slice %arg7[%dma_start3A_43, %dma_start3A_44] : memref<40x125xi32, #tpu.memory_space<vmem>> -> memref<1x125xi32, #tpu.memory_space<vmem>>
    %dma_start3A_46 = tpu.memref_squeeze %dma_start3A_45 : memref<1x125xi32, #tpu.memory_space<vmem>> -> memref<125xi32, #tpu.memory_space<vmem>>
    %dma_start3A_47 = arith.constant 0 : i32
    %dma_start3A_48 = arith.constant 0 : i32
    %dma_start3A_49 = tpu.memref_slice %arg2[%dma_start3A_47, %dma_start3A_48] : memref<80000x16xf32, #tpu.memory_space<hbm>> -> memref<80000x16xf32, #tpu.memory_space<hbm>>
    tpu.enqueue_indirect_dma source(%dma_start3A_49 : memref<80000x16xf32, #tpu.memory_space<hbm>>) target(%arg14 : memref<125x16xf32, #tpu.memory_space<vmem>>) offsets(%dma_start3A_46 : memref<125xi32, #tpu.memory_space<vmem>>) semaphore(%arg24 : memref<!tpu.dma_semaphore, #tpu.memory_space<semaphore_mem>>)
    %dma_start3A_50 = arith.constant 6 : i32
    %dma_start3A_51 = arith.constant 0 : i32
    %dma_start3A_52 = tpu.memref_slice %arg7[%dma_start3A_50, %dma_start3A_51] : memref<40x125xi32, #tpu.memory_space<vmem>> -> memref<1x125xi32, #tpu.memory_space<vmem>>
    %dma_start3A_53 = tpu.memref_squeeze %dma_start3A_52 : memref<1x125xi32, #tpu.memory_space<vmem>> -> memref<125xi32, #tpu.memory_space<vmem>>
    %dma_start3A_54 = arith.constant 0 : i32
    %dma_start3A_55 = arith.constant 0 : i32
    %dma_start3A_56 = tpu.memref_slice %arg2[%dma_start3A_54, %dma_start3A_55] : memref<80000x16xf32, #tpu.memory_space<hbm>> -> memref<80000x16xf32, #tpu.memory_space<hbm>>
    tpu.enqueue_indirect_dma source(%dma_start3A_56 : memref<80000x16xf32, #tpu.memory_space<hbm>>) target(%arg15 : memref<125x16xf32, #tpu.memory_space<vmem>>) offsets(%dma_start3A_53 : memref<125xi32, #tpu.memory_space<vmem>>) semaphore(%arg25 : memref<!tpu.dma_semaphore, #tpu.memory_space<semaphore_mem>>)
    %dma_start3A_57 = arith.constant 7 : i32
    %dma_start3A_58 = arith.constant 0 : i32
    %dma_start3A_59 = tpu.memref_slice %arg7[%dma_start3A_57, %dma_start3A_58] : memref<40x125xi32, #tpu.memory_space<vmem>> -> memref<1x125xi32, #tpu.memory_space<vmem>>
    %dma_start3A_60 = tpu.memref_squeeze %dma_start3A_59 : memref<1x125xi32, #tpu.memory_space<vmem>> -> memref<125xi32, #tpu.memory_space<vmem>>
    %dma_start3A_61 = arith.constant 0 : i32
    %dma_start3A_62 = arith.constant 0 : i32
    %dma_start3A_63 = tpu.memref_slice %arg2[%dma_start3A_61, %dma_start3A_62] : memref<80000x16xf32, #tpu.memory_space<hbm>> -> memref<80000x16xf32, #tpu.memory_space<hbm>>
    tpu.enqueue_indirect_dma source(%dma_start3A_63 : memref<80000x16xf32, #tpu.memory_space<hbm>>) target(%arg16 : memref<125x16xf32, #tpu.memory_space<vmem>>) offsets(%dma_start3A_60 : memref<125xi32, #tpu.memory_space<vmem>>) semaphore(%arg26 : memref<!tpu.dma_semaphore, #tpu.memory_space<semaphore_mem>>)
    %dma_start3A_64 = arith.constant 8 : i32
    %dma_start3A_65 = arith.constant 0 : i32
    %dma_start3A_66 = tpu.memref_slice %arg7[%dma_start3A_64, %dma_start3A_65] : memref<40x125xi32, #tpu.memory_space<vmem>> -> memref<1x125xi32, #tpu.memory_space<vmem>>
    %dma_start3A_67 = tpu.memref_squeeze %dma_start3A_66 : memref<1x125xi32, #tpu.memory_space<vmem>> -> memref<125xi32, #tpu.memory_space<vmem>>
    %dma_start3A_68 = arith.constant 0 : i32
    %dma_start3A_69 = arith.constant 0 : i32
    %dma_start3A_70 = tpu.memref_slice %arg2[%dma_start3A_68, %dma_start3A_69] : memref<80000x16xf32, #tpu.memory_space<hbm>> -> memref<80000x16xf32, #tpu.memory_space<hbm>>
    tpu.enqueue_indirect_dma source(%dma_start3A_70 : memref<80000x16xf32, #tpu.memory_space<hbm>>) target(%arg17 : memref<125x16xf32, #tpu.memory_space<vmem>>) offsets(%dma_start3A_67 : memref<125xi32, #tpu.memory_space<vmem>>) semaphore(%arg27 : memref<!tpu.dma_semaphore, #tpu.memory_space<semaphore_mem>>)
    %dma_start3A_71 = arith.constant 9 : i32
    %dma_start3A_72 = arith.constant 0 : i32
    %dma_start3A_73 = tpu.memref_slice %arg7[%dma_start3A_71, %dma_start3A_72] : memref<40x125xi32, #tpu.memory_space<vmem>> -> memref<1x125xi32, #tpu.memory_space<vmem>>
    %dma_start3A_74 = tpu.memref_squeeze %dma_start3A_73 : memref<1x125xi32, #tpu.memory_space<vmem>> -> memref<125xi32, #tpu.memory_space<vmem>>
    %dma_start3A_75 = arith.constant 0 : i32
    %dma_start3A_76 = arith.constant 0 : i32
    %dma_start3A_77 = tpu.memref_slice %arg2[%dma_start3A_75, %dma_start3A_76] : memref<80000x16xf32, #tpu.memory_space<hbm>> -> memref<80000x16xf32, #tpu.memory_space<hbm>>
    tpu.enqueue_indirect_dma source(%dma_start3A_77 : memref<80000x16xf32, #tpu.memory_space<hbm>>) target(%arg18 : memref<125x16xf32, #tpu.memory_space<vmem>>) offsets(%dma_start3A_74 : memref<125xi32, #tpu.memory_space<vmem>>) semaphore(%arg28 : memref<!tpu.dma_semaphore, #tpu.memory_space<semaphore_mem>>)
    %scan3A = arith.constant 0 : i32
    %scan3A_78 = arith.constant 0 : i32
    %scan3A_79 = arith.constant 4 : i32
    %scan3A_80 = arith.addi %scan3A_78, %scan3A_79 : i32
    %scan3A_81 = arith.constant 1 : i32
    scf.for %scan3A_88 = %scan3A_78 to %scan3A_80 step %scan3A_81  : i32 {
      %mul3A_89 = arith.constant 10 : i32
      %mul3A_90 = arith.muli %scan3A_88, %mul3A_89 : i32
      %add3A_91 = arith.constant 0 : i32
      %add3A_92 = arith.addi %mul3A_90, %add3A_91 : i32
      %dma_wait3A = arith.constant 0 : i32
      %dma_wait3A_93 = tpu.memref_slice %arg7[%add3A_92, %dma_wait3A] : memref<40x125xi32, #tpu.memory_space<vmem>> -> memref<1x125xi32, #tpu.memory_space<vmem>>
      %dma_wait3A_94 = tpu.memref_squeeze %dma_wait3A_93 : memref<1x125xi32, #tpu.memory_space<vmem>> -> memref<125xi32, #tpu.memory_space<vmem>>
      %dma_wait3A_95 = arith.constant 0 : i32
      %dma_wait3A_96 = arith.constant 0 : i32
      %dma_wait3A_97 = tpu.memref_slice %arg2[%dma_wait3A_95, %dma_wait3A_96] : memref<80000x16xf32, #tpu.memory_space<hbm>> -> memref<80000x16xf32, #tpu.memory_space<hbm>>
      tpu.wait_indirect_dma semaphore(%arg19 : memref<!tpu.dma_semaphore, #tpu.memory_space<semaphore_mem>>) src(%dma_wait3A_97 : memref<80000x16xf32, #tpu.memory_space<hbm>>) dst(%arg9 : memref<125x16xf32, #tpu.memory_space<vmem>>)
      %dma_start3A_98 = arith.constant 0 : i32
      %dma_start3A_99 = tpu.memref_slice %arg8[%add3A_92, %dma_start3A_98] : memref<40x125xi32, #tpu.memory_space<vmem>> -> memref<1x125xi32, #tpu.memory_space<vmem>>
      %dma_start3A_100 = tpu.memref_squeeze %dma_start3A_99 : memref<1x125xi32, #tpu.memory_space<vmem>> -> memref<125xi32, #tpu.memory_space<vmem>>
      %dma_start3A_101 = arith.constant 0 : i32
      %dma_start3A_102 = arith.constant 0 : i32
      %dma_start3A_103 = tpu.memref_slice %arg39[%dma_start3A_101, %dma_start3A_102] : memref<10240x16xf32, #tpu.memory_space<vmem_shared>> -> memref<10240x16xf32, #tpu.memory_space<vmem_shared>>
      tpu.enqueue_indirect_dma source(%arg9 : memref<125x16xf32, #tpu.memory_space<vmem>>) target(%dma_start3A_103 : memref<10240x16xf32, #tpu.memory_space<vmem_shared>>) offsets(%dma_start3A_100 : memref<125xi32, #tpu.memory_space<vmem>>) semaphore(%arg29 : memref<!tpu.dma_semaphore, #tpu.memory_space<semaphore_mem>>) {add = true}
      %mul3A_104 = arith.constant 10 : i32
      %mul3A_105 = arith.muli %scan3A_88, %mul3A_104 : i32
      %add3A_106 = arith.constant 1 : i32
      %add3A_107 = arith.addi %mul3A_105, %add3A_106 : i32
      %dma_wait3A_108 = arith.constant 0 : i32
      %dma_wait3A_109 = tpu.memref_slice %arg7[%add3A_107, %dma_wait3A_108] : memref<40x125xi32, #tpu.memory_space<vmem>> -> memref<1x125xi32, #tpu.memory_space<vmem>>
      %dma_wait3A_110 = tpu.memref_squeeze %dma_wait3A_109 : memref<1x125xi32, #tpu.memory_space<vmem>> -> memref<125xi32, #tpu.memory_space<vmem>>
      %dma_wait3A_111 = arith.constant 0 : i32
      %dma_wait3A_112 = arith.constant 0 : i32
      %dma_wait3A_113 = tpu.memref_slice %arg2[%dma_wait3A_111, %dma_wait3A_112] : memref<80000x16xf32, #tpu.memory_space<hbm>> -> memref<80000x16xf32, #tpu.memory_space<hbm>>
      tpu.wait_indirect_dma semaphore(%arg20 : memref<!tpu.dma_semaphore, #tpu.memory_space<semaphore_mem>>) src(%dma_wait3A_113 : memref<80000x16xf32, #tpu.memory_space<hbm>>) dst(%arg10 : memref<125x16xf32, #tpu.memory_space<vmem>>)
      %dma_start3A_114 = arith.constant 0 : i32
      %dma_start3A_115 = tpu.memref_slice %arg8[%add3A_107, %dma_start3A_114] : memref<40x125xi32, #tpu.memory_space<vmem>> -> memref<1x125xi32, #tpu.memory_space<vmem>>
      %dma_start3A_116 = tpu.memref_squeeze %dma_start3A_115 : memref<1x125xi32, #tpu.memory_space<vmem>> -> memref<125xi32, #tpu.memory_space<vmem>>
      %dma_start3A_117 = arith.constant 0 : i32
      %dma_start3A_118 = arith.constant 0 : i32
      %dma_start3A_119 = tpu.memref_slice %arg39[%dma_start3A_117, %dma_start3A_118] : memref<10240x16xf32, #tpu.memory_space<vmem_shared>> -> memref<10240x16xf32, #tpu.memory_space<vmem_shared>>
      tpu.enqueue_indirect_dma source(%arg10 : memref<125x16xf32, #tpu.memory_space<vmem>>) target(%dma_start3A_119 : memref<10240x16xf32, #tpu.memory_space<vmem_shared>>) offsets(%dma_start3A_116 : memref<125xi32, #tpu.memory_space<vmem>>) semaphore(%arg30 : memref<!tpu.dma_semaphore, #tpu.memory_space<semaphore_mem>>) {add = true}
      %mul3A_120 = arith.constant 10 : i32
      %mul3A_121 = arith.muli %scan3A_88, %mul3A_120 : i32
      %add3A_122 = arith.constant 2 : i32
      %add3A_123 = arith.addi %mul3A_121, %add3A_122 : i32
      %dma_wait3A_124 = arith.constant 0 : i32
      %dma_wait3A_125 = tpu.memref_slice %arg7[%add3A_123, %dma_wait3A_124] : memref<40x125xi32, #tpu.memory_space<vmem>> -> memref<1x125xi32, #tpu.memory_space<vmem>>
      %dma_wait3A_126 = tpu.memref_squeeze %dma_wait3A_125 : memref<1x125xi32, #tpu.memory_space<vmem>> -> memref<125xi32, #tpu.memory_space<vmem>>
      %dma_wait3A_127 = arith.constant 0 : i32
      %dma_wait3A_128 = arith.constant 0 : i32
      %dma_wait3A_129 = tpu.memref_slice %arg2[%dma_wait3A_127, %dma_wait3A_128] : memref<80000x16xf32, #tpu.memory_space<hbm>> -> memref<80000x16xf32, #tpu.memory_space<hbm>>
      tpu.wait_indirect_dma semaphore(%arg21 : memref<!tpu.dma_semaphore, #tpu.memory_space<semaphore_mem>>) src(%dma_wait3A_129 : memref<80000x16xf32, #tpu.memory_space<hbm>>) dst(%arg11 : memref<125x16xf32, #tpu.memory_space<vmem>>)
      %dma_start3A_130 = arith.constant 0 : i32
      %dma_start3A_131 = tpu.memref_slice %arg8[%add3A_123, %dma_start3A_130] : memref<40x125xi32, #tpu.memory_space<vmem>> -> memref<1x125xi32, #tpu.memory_space<vmem>>
      %dma_start3A_132 = tpu.memref_squeeze %dma_start3A_131 : memref<1x125xi32, #tpu.memory_space<vmem>> -> memref<125xi32, #tpu.memory_space<vmem>>
      %dma_start3A_133 = arith.constant 0 : i32
      %dma_start3A_134 = arith.constant 0 : i32
      %dma_start3A_135 = tpu.memref_slice %arg39[%dma_start3A_133, %dma_start3A_134] : memref<10240x16xf32, #tpu.memory_space<vmem_shared>> -> memref<10240x16xf32, #tpu.memory_space<vmem_shared>>
      tpu.enqueue_indirect_dma source(%arg11 : memref<125x16xf32, #tpu.memory_space<vmem>>) target(%dma_start3A_135 : memref<10240x16xf32, #tpu.memory_space<vmem_shared>>) offsets(%dma_start3A_132 : memref<125xi32, #tpu.memory_space<vmem>>) semaphore(%arg31 : memref<!tpu.dma_semaphore, #tpu.memory_space<semaphore_mem>>) {add = true}
      %mul3A_136 = arith.constant 10 : i32
      %mul3A_137 = arith.muli %scan3A_88, %mul3A_136 : i32
      %add3A_138 = arith.constant 3 : i32
      %add3A_139 = arith.addi %mul3A_137, %add3A_138 : i32
      %dma_wait3A_140 = arith.constant 0 : i32
      %dma_wait3A_141 = tpu.memref_slice %arg7[%add3A_139, %dma_wait3A_140] : memref<40x125xi32, #tpu.memory_space<vmem>> -> memref<1x125xi32, #tpu.memory_space<vmem>>
      %dma_wait3A_142 = tpu.memref_squeeze %dma_wait3A_141 : memref<1x125xi32, #tpu.memory_space<vmem>> -> memref<125xi32, #tpu.memory_space<vmem>>
      %dma_wait3A_143 = arith.constant 0 : i32
      %dma_wait3A_144 = arith.constant 0 : i32
      %dma_wait3A_145 = tpu.memref_slice %arg2[%dma_wait3A_143, %dma_wait3A_144] : memref<80000x16xf32, #tpu.memory_space<hbm>> -> memref<80000x16xf32, #tpu.memory_space<hbm>>
      tpu.wait_indirect_dma semaphore(%arg22 : memref<!tpu.dma_semaphore, #tpu.memory_space<semaphore_mem>>) src(%dma_wait3A_145 : memref<80000x16xf32, #tpu.memory_space<hbm>>) dst(%arg12 : memref<125x16xf32, #tpu.memory_space<vmem>>)
      %dma_start3A_146 = arith.constant 0 : i32
      %dma_start3A_147 = tpu.memref_slice %arg8[%add3A_139, %dma_start3A_146] : memref<40x125xi32, #tpu.memory_space<vmem>> -> memref<1x125xi32, #tpu.memory_space<vmem>>
      %dma_start3A_148 = tpu.memref_squeeze %dma_start3A_147 : memref<1x125xi32, #tpu.memory_space<vmem>> -> memref<125xi32, #tpu.memory_space<vmem>>
      %dma_start3A_149 = arith.constant 0 : i32
      %dma_start3A_150 = arith.constant 0 : i32
      %dma_start3A_151 = tpu.memref_slice %arg39[%dma_start3A_149, %dma_start3A_150] : memref<10240x16xf32, #tpu.memory_space<vmem_shared>> -> memref<10240x16xf32, #tpu.memory_space<vmem_shared>>
      tpu.enqueue_indirect_dma source(%arg12 : memref<125x16xf32, #tpu.memory_space<vmem>>) target(%dma_start3A_151 : memref<10240x16xf32, #tpu.memory_space<vmem_shared>>) offsets(%dma_start3A_148 : memref<125xi32, #tpu.memory_space<vmem>>) semaphore(%arg32 : memref<!tpu.dma_semaphore, #tpu.memory_space<semaphore_mem>>) {add = true}
      %mul3A_152 = arith.constant 10 : i32
      %mul3A_153 = arith.muli %scan3A_88, %mul3A_152 : i32
      %add3A_154 = arith.constant 4 : i32
      %add3A_155 = arith.addi %mul3A_153, %add3A_154 : i32
      %dma_wait3A_156 = arith.constant 0 : i32
      %dma_wait3A_157 = tpu.memref_slice %arg7[%add3A_155, %dma_wait3A_156] : memref<40x125xi32, #tpu.memory_space<vmem>> -> memref<1x125xi32, #tpu.memory_space<vmem>>
      %dma_wait3A_158 = tpu.memref_squeeze %dma_wait3A_157 : memref<1x125xi32, #tpu.memory_space<vmem>> -> memref<125xi32, #tpu.memory_space<vmem>>
      %dma_wait3A_159 = arith.constant 0 : i32
      %dma_wait3A_160 = arith.constant 0 : i32
      %dma_wait3A_161 = tpu.memref_slice %arg2[%dma_wait3A_159, %dma_wait3A_160] : memref<80000x16xf32, #tpu.memory_space<hbm>> -> memref<80000x16xf32, #tpu.memory_space<hbm>>
      tpu.wait_indirect_dma semaphore(%arg23 : memref<!tpu.dma_semaphore, #tpu.memory_space<semaphore_mem>>) src(%dma_wait3A_161 : memref<80000x16xf32, #tpu.memory_space<hbm>>) dst(%arg13 : memref<125x16xf32, #tpu.memory_space<vmem>>)
      %dma_start3A_162 = arith.constant 0 : i32
      %dma_start3A_163 = tpu.memref_slice %arg8[%add3A_155, %dma_start3A_162] : memref<40x125xi32, #tpu.memory_space<vmem>> -> memref<1x125xi32, #tpu.memory_space<vmem>>
      %dma_start3A_164 = tpu.memref_squeeze %dma_start3A_163 : memref<1x125xi32, #tpu.memory_space<vmem>> -> memref<125xi32, #tpu.memory_space<vmem>>
      %dma_start3A_165 = arith.constant 0 : i32
      %dma_start3A_166 = arith.constant 0 : i32
      %dma_start3A_167 = tpu.memref_slice %arg39[%dma_start3A_165, %dma_start3A_166] : memref<10240x16xf32, #tpu.memory_space<vmem_shared>> -> memref<10240x16xf32, #tpu.memory_space<vmem_shared>>
      tpu.enqueue_indirect_dma source(%arg13 : memref<125x16xf32, #tpu.memory_space<vmem>>) target(%dma_start3A_167 : memref<10240x16xf32, #tpu.memory_space<vmem_shared>>) offsets(%dma_start3A_164 : memref<125xi32, #tpu.memory_space<vmem>>) semaphore(%arg33 : memref<!tpu.dma_semaphore, #tpu.memory_space<semaphore_mem>>) {add = true}
      %mul3A_168 = arith.constant 10 : i32
      %mul3A_169 = arith.muli %scan3A_88, %mul3A_168 : i32
      %add3A_170 = arith.constant 5 : i32
      %add3A_171 = arith.addi %mul3A_169, %add3A_170 : i32
      %dma_wait3A_172 = arith.constant 0 : i32
      %dma_wait3A_173 = tpu.memref_slice %arg7[%add3A_171, %dma_wait3A_172] : memref<40x125xi32, #tpu.memory_space<vmem>> -> memref<1x125xi32, #tpu.memory_space<vmem>>
      %dma_wait3A_174 = tpu.memref_squeeze %dma_wait3A_173 : memref<1x125xi32, #tpu.memory_space<vmem>> -> memref<125xi32, #tpu.memory_space<vmem>>
      %dma_wait3A_175 = arith.constant 0 : i32
      %dma_wait3A_176 = arith.constant 0 : i32
      %dma_wait3A_177 = tpu.memref_slice %arg2[%dma_wait3A_175, %dma_wait3A_176] : memref<80000x16xf32, #tpu.memory_space<hbm>> -> memref<80000x16xf32, #tpu.memory_space<hbm>>
      tpu.wait_indirect_dma semaphore(%arg24 : memref<!tpu.dma_semaphore, #tpu.memory_space<semaphore_mem>>) src(%dma_wait3A_177 : memref<80000x16xf32, #tpu.memory_space<hbm>>) dst(%arg14 : memref<125x16xf32, #tpu.memory_space<vmem>>)
      %dma_start3A_178 = arith.constant 0 : i32
      %dma_start3A_179 = tpu.memref_slice %arg8[%add3A_171, %dma_start3A_178] : memref<40x125xi32, #tpu.memory_space<vmem>> -> memref<1x125xi32, #tpu.memory_space<vmem>>
      %dma_start3A_180 = tpu.memref_squeeze %dma_start3A_179 : memref<1x125xi32, #tpu.memory_space<vmem>> -> memref<125xi32, #tpu.memory_space<vmem>>
      %dma_start3A_181 = arith.constant 0 : i32
      %dma_start3A_182 = arith.constant 0 : i32
      %dma_start3A_183 = tpu.memref_slice %arg39[%dma_start3A_181, %dma_start3A_182] : memref<10240x16xf32, #tpu.memory_space<vmem_shared>> -> memref<10240x16xf32, #tpu.memory_space<vmem_shared>>
      tpu.enqueue_indirect_dma source(%arg14 : memref<125x16xf32, #tpu.memory_space<vmem>>) target(%dma_start3A_183 : memref<10240x16xf32, #tpu.memory_space<vmem_shared>>) offsets(%dma_start3A_180 : memref<125xi32, #tpu.memory_space<vmem>>) semaphore(%arg34 : memref<!tpu.dma_semaphore, #tpu.memory_space<semaphore_mem>>) {add = true}
      %mul3A_184 = arith.constant 10 : i32
      %mul3A_185 = arith.muli %scan3A_88, %mul3A_184 : i32
      %add3A_186 = arith.constant 6 : i32
      %add3A_187 = arith.addi %mul3A_185, %add3A_186 : i32
      %dma_wait3A_188 = arith.constant 0 : i32
      %dma_wait3A_189 = tpu.memref_slice %arg7[%add3A_187, %dma_wait3A_188] : memref<40x125xi32, #tpu.memory_space<vmem>> -> memref<1x125xi32, #tpu.memory_space<vmem>>
      %dma_wait3A_190 = tpu.memref_squeeze %dma_wait3A_189 : memref<1x125xi32, #tpu.memory_space<vmem>> -> memref<125xi32, #tpu.memory_space<vmem>>
      %dma_wait3A_191 = arith.constant 0 : i32
      %dma_wait3A_192 = arith.constant 0 : i32
      %dma_wait3A_193 = tpu.memref_slice %arg2[%dma_wait3A_191, %dma_wait3A_192] : memref<80000x16xf32, #tpu.memory_space<hbm>> -> memref<80000x16xf32, #tpu.memory_space<hbm>>
      tpu.wait_indirect_dma semaphore(%arg25 : memref<!tpu.dma_semaphore, #tpu.memory_space<semaphore_mem>>) src(%dma_wait3A_193 : memref<80000x16xf32, #tpu.memory_space<hbm>>) dst(%arg15 : memref<125x16xf32, #tpu.memory_space<vmem>>)
      %dma_start3A_194 = arith.constant 0 : i32
      %dma_start3A_195 = tpu.memref_slice %arg8[%add3A_187, %dma_start3A_194] : memref<40x125xi32, #tpu.memory_space<vmem>> -> memref<1x125xi32, #tpu.memory_space<vmem>>
      %dma_start3A_196 = tpu.memref_squeeze %dma_start3A_195 : memref<1x125xi32, #tpu.memory_space<vmem>> -> memref<125xi32, #tpu.memory_space<vmem>>
      %dma_start3A_197 = arith.constant 0 : i32
      %dma_start3A_198 = arith.constant 0 : i32
      %dma_start3A_199 = tpu.memref_slice %arg39[%dma_start3A_197, %dma_start3A_198] : memref<10240x16xf32, #tpu.memory_space<vmem_shared>> -> memref<10240x16xf32, #tpu.memory_space<vmem_shared>>
      tpu.enqueue_indirect_dma source(%arg15 : memref<125x16xf32, #tpu.memory_space<vmem>>) target(%dma_start3A_199 : memref<10240x16xf32, #tpu.memory_space<vmem_shared>>) offsets(%dma_start3A_196 : memref<125xi32, #tpu.memory_space<vmem>>) semaphore(%arg35 : memref<!tpu.dma_semaphore, #tpu.memory_space<semaphore_mem>>) {add = true}
      %mul3A_200 = arith.constant 10 : i32
      %mul3A_201 = arith.muli %scan3A_88, %mul3A_200 : i32
      %add3A_202 = arith.constant 7 : i32
      %add3A_203 = arith.addi %mul3A_201, %add3A_202 : i32
      %dma_wait3A_204 = arith.constant 0 : i32
      %dma_wait3A_205 = tpu.memref_slice %arg7[%add3A_203, %dma_wait3A_204] : memref<40x125xi32, #tpu.memory_space<vmem>> -> memref<1x125xi32, #tpu.memory_space<vmem>>
      %dma_wait3A_206 = tpu.memref_squeeze %dma_wait3A_205 : memref<1x125xi32, #tpu.memory_space<vmem>> -> memref<125xi32, #tpu.memory_space<vmem>>
      %dma_wait3A_207 = arith.constant 0 : i32
      %dma_wait3A_208 = arith.constant 0 : i32
      %dma_wait3A_209 = tpu.memref_slice %arg2[%dma_wait3A_207, %dma_wait3A_208] : memref<80000x16xf32, #tpu.memory_space<hbm>> -> memref<80000x16xf32, #tpu.memory_space<hbm>>
      tpu.wait_indirect_dma semaphore(%arg26 : memref<!tpu.dma_semaphore, #tpu.memory_space<semaphore_mem>>) src(%dma_wait3A_209 : memref<80000x16xf32, #tpu.memory_space<hbm>>) dst(%arg16 : memref<125x16xf32, #tpu.memory_space<vmem>>)
      %dma_start3A_210 = arith.constant 0 : i32
      %dma_start3A_211 = tpu.memref_slice %arg8[%add3A_203, %dma_start3A_210] : memref<40x125xi32, #tpu.memory_space<vmem>> -> memref<1x125xi32, #tpu.memory_space<vmem>>
      %dma_start3A_212 = tpu.memref_squeeze %dma_start3A_211 : memref<1x125xi32, #tpu.memory_space<vmem>> -> memref<125xi32, #tpu.memory_space<vmem>>
      %dma_start3A_213 = arith.constant 0 : i32
      %dma_start3A_214 = arith.constant 0 : i32
      %dma_start3A_215 = tpu.memref_slice %arg39[%dma_start3A_213, %dma_start3A_214] : memref<10240x16xf32, #tpu.memory_space<vmem_shared>> -> memref<10240x16xf32, #tpu.memory_space<vmem_shared>>
      tpu.enqueue_indirect_dma source(%arg16 : memref<125x16xf32, #tpu.memory_space<vmem>>) target(%dma_start3A_215 : memref<10240x16xf32, #tpu.memory_space<vmem_shared>>) offsets(%dma_start3A_212 : memref<125xi32, #tpu.memory_space<vmem>>) semaphore(%arg36 : memref<!tpu.dma_semaphore, #tpu.memory_space<semaphore_mem>>) {add = true}
      %mul3A_216 = arith.constant 10 : i32
      %mul3A_217 = arith.muli %scan3A_88, %mul3A_216 : i32
      %add3A_218 = arith.constant 8 : i32
      %add3A_219 = arith.addi %mul3A_217, %add3A_218 : i32
      %dma_wait3A_220 = arith.constant 0 : i32
      %dma_wait3A_221 = tpu.memref_slice %arg7[%add3A_219, %dma_wait3A_220] : memref<40x125xi32, #tpu.memory_space<vmem>> -> memref<1x125xi32, #tpu.memory_space<vmem>>
      %dma_wait3A_222 = tpu.memref_squeeze %dma_wait3A_221 : memref<1x125xi32, #tpu.memory_space<vmem>> -> memref<125xi32, #tpu.memory_space<vmem>>
      %dma_wait3A_223 = arith.constant 0 : i32
      %dma_wait3A_224 = arith.constant 0 : i32
      %dma_wait3A_225 = tpu.memref_slice %arg2[%dma_wait3A_223, %dma_wait3A_224] : memref<80000x16xf32, #tpu.memory_space<hbm>> -> memref<80000x16xf32, #tpu.memory_space<hbm>>
      tpu.wait_indirect_dma semaphore(%arg27 : memref<!tpu.dma_semaphore, #tpu.memory_space<semaphore_mem>>) src(%dma_wait3A_225 : memref<80000x16xf32, #tpu.memory_space<hbm>>) dst(%arg17 : memref<125x16xf32, #tpu.memory_space<vmem>>)
      %dma_start3A_226 = arith.constant 0 : i32
      %dma_start3A_227 = tpu.memref_slice %arg8[%add3A_219, %dma_start3A_226] : memref<40x125xi32, #tpu.memory_space<vmem>> -> memref<1x125xi32, #tpu.memory_space<vmem>>
      %dma_start3A_228 = tpu.memref_squeeze %dma_start3A_227 : memref<1x125xi32, #tpu.memory_space<vmem>> -> memref<125xi32, #tpu.memory_space<vmem>>
      %dma_start3A_229 = arith.constant 0 : i32
      %dma_start3A_230 = arith.constant 0 : i32
      %dma_start3A_231 = tpu.memref_slice %arg39[%dma_start3A_229, %dma_start3A_230] : memref<10240x16xf32, #tpu.memory_space<vmem_shared>> -> memref<10240x16xf32, #tpu.memory_space<vmem_shared>>
      tpu.enqueue_indirect_dma source(%arg17 : memref<125x16xf32, #tpu.memory_space<vmem>>) target(%dma_start3A_231 : memref<10240x16xf32, #tpu.memory_space<vmem_shared>>) offsets(%dma_start3A_228 : memref<125xi32, #tpu.memory_space<vmem>>) semaphore(%arg37 : memref<!tpu.dma_semaphore, #tpu.memory_space<semaphore_mem>>) {add = true}
      %mul3A_232 = arith.constant 10 : i32
      %mul3A_233 = arith.muli %scan3A_88, %mul3A_232 : i32
      %add3A_234 = arith.constant 9 : i32
      %add3A_235 = arith.addi %mul3A_233, %add3A_234 : i32
      %dma_wait3A_236 = arith.constant 0 : i32
      %dma_wait3A_237 = tpu.memref_slice %arg7[%add3A_235, %dma_wait3A_236] : memref<40x125xi32, #tpu.memory_space<vmem>> -> memref<1x125xi32, #tpu.memory_space<vmem>>
      %dma_wait3A_238 = tpu.memref_squeeze %dma_wait3A_237 : memref<1x125xi32, #tpu.memory_space<vmem>> -> memref<125xi32, #tpu.memory_space<vmem>>
      %dma_wait3A_239 = arith.constant 0 : i32
      %dma_wait3A_240 = arith.constant 0 : i32
      %dma_wait3A_241 = tpu.memref_slice %arg2[%dma_wait3A_239, %dma_wait3A_240] : memref<80000x16xf32, #tpu.memory_space<hbm>> -> memref<80000x16xf32, #tpu.memory_space<hbm>>
      tpu.wait_indirect_dma semaphore(%arg28 : memref<!tpu.dma_semaphore, #tpu.memory_space<semaphore_mem>>) src(%dma_wait3A_241 : memref<80000x16xf32, #tpu.memory_space<hbm>>) dst(%arg18 : memref<125x16xf32, #tpu.memory_space<vmem>>)
      %dma_start3A_242 = arith.constant 0 : i32
      %dma_start3A_243 = tpu.memref_slice %arg8[%add3A_235, %dma_start3A_242] : memref<40x125xi32, #tpu.memory_space<vmem>> -> memref<1x125xi32, #tpu.memory_space<vmem>>
      %dma_start3A_244 = tpu.memref_squeeze %dma_start3A_243 : memref<1x125xi32, #tpu.memory_space<vmem>> -> memref<125xi32, #tpu.memory_space<vmem>>
      %dma_start3A_245 = arith.constant 0 : i32
      %dma_start3A_246 = arith.constant 0 : i32
      %dma_start3A_247 = tpu.memref_slice %arg39[%dma_start3A_245, %dma_start3A_246] : memref<10240x16xf32, #tpu.memory_space<vmem_shared>> -> memref<10240x16xf32, #tpu.memory_space<vmem_shared>>
      tpu.enqueue_indirect_dma source(%arg18 : memref<125x16xf32, #tpu.memory_space<vmem>>) target(%dma_start3A_247 : memref<10240x16xf32, #tpu.memory_space<vmem_shared>>) offsets(%dma_start3A_244 : memref<125xi32, #tpu.memory_space<vmem>>) semaphore(%arg38 : memref<!tpu.dma_semaphore, #tpu.memory_space<semaphore_mem>>) {add = true}
      %mul3A_248 = arith.constant 10 : i32
      %mul3A_249 = arith.muli %scan3A_88, %mul3A_248 : i32
      %add3A_250 = arith.constant 0 : i32
      %add3A_251 = arith.addi %mul3A_249, %add3A_250 : i32
      %dma_wait3A_252 = arith.constant 0 : i32
      %dma_wait3A_253 = tpu.memref_slice %arg8[%add3A_251, %dma_wait3A_252] : memref<40x125xi32, #tpu.memory_space<vmem>> -> memref<1x125xi32, #tpu.memory_space<vmem>>
      %dma_wait3A_254 = tpu.memref_squeeze %dma_wait3A_253 : memref<1x125xi32, #tpu.memory_space<vmem>> -> memref<125xi32, #tpu.memory_space<vmem>>
      %dma_wait3A_255 = arith.constant 0 : i32
      %dma_wait3A_256 = arith.constant 0 : i32
      %dma_wait3A_257 = tpu.memref_slice %arg39[%dma_wait3A_255, %dma_wait3A_256] : memref<10240x16xf32, #tpu.memory_space<vmem_shared>> -> memref<10240x16xf32, #tpu.memory_space<vmem_shared>>
      tpu.wait_indirect_dma semaphore(%arg29 : memref<!tpu.dma_semaphore, #tpu.memory_space<semaphore_mem>>) src(%arg9 : memref<125x16xf32, #tpu.memory_space<vmem>>) dst(%dma_wait3A_257 : memref<10240x16xf32, #tpu.memory_space<vmem_shared>>)
      %add3A_258 = arith.constant 1 : i32
      %add3A_259 = arith.addi %scan3A_88, %add3A_258 : i32
      %lt3A = arith.constant 4 : i32
      %lt3A_260 = arith.cmpi slt, %add3A_259, %lt3A : i32
      %convert_element_type3A = arith.extui %lt3A_260 : i1 to i32
      %cond3A = arith.constant 0 : i32
      %cond3A_261 = arith.cmpi ne, %convert_element_type3A, %cond3A : i32
      scf.if %cond3A_261 {
        %add3A_415 = arith.constant 10 : i32
        %add3A_416 = arith.addi %add3A_251, %add3A_415 : i32
        %dma_start3A_417 = arith.constant 0 : i32
        %dma_start3A_418 = tpu.memref_slice %arg7[%add3A_416, %dma_start3A_417] : memref<40x125xi32, #tpu.memory_space<vmem>> -> memref<1x125xi32, #tpu.memory_space<vmem>>
        %dma_start3A_419 = tpu.memref_squeeze %dma_start3A_418 : memref<1x125xi32, #tpu.memory_space<vmem>> -> memref<125xi32, #tpu.memory_space<vmem>>
        %dma_start3A_420 = arith.constant 0 : i32
        %dma_start3A_421 = arith.constant 0 : i32
        %dma_start3A_422 = tpu.memref_slice %arg2[%dma_start3A_420, %dma_start3A_421] : memref<80000x16xf32, #tpu.memory_space<hbm>> -> memref<80000x16xf32, #tpu.memory_space<hbm>>
        tpu.enqueue_indirect_dma source(%dma_start3A_422 : memref<80000x16xf32, #tpu.memory_space<hbm>>) target(%arg9 : memref<125x16xf32, #tpu.memory_space<vmem>>) offsets(%dma_start3A_419 : memref<125xi32, #tpu.memory_space<vmem>>) semaphore(%arg19 : memref<!tpu.dma_semaphore, #tpu.memory_space<semaphore_mem>>)
      } else {
      }
      %mul3A_262 = arith.constant 10 : i32
      %mul3A_263 = arith.muli %scan3A_88, %mul3A_262 : i32
      %add3A_264 = arith.constant 1 : i32
      %add3A_265 = arith.addi %mul3A_263, %add3A_264 : i32
      %dma_wait3A_266 = arith.constant 0 : i32
      %dma_wait3A_267 = tpu.memref_slice %arg8[%add3A_265, %dma_wait3A_266] : memref<40x125xi32, #tpu.memory_space<vmem>> -> memref<1x125xi32, #tpu.memory_space<vmem>>
      %dma_wait3A_268 = tpu.memref_squeeze %dma_wait3A_267 : memref<1x125xi32, #tpu.memory_space<vmem>> -> memref<125xi32, #tpu.memory_space<vmem>>
      %dma_wait3A_269 = arith.constant 0 : i32
      %dma_wait3A_270 = arith.constant 0 : i32
      %dma_wait3A_271 = tpu.memref_slice %arg39[%dma_wait3A_269, %dma_wait3A_270] : memref<10240x16xf32, #tpu.memory_space<vmem_shared>> -> memref<10240x16xf32, #tpu.memory_space<vmem_shared>>
      tpu.wait_indirect_dma semaphore(%arg30 : memref<!tpu.dma_semaphore, #tpu.memory_space<semaphore_mem>>) src(%arg10 : memref<125x16xf32, #tpu.memory_space<vmem>>) dst(%dma_wait3A_271 : memref<10240x16xf32, #tpu.memory_space<vmem_shared>>)
      %add3A_272 = arith.constant 1 : i32
      %add3A_273 = arith.addi %scan3A_88, %add3A_272 : i32
      %lt3A_274 = arith.constant 4 : i32
      %lt3A_275 = arith.cmpi slt, %add3A_273, %lt3A_274 : i32
      %convert_element_type3A_276 = arith.extui %lt3A_275 : i1 to i32
      %cond3A_277 = arith.constant 0 : i32
      %cond3A_278 = arith.cmpi ne, %convert_element_type3A_276, %cond3A_277 : i32
      scf.if %cond3A_278 {
        %add3A_415 = arith.constant 10 : i32
        %add3A_416 = arith.addi %add3A_265, %add3A_415 : i32
        %dma_start3A_417 = arith.constant 0 : i32
        %dma_start3A_418 = tpu.memref_slice %arg7[%add3A_416, %dma_start3A_417] : memref<40x125xi32, #tpu.memory_space<vmem>> -> memref<1x125xi32, #tpu.memory_space<vmem>>
        %dma_start3A_419 = tpu.memref_squeeze %dma_start3A_418 : memref<1x125xi32, #tpu.memory_space<vmem>> -> memref<125xi32, #tpu.memory_space<vmem>>
        %dma_start3A_420 = arith.constant 0 : i32
        %dma_start3A_421 = arith.constant 0 : i32
        %dma_start3A_422 = tpu.memref_slice %arg2[%dma_start3A_420, %dma_start3A_421] : memref<80000x16xf32, #tpu.memory_space<hbm>> -> memref<80000x16xf32, #tpu.memory_space<hbm>>
        tpu.enqueue_indirect_dma source(%dma_start3A_422 : memref<80000x16xf32, #tpu.memory_space<hbm>>) target(%arg10 : memref<125x16xf32, #tpu.memory_space<vmem>>) offsets(%dma_start3A_419 : memref<125xi32, #tpu.memory_space<vmem>>) semaphore(%arg20 : memref<!tpu.dma_semaphore, #tpu.memory_space<semaphore_mem>>)
      } else {
      }
      %mul3A_279 = arith.constant 10 : i32
      %mul3A_280 = arith.muli %scan3A_88, %mul3A_279 : i32
      %add3A_281 = arith.constant 2 : i32
      %add3A_282 = arith.addi %mul3A_280, %add3A_281 : i32
      %dma_wait3A_283 = arith.constant 0 : i32
      %dma_wait3A_284 = tpu.memref_slice %arg8[%add3A_282, %dma_wait3A_283] : memref<40x125xi32, #tpu.memory_space<vmem>> -> memref<1x125xi32, #tpu.memory_space<vmem>>
      %dma_wait3A_285 = tpu.memref_squeeze %dma_wait3A_284 : memref<1x125xi32, #tpu.memory_space<vmem>> -> memref<125xi32, #tpu.memory_space<vmem>>
      %dma_wait3A_286 = arith.constant 0 : i32
      %dma_wait3A_287 = arith.constant 0 : i32
      %dma_wait3A_288 = tpu.memref_slice %arg39[%dma_wait3A_286, %dma_wait3A_287] : memref<10240x16xf32, #tpu.memory_space<vmem_shared>> -> memref<10240x16xf32, #tpu.memory_space<vmem_shared>>
      tpu.wait_indirect_dma semaphore(%arg31 : memref<!tpu.dma_semaphore, #tpu.memory_space<semaphore_mem>>) src(%arg11 : memref<125x16xf32, #tpu.memory_space<vmem>>) dst(%dma_wait3A_288 : memref<10240x16xf32, #tpu.memory_space<vmem_shared>>)
      %add3A_289 = arith.constant 1 : i32
      %add3A_290 = arith.addi %scan3A_88, %add3A_289 : i32
      %lt3A_291 = arith.constant 4 : i32
      %lt3A_292 = arith.cmpi slt, %add3A_290, %lt3A_291 : i32
      %convert_element_type3A_293 = arith.extui %lt3A_292 : i1 to i32
      %cond3A_294 = arith.constant 0 : i32
      %cond3A_295 = arith.cmpi ne, %convert_element_type3A_293, %cond3A_294 : i32
      scf.if %cond3A_295 {
        %add3A_415 = arith.constant 10 : i32
        %add3A_416 = arith.addi %add3A_282, %add3A_415 : i32
        %dma_start3A_417 = arith.constant 0 : i32
        %dma_start3A_418 = tpu.memref_slice %arg7[%add3A_416, %dma_start3A_417] : memref<40x125xi32, #tpu.memory_space<vmem>> -> memref<1x125xi32, #tpu.memory_space<vmem>>
        %dma_start3A_419 = tpu.memref_squeeze %dma_start3A_418 : memref<1x125xi32, #tpu.memory_space<vmem>> -> memref<125xi32, #tpu.memory_space<vmem>>
        %dma_start3A_420 = arith.constant 0 : i32
        %dma_start3A_421 = arith.constant 0 : i32
        %dma_start3A_422 = tpu.memref_slice %arg2[%dma_start3A_420, %dma_start3A_421] : memref<80000x16xf32, #tpu.memory_space<hbm>> -> memref<80000x16xf32, #tpu.memory_space<hbm>>
        tpu.enqueue_indirect_dma source(%dma_start3A_422 : memref<80000x16xf32, #tpu.memory_space<hbm>>) target(%arg11 : memref<125x16xf32, #tpu.memory_space<vmem>>) offsets(%dma_start3A_419 : memref<125xi32, #tpu.memory_space<vmem>>) semaphore(%arg21 : memref<!tpu.dma_semaphore, #tpu.memory_space<semaphore_mem>>)
      } else {
      }
      %mul3A_296 = arith.constant 10 : i32
      %mul3A_297 = arith.muli %scan3A_88, %mul3A_296 : i32
      %add3A_298 = arith.constant 3 : i32
      %add3A_299 = arith.addi %mul3A_297, %add3A_298 : i32
      %dma_wait3A_300 = arith.constant 0 : i32
      %dma_wait3A_301 = tpu.memref_slice %arg8[%add3A_299, %dma_wait3A_300] : memref<40x125xi32, #tpu.memory_space<vmem>> -> memref<1x125xi32, #tpu.memory_space<vmem>>
      %dma_wait3A_302 = tpu.memref_squeeze %dma_wait3A_301 : memref<1x125xi32, #tpu.memory_space<vmem>> -> memref<125xi32, #tpu.memory_space<vmem>>
      %dma_wait3A_303 = arith.constant 0 : i32
      %dma_wait3A_304 = arith.constant 0 : i32
      %dma_wait3A_305 = tpu.memref_slice %arg39[%dma_wait3A_303, %dma_wait3A_304] : memref<10240x16xf32, #tpu.memory_space<vmem_shared>> -> memref<10240x16xf32, #tpu.memory_space<vmem_shared>>
      tpu.wait_indirect_dma semaphore(%arg32 : memref<!tpu.dma_semaphore, #tpu.memory_space<semaphore_mem>>) src(%arg12 : memref<125x16xf32, #tpu.memory_space<vmem>>) dst(%dma_wait3A_305 : memref<10240x16xf32, #tpu.memory_space<vmem_shared>>)
      %add3A_306 = arith.constant 1 : i32
      %add3A_307 = arith.addi %scan3A_88, %add3A_306 : i32
      %lt3A_308 = arith.constant 4 : i32
      %lt3A_309 = arith.cmpi slt, %add3A_307, %lt3A_308 : i32
      %convert_element_type3A_310 = arith.extui %lt3A_309 : i1 to i32
      %cond3A_311 = arith.constant 0 : i32
      %cond3A_312 = arith.cmpi ne, %convert_element_type3A_310, %cond3A_311 : i32
      scf.if %cond3A_312 {
        %add3A_415 = arith.constant 10 : i32
        %add3A_416 = arith.addi %add3A_299, %add3A_415 : i32
        %dma_start3A_417 = arith.constant 0 : i32
        %dma_start3A_418 = tpu.memref_slice %arg7[%add3A_416, %dma_start3A_417] : memref<40x125xi32, #tpu.memory_space<vmem>> -> memref<1x125xi32, #tpu.memory_space<vmem>>
        %dma_start3A_419 = tpu.memref_squeeze %dma_start3A_418 : memref<1x125xi32, #tpu.memory_space<vmem>> -> memref<125xi32, #tpu.memory_space<vmem>>
        %dma_start3A_420 = arith.constant 0 : i32
        %dma_start3A_421 = arith.constant 0 : i32
        %dma_start3A_422 = tpu.memref_slice %arg2[%dma_start3A_420, %dma_start3A_421] : memref<80000x16xf32, #tpu.memory_space<hbm>> -> memref<80000x16xf32, #tpu.memory_space<hbm>>
        tpu.enqueue_indirect_dma source(%dma_start3A_422 : memref<80000x16xf32, #tpu.memory_space<hbm>>) target(%arg12 : memref<125x16xf32, #tpu.memory_space<vmem>>) offsets(%dma_start3A_419 : memref<125xi32, #tpu.memory_space<vmem>>) semaphore(%arg22 : memref<!tpu.dma_semaphore, #tpu.memory_space<semaphore_mem>>)
      } else {
      }
      %mul3A_313 = arith.constant 10 : i32
      %mul3A_314 = arith.muli %scan3A_88, %mul3A_313 : i32
      %add3A_315 = arith.constant 4 : i32
      %add3A_316 = arith.addi %mul3A_314, %add3A_315 : i32
      %dma_wait3A_317 = arith.constant 0 : i32
      %dma_wait3A_318 = tpu.memref_slice %arg8[%add3A_316, %dma_wait3A_317] : memref<40x125xi32, #tpu.memory_space<vmem>> -> memref<1x125xi32, #tpu.memory_space<vmem>>
      %dma_wait3A_319 = tpu.memref_squeeze %dma_wait3A_318 : memref<1x125xi32, #tpu.memory_space<vmem>> -> memref<125xi32, #tpu.memory_space<vmem>>
      %dma_wait3A_320 = arith.constant 0 : i32
      %dma_wait3A_321 = arith.constant 0 : i32
      %dma_wait3A_322 = tpu.memref_slice %arg39[%dma_wait3A_320, %dma_wait3A_321] : memref<10240x16xf32, #tpu.memory_space<vmem_shared>> -> memref<10240x16xf32, #tpu.memory_space<vmem_shared>>
      tpu.wait_indirect_dma semaphore(%arg33 : memref<!tpu.dma_semaphore, #tpu.memory_space<semaphore_mem>>) src(%arg13 : memref<125x16xf32, #tpu.memory_space<vmem>>) dst(%dma_wait3A_322 : memref<10240x16xf32, #tpu.memory_space<vmem_shared>>)
      %add3A_323 = arith.constant 1 : i32
      %add3A_324 = arith.addi %scan3A_88, %add3A_323 : i32
      %lt3A_325 = arith.constant 4 : i32
      %lt3A_326 = arith.cmpi slt, %add3A_324, %lt3A_325 : i32
      %convert_element_type3A_327 = arith.extui %lt3A_326 : i1 to i32
      %cond3A_328 = arith.constant 0 : i32
      %cond3A_329 = arith.cmpi ne, %convert_element_type3A_327, %cond3A_328 : i32
      scf.if %cond3A_329 {
        %add3A_415 = arith.constant 10 : i32
        %add3A_416 = arith.addi %add3A_316, %add3A_415 : i32
        %dma_start3A_417 = arith.constant 0 : i32
        %dma_start3A_418 = tpu.memref_slice %arg7[%add3A_416, %dma_start3A_417] : memref<40x125xi32, #tpu.memory_space<vmem>> -> memref<1x125xi32, #tpu.memory_space<vmem>>
        %dma_start3A_419 = tpu.memref_squeeze %dma_start3A_418 : memref<1x125xi32, #tpu.memory_space<vmem>> -> memref<125xi32, #tpu.memory_space<vmem>>
        %dma_start3A_420 = arith.constant 0 : i32
        %dma_start3A_421 = arith.constant 0 : i32
        %dma_start3A_422 = tpu.memref_slice %arg2[%dma_start3A_420, %dma_start3A_421] : memref<80000x16xf32, #tpu.memory_space<hbm>> -> memref<80000x16xf32, #tpu.memory_space<hbm>>
        tpu.enqueue_indirect_dma source(%dma_start3A_422 : memref<80000x16xf32, #tpu.memory_space<hbm>>) target(%arg13 : memref<125x16xf32, #tpu.memory_space<vmem>>) offsets(%dma_start3A_419 : memref<125xi32, #tpu.memory_space<vmem>>) semaphore(%arg23 : memref<!tpu.dma_semaphore, #tpu.memory_space<semaphore_mem>>)
      } else {
      }
      %mul3A_330 = arith.constant 10 : i32
      %mul3A_331 = arith.muli %scan3A_88, %mul3A_330 : i32
      %add3A_332 = arith.constant 5 : i32
      %add3A_333 = arith.addi %mul3A_331, %add3A_332 : i32
      %dma_wait3A_334 = arith.constant 0 : i32
      %dma_wait3A_335 = tpu.memref_slice %arg8[%add3A_333, %dma_wait3A_334] : memref<40x125xi32, #tpu.memory_space<vmem>> -> memref<1x125xi32, #tpu.memory_space<vmem>>
      %dma_wait3A_336 = tpu.memref_squeeze %dma_wait3A_335 : memref<1x125xi32, #tpu.memory_space<vmem>> -> memref<125xi32, #tpu.memory_space<vmem>>
      %dma_wait3A_337 = arith.constant 0 : i32
      %dma_wait3A_338 = arith.constant 0 : i32
      %dma_wait3A_339 = tpu.memref_slice %arg39[%dma_wait3A_337, %dma_wait3A_338] : memref<10240x16xf32, #tpu.memory_space<vmem_shared>> -> memref<10240x16xf32, #tpu.memory_space<vmem_shared>>
      tpu.wait_indirect_dma semaphore(%arg34 : memref<!tpu.dma_semaphore, #tpu.memory_space<semaphore_mem>>) src(%arg14 : memref<125x16xf32, #tpu.memory_space<vmem>>) dst(%dma_wait3A_339 : memref<10240x16xf32, #tpu.memory_space<vmem_shared>>)
      %add3A_340 = arith.constant 1 : i32
      %add3A_341 = arith.addi %scan3A_88, %add3A_340 : i32
      %lt3A_342 = arith.constant 4 : i32
      %lt3A_343 = arith.cmpi slt, %add3A_341, %lt3A_342 : i32
      %convert_element_type3A_344 = arith.extui %lt3A_343 : i1 to i32
      %cond3A_345 = arith.constant 0 : i32
      %cond3A_346 = arith.cmpi ne, %convert_element_type3A_344, %cond3A_345 : i32
      scf.if %cond3A_346 {
        %add3A_415 = arith.constant 10 : i32
        %add3A_416 = arith.addi %add3A_333, %add3A_415 : i32
        %dma_start3A_417 = arith.constant 0 : i32
        %dma_start3A_418 = tpu.memref_slice %arg7[%add3A_416, %dma_start3A_417] : memref<40x125xi32, #tpu.memory_space<vmem>> -> memref<1x125xi32, #tpu.memory_space<vmem>>
        %dma_start3A_419 = tpu.memref_squeeze %dma_start3A_418 : memref<1x125xi32, #tpu.memory_space<vmem>> -> memref<125xi32, #tpu.memory_space<vmem>>
        %dma_start3A_420 = arith.constant 0 : i32
        %dma_start3A_421 = arith.constant 0 : i32
        %dma_start3A_422 = tpu.memref_slice %arg2[%dma_start3A_420, %dma_start3A_421] : memref<80000x16xf32, #tpu.memory_space<hbm>> -> memref<80000x16xf32, #tpu.memory_space<hbm>>
        tpu.enqueue_indirect_dma source(%dma_start3A_422 : memref<80000x16xf32, #tpu.memory_space<hbm>>) target(%arg14 : memref<125x16xf32, #tpu.memory_space<vmem>>) offsets(%dma_start3A_419 : memref<125xi32, #tpu.memory_space<vmem>>) semaphore(%arg24 : memref<!tpu.dma_semaphore, #tpu.memory_space<semaphore_mem>>)
      } else {
      }
      %mul3A_347 = arith.constant 10 : i32
      %mul3A_348 = arith.muli %scan3A_88, %mul3A_347 : i32
      %add3A_349 = arith.constant 6 : i32
      %add3A_350 = arith.addi %mul3A_348, %add3A_349 : i32
      %dma_wait3A_351 = arith.constant 0 : i32
      %dma_wait3A_352 = tpu.memref_slice %arg8[%add3A_350, %dma_wait3A_351] : memref<40x125xi32, #tpu.memory_space<vmem>> -> memref<1x125xi32, #tpu.memory_space<vmem>>
      %dma_wait3A_353 = tpu.memref_squeeze %dma_wait3A_352 : memref<1x125xi32, #tpu.memory_space<vmem>> -> memref<125xi32, #tpu.memory_space<vmem>>
      %dma_wait3A_354 = arith.constant 0 : i32
      %dma_wait3A_355 = arith.constant 0 : i32
      %dma_wait3A_356 = tpu.memref_slice %arg39[%dma_wait3A_354, %dma_wait3A_355] : memref<10240x16xf32, #tpu.memory_space<vmem_shared>> -> memref<10240x16xf32, #tpu.memory_space<vmem_shared>>
      tpu.wait_indirect_dma semaphore(%arg35 : memref<!tpu.dma_semaphore, #tpu.memory_space<semaphore_mem>>) src(%arg15 : memref<125x16xf32, #tpu.memory_space<vmem>>) dst(%dma_wait3A_356 : memref<10240x16xf32, #tpu.memory_space<vmem_shared>>)
      %add3A_357 = arith.constant 1 : i32
      %add3A_358 = arith.addi %scan3A_88, %add3A_357 : i32
      %lt3A_359 = arith.constant 4 : i32
      %lt3A_360 = arith.cmpi slt, %add3A_358, %lt3A_359 : i32
      %convert_element_type3A_361 = arith.extui %lt3A_360 : i1 to i32
      %cond3A_362 = arith.constant 0 : i32
      %cond3A_363 = arith.cmpi ne, %convert_element_type3A_361, %cond3A_362 : i32
      scf.if %cond3A_363 {
        %add3A_415 = arith.constant 10 : i32
        %add3A_416 = arith.addi %add3A_350, %add3A_415 : i32
        %dma_start3A_417 = arith.constant 0 : i32
        %dma_start3A_418 = tpu.memref_slice %arg7[%add3A_416, %dma_start3A_417] : memref<40x125xi32, #tpu.memory_space<vmem>> -> memref<1x125xi32, #tpu.memory_space<vmem>>
        %dma_start3A_419 = tpu.memref_squeeze %dma_start3A_418 : memref<1x125xi32, #tpu.memory_space<vmem>> -> memref<125xi32, #tpu.memory_space<vmem>>
        %dma_start3A_420 = arith.constant 0 : i32
        %dma_start3A_421 = arith.constant 0 : i32
        %dma_start3A_422 = tpu.memref_slice %arg2[%dma_start3A_420, %dma_start3A_421] : memref<80000x16xf32, #tpu.memory_space<hbm>> -> memref<80000x16xf32, #tpu.memory_space<hbm>>
        tpu.enqueue_indirect_dma source(%dma_start3A_422 : memref<80000x16xf32, #tpu.memory_space<hbm>>) target(%arg15 : memref<125x16xf32, #tpu.memory_space<vmem>>) offsets(%dma_start3A_419 : memref<125xi32, #tpu.memory_space<vmem>>) semaphore(%arg25 : memref<!tpu.dma_semaphore, #tpu.memory_space<semaphore_mem>>)
      } else {
      }
      %mul3A_364 = arith.constant 10 : i32
      %mul3A_365 = arith.muli %scan3A_88, %mul3A_364 : i32
      %add3A_366 = arith.constant 7 : i32
      %add3A_367 = arith.addi %mul3A_365, %add3A_366 : i32
      %dma_wait3A_368 = arith.constant 0 : i32
      %dma_wait3A_369 = tpu.memref_slice %arg8[%add3A_367, %dma_wait3A_368] : memref<40x125xi32, #tpu.memory_space<vmem>> -> memref<1x125xi32, #tpu.memory_space<vmem>>
      %dma_wait3A_370 = tpu.memref_squeeze %dma_wait3A_369 : memref<1x125xi32, #tpu.memory_space<vmem>> -> memref<125xi32, #tpu.memory_space<vmem>>
      %dma_wait3A_371 = arith.constant 0 : i32
      %dma_wait3A_372 = arith.constant 0 : i32
      %dma_wait3A_373 = tpu.memref_slice %arg39[%dma_wait3A_371, %dma_wait3A_372] : memref<10240x16xf32, #tpu.memory_space<vmem_shared>> -> memref<10240x16xf32, #tpu.memory_space<vmem_shared>>
      tpu.wait_indirect_dma semaphore(%arg36 : memref<!tpu.dma_semaphore, #tpu.memory_space<semaphore_mem>>) src(%arg16 : memref<125x16xf32, #tpu.memory_space<vmem>>) dst(%dma_wait3A_373 : memref<10240x16xf32, #tpu.memory_space<vmem_shared>>)
      %add3A_374 = arith.constant 1 : i32
      %add3A_375 = arith.addi %scan3A_88, %add3A_374 : i32
      %lt3A_376 = arith.constant 4 : i32
      %lt3A_377 = arith.cmpi slt, %add3A_375, %lt3A_376 : i32
      %convert_element_type3A_378 = arith.extui %lt3A_377 : i1 to i32
      %cond3A_379 = arith.constant 0 : i32
      %cond3A_380 = arith.cmpi ne, %convert_element_type3A_378, %cond3A_379 : i32
      scf.if %cond3A_380 {
        %add3A_415 = arith.constant 10 : i32
        %add3A_416 = arith.addi %add3A_367, %add3A_415 : i32
        %dma_start3A_417 = arith.constant 0 : i32
        %dma_start3A_418 = tpu.memref_slice %arg7[%add3A_416, %dma_start3A_417] : memref<40x125xi32, #tpu.memory_space<vmem>> -> memref<1x125xi32, #tpu.memory_space<vmem>>
        %dma_start3A_419 = tpu.memref_squeeze %dma_start3A_418 : memref<1x125xi32, #tpu.memory_space<vmem>> -> memref<125xi32, #tpu.memory_space<vmem>>
        %dma_start3A_420 = arith.constant 0 : i32
        %dma_start3A_421 = arith.constant 0 : i32
        %dma_start3A_422 = tpu.memref_slice %arg2[%dma_start3A_420, %dma_start3A_421] : memref<80000x16xf32, #tpu.memory_space<hbm>> -> memref<80000x16xf32, #tpu.memory_space<hbm>>
        tpu.enqueue_indirect_dma source(%dma_start3A_422 : memref<80000x16xf32, #tpu.memory_space<hbm>>) target(%arg16 : memref<125x16xf32, #tpu.memory_space<vmem>>) offsets(%dma_start3A_419 : memref<125xi32, #tpu.memory_space<vmem>>) semaphore(%arg26 : memref<!tpu.dma_semaphore, #tpu.memory_space<semaphore_mem>>)
      } else {
      }
      %mul3A_381 = arith.constant 10 : i32
      %mul3A_382 = arith.muli %scan3A_88, %mul3A_381 : i32
      %add3A_383 = arith.constant 8 : i32
      %add3A_384 = arith.addi %mul3A_382, %add3A_383 : i32
      %dma_wait3A_385 = arith.constant 0 : i32
      %dma_wait3A_386 = tpu.memref_slice %arg8[%add3A_384, %dma_wait3A_385] : memref<40x125xi32, #tpu.memory_space<vmem>> -> memref<1x125xi32, #tpu.memory_space<vmem>>
      %dma_wait3A_387 = tpu.memref_squeeze %dma_wait3A_386 : memref<1x125xi32, #tpu.memory_space<vmem>> -> memref<125xi32, #tpu.memory_space<vmem>>
      %dma_wait3A_388 = arith.constant 0 : i32
      %dma_wait3A_389 = arith.constant 0 : i32
      %dma_wait3A_390 = tpu.memref_slice %arg39[%dma_wait3A_388, %dma_wait3A_389] : memref<10240x16xf32, #tpu.memory_space<vmem_shared>> -> memref<10240x16xf32, #tpu.memory_space<vmem_shared>>
      tpu.wait_indirect_dma semaphore(%arg37 : memref<!tpu.dma_semaphore, #tpu.memory_space<semaphore_mem>>) src(%arg17 : memref<125x16xf32, #tpu.memory_space<vmem>>) dst(%dma_wait3A_390 : memref<10240x16xf32, #tpu.memory_space<vmem_shared>>)
      %add3A_391 = arith.constant 1 : i32
      %add3A_392 = arith.addi %scan3A_88, %add3A_391 : i32
      %lt3A_393 = arith.constant 4 : i32
      %lt3A_394 = arith.cmpi slt, %add3A_392, %lt3A_393 : i32
      %convert_element_type3A_395 = arith.extui %lt3A_394 : i1 to i32
      %cond3A_396 = arith.constant 0 : i32
      %cond3A_397 = arith.cmpi ne, %convert_element_type3A_395, %cond3A_396 : i32
      scf.if %cond3A_397 {
        %add3A_415 = arith.constant 10 : i32
        %add3A_416 = arith.addi %add3A_384, %add3A_415 : i32
        %dma_start3A_417 = arith.constant 0 : i32
        %dma_start3A_418 = tpu.memref_slice %arg7[%add3A_416, %dma_start3A_417] : memref<40x125xi32, #tpu.memory_space<vmem>> -> memref<1x125xi32, #tpu.memory_space<vmem>>
        %dma_start3A_419 = tpu.memref_squeeze %dma_start3A_418 : memref<1x125xi32, #tpu.memory_space<vmem>> -> memref<125xi32, #tpu.memory_space<vmem>>
        %dma_start3A_420 = arith.constant 0 : i32
        %dma_start3A_421 = arith.constant 0 : i32
        %dma_start3A_422 = tpu.memref_slice %arg2[%dma_start3A_420, %dma_start3A_421] : memref<80000x16xf32, #tpu.memory_space<hbm>> -> memref<80000x16xf32, #tpu.memory_space<hbm>>
        tpu.enqueue_indirect_dma source(%dma_start3A_422 : memref<80000x16xf32, #tpu.memory_space<hbm>>) target(%arg17 : memref<125x16xf32, #tpu.memory_space<vmem>>) offsets(%dma_start3A_419 : memref<125xi32, #tpu.memory_space<vmem>>) semaphore(%arg27 : memref<!tpu.dma_semaphore, #tpu.memory_space<semaphore_mem>>)
      } else {
      }
      %mul3A_398 = arith.constant 10 : i32
      %mul3A_399 = arith.muli %scan3A_88, %mul3A_398 : i32
      %add3A_400 = arith.constant 9 : i32
      %add3A_401 = arith.addi %mul3A_399, %add3A_400 : i32
      %dma_wait3A_402 = arith.constant 0 : i32
      %dma_wait3A_403 = tpu.memref_slice %arg8[%add3A_401, %dma_wait3A_402] : memref<40x125xi32, #tpu.memory_space<vmem>> -> memref<1x125xi32, #tpu.memory_space<vmem>>
      %dma_wait3A_404 = tpu.memref_squeeze %dma_wait3A_403 : memref<1x125xi32, #tpu.memory_space<vmem>> -> memref<125xi32, #tpu.memory_space<vmem>>
      %dma_wait3A_405 = arith.constant 0 : i32
      %dma_wait3A_406 = arith.constant 0 : i32
      %dma_wait3A_407 = tpu.memref_slice %arg39[%dma_wait3A_405, %dma_wait3A_406] : memref<10240x16xf32, #tpu.memory_space<vmem_shared>> -> memref<10240x16xf32, #tpu.memory_space<vmem_shared>>
      tpu.wait_indirect_dma semaphore(%arg38 : memref<!tpu.dma_semaphore, #tpu.memory_space<semaphore_mem>>) src(%arg18 : memref<125x16xf32, #tpu.memory_space<vmem>>) dst(%dma_wait3A_407 : memref<10240x16xf32, #tpu.memory_space<vmem_shared>>)
      %add3A_408 = arith.constant 1 : i32
      %add3A_409 = arith.addi %scan3A_88, %add3A_408 : i32
      %lt3A_410 = arith.constant 4 : i32
      %lt3A_411 = arith.cmpi slt, %add3A_409, %lt3A_410 : i32
      %convert_element_type3A_412 = arith.extui %lt3A_411 : i1 to i32
      %cond3A_413 = arith.constant 0 : i32
      %cond3A_414 = arith.cmpi ne, %convert_element_type3A_412, %cond3A_413 : i32
      scf.if %cond3A_414 {
        %add3A_415 = arith.constant 10 : i32
        %add3A_416 = arith.addi %add3A_401, %add3A_415 : i32
        %dma_start3A_417 = arith.constant 0 : i32
        %dma_start3A_418 = tpu.memref_slice %arg7[%add3A_416, %dma_start3A_417] : memref<40x125xi32, #tpu.memory_space<vmem>> -> memref<1x125xi32, #tpu.memory_space<vmem>>
        %dma_start3A_419 = tpu.memref_squeeze %dma_start3A_418 : memref<1x125xi32, #tpu.memory_space<vmem>> -> memref<125xi32, #tpu.memory_space<vmem>>
        %dma_start3A_420 = arith.constant 0 : i32
        %dma_start3A_421 = arith.constant 0 : i32
        %dma_start3A_422 = tpu.memref_slice %arg2[%dma_start3A_420, %dma_start3A_421] : memref<80000x16xf32, #tpu.memory_space<hbm>> -> memref<80000x16xf32, #tpu.memory_space<hbm>>
        tpu.enqueue_indirect_dma source(%dma_start3A_422 : memref<80000x16xf32, #tpu.memory_space<hbm>>) target(%arg18 : memref<125x16xf32, #tpu.memory_space<vmem>>) offsets(%dma_start3A_419 : memref<125xi32, #tpu.memory_space<vmem>>) semaphore(%arg28 : memref<!tpu.dma_semaphore, #tpu.memory_space<semaphore_mem>>)
      } else {
      }
    }
    %scan3A_82 = arith.constant 4 : i32
    %barrier3A_83 = arith.constant 0 : index
    tpu.barrier barrier_id(%barrier3A_83)
    %mul3A_84 = arith.constant 640 : i32
    %mul3A_85 = arith.muli %arg1, %mul3A_84 : i32
    %mul3A_86 = arith.constant 640 : i32
    %mul3A_87 = arith.muli %arg1, %mul3A_86 : i32
    "tpu.region"() ({
      %run_scoped3A = tpu.sem_alloc : memref<!tpu.dma_semaphore, #tpu.memory_space<semaphore_mem>>
      %dma_start3A_88 = arith.constant 0 : i32
      %dma_start3A_89 = arith.constant 0 : i32
      %dma_start3A_90 = tpu.memref_slice %arg6[%arg0, %dma_start3A_88, %dma_start3A_89] : memref<2x10240x128xf32, #tpu.memory_space<hbm>> -> memref<1x10240x128xf32, #tpu.memory_space<hbm>>
      %dma_start3A_91 = tpu.memref_squeeze %dma_start3A_90 : memref<1x10240x128xf32, #tpu.memory_space<hbm>> -> memref<10240x128xf32, #tpu.memory_space<hbm>>
      %dma_start3A_92 = arith.constant 0 : i32
      %dma_start3A_93 = tpu.memref_slice %dma_start3A_91[%mul3A_87, %dma_start3A_92] : memref<10240x128xf32, #tpu.memory_space<hbm>> -> memref<640x16xf32, #tpu.memory_space<hbm>>
      %dma_start3A_94 = arith.constant 0 : i32
      %dma_start3A_95 = tpu.memref_slice %arg39[%mul3A_85, %dma_start3A_94] : memref<10240x16xf32, #tpu.memory_space<vmem_shared>> -> memref<640x16xf32, #tpu.memory_space<vmem_shared>>
      tpu.enqueue_dma source(%dma_start3A_95 : memref<640x16xf32, #tpu.memory_space<vmem_shared>>) target(%dma_start3A_93 : memref<640x16xf32, #tpu.memory_space<hbm>>) target_semaphore(%run_scoped3A : memref<!tpu.dma_semaphore, #tpu.memory_space<semaphore_mem>>)
      %dma_wait3A = arith.constant 0 : i32
      %dma_wait3A_96 = arith.constant 0 : i32
      %dma_wait3A_97 = tpu.memref_slice %arg6[%arg0, %dma_wait3A, %dma_wait3A_96] : memref<2x10240x128xf32, #tpu.memory_space<hbm>> -> memref<1x10240x128xf32, #tpu.memory_space<hbm>>
      %dma_wait3A_98 = tpu.memref_squeeze %dma_wait3A_97 : memref<1x10240x128xf32, #tpu.memory_space<hbm>> -> memref<10240x128xf32, #tpu.memory_space<hbm>>
      %dma_wait3A_99 = arith.constant 0 : i32
      %dma_wait3A_100 = tpu.memref_slice %dma_wait3A_98[%mul3A_87, %dma_wait3A_99] : memref<10240x128xf32, #tpu.memory_space<hbm>> -> memref<640x16xf32, #tpu.memory_space<hbm>>
      %dma_wait3A_101 = arith.constant 0 : i32
      %dma_wait3A_102 = tpu.memref_slice %arg39[%mul3A_85, %dma_wait3A_101] : memref<10240x16xf32, #tpu.memory_space<vmem_shared>> -> memref<640x16xf32, #tpu.memory_space<vmem_shared>>
      tpu.wait_dma2 semaphore(%run_scoped3A : memref<!tpu.dma_semaphore, #tpu.memory_space<semaphore_mem>>) src(%dma_wait3A_102 : memref<640x16xf32, #tpu.memory_space<vmem_shared>>) dst(%dma_wait3A_100 : memref<640x16xf32, #tpu.memory_space<hbm>>)
      tpu.yield
    }) : () -> ()
    return
  }
}

module attributes {stable_mosaic.version = 14 : i64} {
  func.func @_tcms_body(%arg0: i32, %arg1: memref<2000x256xf32, #tpu.memory_space<vmem>>, %arg2: memref<256x64xf32, #tpu.memory_space<vmem>>, %arg3: memref<2x2000x128xf32, #tpu.memory_space<vmem>>, %arg4: memref<2000x128xf32, #tpu.memory_space<vmem>>, %arg5: memref<2000x1xf32, #tpu.memory_space<vmem>>) attributes {dimension_semantics = [#tpu.dimension_semantics<arbitrary>], iteration_bounds = array<i64: 5>, scalar_prefetch = 0 : i64, scratch_operands = 0 : i64, tpu.core_type = #tpu.core_type<tc>, window_params = [{transform_indices = @transform_0, window_bounds = array<i64: 2000, 256>}, {pipeline_mode = #tpu.pipeline_mode<synchronous>, transform_indices = @transform_1, window_bounds = array<i64: 256, 64>}, {transform_indices = @transform_2, window_bounds = array<i64: 2, 2000, 128>}, {transform_indices = @transform_3, window_bounds = array<i64: 2000, 128>}, {transform_indices = @transform_4, window_bounds = array<i64: 2000, 1>}]} {
    %get3A = arith.constant 0 : index
    %get3A_0 = arith.constant 0 : index
    %get3A_1 = arith.constant 0 : index
    %get3A_2 = vector.load %arg3[%get3A, %get3A_0, %get3A_1] : memref<2x2000x128xf32, #tpu.memory_space<vmem>>, vector<1x2000x1xf32>
    %get3A_3 = vector.shape_cast %get3A_2 : vector<1x2000x1xf32> to vector<2000x1xf32>
    %get3A_4 = arith.constant 1 : index
    %get3A_5 = arith.constant 0 : index
    %get3A_6 = arith.constant 0 : index
    %get3A_7 = vector.load %arg3[%get3A_4, %get3A_5, %get3A_6] : memref<2x2000x128xf32, #tpu.memory_space<vmem>>, vector<1x2000x1xf32>
    %get3A_8 = vector.shape_cast %get3A_7 : vector<1x2000x1xf32> to vector<2000x1xf32>
    %add3A = arith.addf %get3A_3, %get3A_8 : vector<2000x1xf32>
    %add3A_9 = arith.constant 1.000000e+00 : f32
    %add3A_10 = vector.broadcast %add3A_9 : f32 to vector<2000x1xf32>
    %add3A_11 = arith.addf %add3A, %add3A_10 : vector<2000x1xf32>
    %rsqrt3A = math.rsqrt %add3A_11 : vector<2000x1xf32>
    %get3A_12 = arith.constant 0 : index
    %get3A_13 = arith.constant 0 : index
    %get3A_14 = vector.load %arg1[%get3A_12, %get3A_13] : memref<2000x256xf32, #tpu.memory_space<vmem>>, vector<2000x256xf32>
    %get3A_15 = arith.constant 0 : index
    %get3A_16 = arith.constant 0 : index
    %get3A_17 = vector.load %arg2[%get3A_15, %get3A_16] : memref<256x64xf32, #tpu.memory_space<vmem>>, vector<256x64xf32>
    %dot_general3A = arith.constant dense<0.000000e+00> : vector<2000x64xf32>
    %dot_general3A_18 = tpu.matmul %get3A_14, %get3A_17, %dot_general3A {dimension_numbers = #tpu.dot_dimension_numbers<[1], [0], [0], [1], [0, 0, 1, 1], [], []>, transpose_lhs_hint = false} : vector<2000x256xf32>, vector<256x64xf32>, vector<2000x64xf32> -> vector<2000x64xf32>
    %mul3A = vector.broadcast %rsqrt3A : vector<2000x1xf32> to vector<2000x64xf32>
    %mul3A_19 = arith.mulf %dot_general3A_18, %mul3A : vector<2000x64xf32>
    %broadcast_in_dim3A = arith.constant 0.000000e+00 : f32
    %broadcast_in_dim3A_20 = vector.broadcast %broadcast_in_dim3A : f32 to vector<2000x64xf32>
    %concatenate3A = tpu.concatenate %mul3A_19, %broadcast_in_dim3A_20 in 1 : vector<2000x64xf32>, vector<2000x64xf32> -> vector<2000x128xf32>
    %swap3A = arith.constant 0 : index
    %swap3A_21 = arith.constant 0 : index
    %swap3A_22 = vector.load %arg4[%swap3A, %swap3A_21] : memref<2000x128xf32, #tpu.memory_space<vmem>>, vector<2000x128xf32>
    tpu.vector_store %arg4[%swap3A, %swap3A_21], %concatenate3A {strides = array<i32>} : memref<2000x128xf32, #tpu.memory_space<vmem>>, vector<2000x128xf32>,
    %swap3A_23 = arith.constant 0 : index
    %swap3A_24 = arith.constant 0 : index
    %swap3A_25 = vector.load %arg5[%swap3A_23, %swap3A_24] : memref<2000x1xf32, #tpu.memory_space<vmem>>, vector<2000x1xf32>
    tpu.vector_store %arg5[%swap3A_23, %swap3A_24], %rsqrt3A {strides = array<i32>} : memref<2000x1xf32, #tpu.memory_space<vmem>>, vector<2000x1xf32>,
    return
  }
  func.func @transform_0(%arg0: i32) -> (i32, i32) {
    %c0_i32 = arith.constant 0 : i32
    %c0_i32_0 = arith.constant 0 : i32
    return %arg0, %c0_i32 : i32, i32
  }
  func.func @transform_1(%arg0: i32) -> (i32, i32) {
    %c0_i32 = arith.constant 0 : i32
    %c0_i32_0 = arith.constant 0 : i32
    %c0_i32_1 = arith.constant 0 : i32
    return %c0_i32, %c0_i32_0 : i32, i32
  }
  func.func @transform_2(%arg0: i32) -> (i32, i32, i32) {
    %c0_i32 = arith.constant 0 : i32
    %c0_i32_0 = arith.constant 0 : i32
    %c0_i32_1 = arith.constant 0 : i32
    return %c0_i32, %arg0, %c0_i32_0 : i32, i32, i32
  }
  func.func @transform_3(%arg0: i32) -> (i32, i32) {
    %c0_i32 = arith.constant 0 : i32
    %c0_i32_0 = arith.constant 0 : i32
    return %arg0, %c0_i32 : i32, i32
  }
  func.func @transform_4(%arg0: i32) -> (i32, i32) {
    %c0_i32 = arith.constant 0 : i32
    %c0_i32_0 = arith.constant 0 : i32
    return %arg0, %c0_i32 : i32, i32
  }
}

module attributes {stable_mosaic.version = 14 : i64} {
  func.func @_tcb_body(%arg0: i32, %arg1: memref<2x2000x128xf32, #tpu.memory_space<vmem>>, %arg2: memref<2000x128xf32, #tpu.memory_space<vmem>>, %arg3: memref<2000x1xf32, #tpu.memory_space<vmem>>, %arg4: memref<1x64xf32, #tpu.memory_space<vmem>>, %arg5: memref<64x128xf32, #tpu.memory_space<vmem>>, %arg6: memref<2000x128xf32, #tpu.memory_space<vmem>>) attributes {dimension_semantics = [#tpu.dimension_semantics<arbitrary>], iteration_bounds = array<i64: 5>, scalar_prefetch = 0 : i64, scratch_operands = 0 : i64, tpu.core_type = #tpu.core_type<tc>, window_params = [{transform_indices = @transform_0, window_bounds = array<i64: 2, 2000, 128>}, {transform_indices = @transform_1, window_bounds = array<i64: 2000, 128>}, {transform_indices = @transform_2, window_bounds = array<i64: 2000, 1>}, {pipeline_mode = #tpu.pipeline_mode<synchronous>, transform_indices = @transform_3, window_bounds = array<i64: 1, 64>}, {pipeline_mode = #tpu.pipeline_mode<synchronous>, transform_indices = @transform_4, window_bounds = array<i64: 64, 128>}, {transform_indices = @transform_5, window_bounds = array<i64: 2000, 128>}]} {
    %get3A = arith.constant 0 : index
    %get3A_0 = arith.constant 0 : index
    %get3A_1 = vector.load %arg3[%get3A, %get3A_0] : memref<2000x1xf32, #tpu.memory_space<vmem>>, vector<2000x1xf32>
    %get3A_2 = arith.constant 0 : index
    %get3A_3 = arith.constant 0 : index
    %get3A_4 = arith.constant 0 : index
    %get3A_5 = vector.load %arg1[%get3A_2, %get3A_3, %get3A_4] : memref<2x2000x128xf32, #tpu.memory_space<vmem>>, vector<1x2000x64xf32>
    %get3A_6 = vector.shape_cast %get3A_5 : vector<1x2000x64xf32> to vector<2000x64xf32>
    %get3A_7 = arith.constant 1 : index
    %get3A_8 = arith.constant 0 : index
    %get3A_9 = arith.constant 0 : index
    %get3A_10 = vector.load %arg1[%get3A_7, %get3A_8, %get3A_9] : memref<2x2000x128xf32, #tpu.memory_space<vmem>>, vector<1x2000x64xf32>
    %get3A_11 = vector.shape_cast %get3A_10 : vector<1x2000x64xf32> to vector<2000x64xf32>
    %add3A = arith.addf %get3A_6, %get3A_11 : vector<2000x64xf32>
    %get3A_12 = arith.constant 0 : index
    %get3A_13 = arith.constant 0 : index
    %get3A_14 = vector.load %arg2[%get3A_12, %get3A_13] : memref<2000x128xf32, #tpu.memory_space<vmem>>, vector<2000x64xf32>
    %add3A_15 = arith.addf %add3A, %get3A_14 : vector<2000x64xf32>
    %mul3A = vector.broadcast %get3A_1 : vector<2000x1xf32> to vector<2000x64xf32>
    %mul3A_16 = arith.mulf %add3A_15, %mul3A : vector<2000x64xf32>
    %get3A_17 = arith.constant 0 : index
    %get3A_18 = arith.constant 0 : index
    %get3A_19 = vector.load %arg4[%get3A_17, %get3A_18] : memref<1x64xf32, #tpu.memory_space<vmem>>, vector<1x64xf32>
    %add3A_20 = vector.broadcast %get3A_19 : vector<1x64xf32> to vector<2000x64xf32>
    %add3A_21 = arith.addf %mul3A_16, %add3A_20 : vector<2000x64xf32>
    %ge3A = arith.constant 0.000000e+00 : f32
    %ge3A_22 = vector.broadcast %ge3A : f32 to vector<2000x64xf32>
    %ge3A_23 = arith.cmpf oge, %add3A_21, %ge3A_22 : vector<2000x64xf32>
    %mul3A_24 = arith.constant 0.00999999977 : f32
    %mul3A_25 = vector.broadcast %mul3A_24 : f32 to vector<2000x64xf32>
    %mul3A_26 = arith.mulf %mul3A_25, %add3A_21 : vector<2000x64xf32>
    %select_n3A = arith.select %ge3A_23, %add3A_21, %mul3A_26 : vector<2000x64xi1>, vector<2000x64xf32>
    %get3A_27 = arith.constant 0 : index
    %get3A_28 = arith.constant 0 : index
    %get3A_29 = vector.load %arg5[%get3A_27, %get3A_28] : memref<64x128xf32, #tpu.memory_space<vmem>>, vector<64x128xf32>
    %dot_general3A = arith.constant dense<0.000000e+00> : vector<2000x128xf32>
    %dot_general3A_30 = tpu.matmul %select_n3A, %get3A_29, %dot_general3A {dimension_numbers = #tpu.dot_dimension_numbers<[1], [0], [0], [1], [0, 0, 1, 1], [], []>, transpose_lhs_hint = false} : vector<2000x64xf32>, vector<64x128xf32>, vector<2000x128xf32> -> vector<2000x128xf32>
    %mul3A_31 = vector.broadcast %get3A_1 : vector<2000x1xf32> to vector<2000x128xf32>
    %mul3A_32 = arith.mulf %dot_general3A_30, %mul3A_31 : vector<2000x128xf32>
    %swap3A = arith.constant 0 : index
    %swap3A_33 = arith.constant 0 : index
    %swap3A_34 = vector.load %arg6[%swap3A, %swap3A_33] : memref<2000x128xf32, #tpu.memory_space<vmem>>, vector<2000x128xf32>
    tpu.vector_store %arg6[%swap3A, %swap3A_33], %mul3A_32 {strides = array<i32>} : memref<2000x128xf32, #tpu.memory_space<vmem>>, vector<2000x128xf32>,
    return
  }
  func.func @transform_0(%arg0: i32) -> (i32, i32, i32) {
    %c0_i32 = arith.constant 0 : i32
    %c0_i32_0 = arith.constant 0 : i32
    %c0_i32_1 = arith.constant 0 : i32
    return %c0_i32, %arg0, %c0_i32_0 : i32, i32, i32
  }
  func.func @transform_1(%arg0: i32) -> (i32, i32) {
    %c0_i32 = arith.constant 0 : i32
    %c0_i32_0 = arith.constant 0 : i32
    return %arg0, %c0_i32 : i32, i32
  }
  func.func @transform_2(%arg0: i32) -> (i32, i32) {
    %c0_i32 = arith.constant 0 : i32
    %c0_i32_0 = arith.constant 0 : i32
    return %arg0, %c0_i32 : i32, i32
  }
  func.func @transform_3(%arg0: i32) -> (i32, i32) {
    %c0_i32 = arith.constant 0 : i32
    %c0_i32_0 = arith.constant 0 : i32
    %c0_i32_1 = arith.constant 0 : i32
    return %c0_i32, %c0_i32_0 : i32, i32
  }
  func.func @transform_4(%arg0: i32) -> (i32, i32) {
    %c0_i32 = arith.constant 0 : i32
    %c0_i32_0 = arith.constant 0 : i32
    %c0_i32_1 = arith.constant 0 : i32
    return %c0_i32, %c0_i32_0 : i32, i32
  }
  func.func @transform_5(%arg0: i32) -> (i32, i32) {
    %c0_i32 = arith.constant 0 : i32
    %c0_i32_0 = arith.constant 0 : i32
    return %arg0, %c0_i32 : i32, i32
  }
}

module attributes {stable_mosaic.version = 14 : i64} {
  func.func @_tcc_body(%arg0: i32, %arg1: memref<2x2000x128xf32, #tpu.memory_space<vmem>>, %arg2: memref<2000x128xf32, #tpu.memory_space<vmem>>, %arg3: memref<2000x1xf32, #tpu.memory_space<vmem>>, %arg4: memref<1x16xf32, #tpu.memory_space<vmem>>, %arg5: memref<2000x4xf32, #tpu.memory_space<vmem>>) attributes {dimension_semantics = [#tpu.dimension_semantics<arbitrary>], iteration_bounds = array<i64: 5>, scalar_prefetch = 0 : i64, scratch_operands = 0 : i64, tpu.core_type = #tpu.core_type<tc>, window_params = [{transform_indices = @transform_0, window_bounds = array<i64: 2, 2000, 128>}, {transform_indices = @transform_1, window_bounds = array<i64: 2000, 128>}, {transform_indices = @transform_2, window_bounds = array<i64: 2000, 1>}, {pipeline_mode = #tpu.pipeline_mode<synchronous>, transform_indices = @transform_3, window_bounds = array<i64: 1, 16>}, {transform_indices = @transform_4, window_bounds = array<i64: 2000, 4>}]} {
    %get3A = arith.constant 0 : index
    %get3A_0 = arith.constant 0 : index
    %get3A_1 = arith.constant 0 : index
    %get3A_2 = vector.load %arg1[%get3A, %get3A_0, %get3A_1] : memref<2x2000x128xf32, #tpu.memory_space<vmem>>, vector<1x2000x16xf32>
    %get3A_3 = vector.shape_cast %get3A_2 : vector<1x2000x16xf32> to vector<2000x16xf32>
    %get3A_4 = arith.constant 1 : index
    %get3A_5 = arith.constant 0 : index
    %get3A_6 = arith.constant 0 : index
    %get3A_7 = vector.load %arg1[%get3A_4, %get3A_5, %get3A_6] : memref<2x2000x128xf32, #tpu.memory_space<vmem>>, vector<1x2000x16xf32>
    %get3A_8 = vector.shape_cast %get3A_7 : vector<1x2000x16xf32> to vector<2000x16xf32>
    %add3A = arith.addf %get3A_3, %get3A_8 : vector<2000x16xf32>
    %get3A_9 = arith.constant 0 : index
    %get3A_10 = arith.constant 0 : index
    %get3A_11 = vector.load %arg2[%get3A_9, %get3A_10] : memref<2000x128xf32, #tpu.memory_space<vmem>>, vector<2000x16xf32>
    %add3A_12 = arith.addf %add3A, %get3A_11 : vector<2000x16xf32>
    %get3A_13 = arith.constant 0 : index
    %get3A_14 = arith.constant 0 : index
    %get3A_15 = vector.load %arg3[%get3A_13, %get3A_14] : memref<2000x1xf32, #tpu.memory_space<vmem>>, vector<2000x1xf32>
    %mul3A = vector.broadcast %get3A_15 : vector<2000x1xf32> to vector<2000x16xf32>
    %mul3A_16 = arith.mulf %add3A_12, %mul3A : vector<2000x16xf32>
    %get3A_17 = arith.constant 0 : index
    %get3A_18 = arith.constant 0 : index
    %get3A_19 = vector.load %arg4[%get3A_17, %get3A_18] : memref<1x16xf32, #tpu.memory_space<vmem>>, vector<1x16xf32>
    %add3A_20 = vector.broadcast %get3A_19 : vector<1x16xf32> to vector<2000x16xf32>
    %add3A_21 = arith.addf %mul3A_16, %add3A_20 : vector<2000x16xf32>
    %reduce_max3A = arith.constant dense<0xFF800000> : vector<2000xf32>
    %reduce_max3A_22 = vector.multi_reduction <maximumf>, %add3A_21, %reduce_max3A [1] : vector<2000x16xf32> to vector<2000xf32>
    %broadcast_in_dim3A = vector.shape_cast %reduce_max3A_22 : vector<2000xf32> to vector<2000x1xf32>
    %sub3A = vector.broadcast %broadcast_in_dim3A : vector<2000x1xf32> to vector<2000x16xf32>
    %sub3A_23 = arith.subf %add3A_21, %sub3A : vector<2000x16xf32>
    %exp3A = math.exp %sub3A_23 : vector<2000x16xf32>
    %reduce_sum3A = arith.constant dense<0.000000e+00> : vector<2000xf32>
    %reduce_sum3A_24 = vector.multi_reduction <add>, %exp3A, %reduce_sum3A [1] : vector<2000x16xf32> to vector<2000xf32>
    %broadcast_in_dim3A_25 = vector.shape_cast %reduce_sum3A_24 : vector<2000xf32> to vector<2000x1xf32>
    %div3A = vector.broadcast %broadcast_in_dim3A_25 : vector<2000x1xf32> to vector<2000x16xf32>
    %div3A_26 = arith.divf %exp3A, %div3A : vector<2000x16xf32>
    %slice3A = vector.extract_strided_slice %div3A_26 {offsets = [0, 0], sizes = [2000, 4], strides = [1, 1]} : vector<2000x16xf32> to vector<2000x4xf32>
    %swap3A = arith.constant 0 : index
    %swap3A_27 = arith.constant 0 : index
    %swap3A_28 = vector.load %arg5[%swap3A, %swap3A_27] : memref<2000x4xf32, #tpu.memory_space<vmem>>, vector<2000x4xf32>
    tpu.vector_store %arg5[%swap3A, %swap3A_27], %slice3A {strides = array<i32>} : memref<2000x4xf32, #tpu.memory_space<vmem>>, vector<2000x4xf32>,
    return
  }
  func.func @transform_0(%arg0: i32) -> (i32, i32, i32) {
    %c0_i32 = arith.constant 0 : i32
    %c0_i32_0 = arith.constant 0 : i32
    %c0_i32_1 = arith.constant 0 : i32
    return %c0_i32, %arg0, %c0_i32_0 : i32, i32, i32
  }
  func.func @transform_1(%arg0: i32) -> (i32, i32) {
    %c0_i32 = arith.constant 0 : i32
    %c0_i32_0 = arith.constant 0 : i32
    return %arg0, %c0_i32 : i32, i32
  }
  func.func @transform_2(%arg0: i32) -> (i32, i32) {
    %c0_i32 = arith.constant 0 : i32
    %c0_i32_0 = arith.constant 0 : i32
    return %arg0, %c0_i32 : i32, i32
  }
  func.func @transform_3(%arg0: i32) -> (i32, i32) {
    %c0_i32 = arith.constant 0 : i32
    %c0_i32_0 = arith.constant 0 : i32
    %c0_i32_1 = arith.constant 0 : i32
    return %c0_i32, %c0_i32_0 : i32, i32
  }
  func.func @transform_4(%arg0: i32) -> (i32, i32) {
    %c0_i32 = arith.constant 0 : i32
    %c0_i32_0 = arith.constant 0 : i32
    return %arg0, %c0_i32 : i32, i32
  }
}

</mosaic_0001>

<sc_bundles>
// kernel: kernel.11.cloned.1.call-start
scs
__scs_entry_jumppad:
0x0: {  	(pc) =	sbr.rel $0x88, $3  }
0x1: {  	(tag) =	ssettag $0x0;
	lr =	simm.s32 $0x1  }
0x2: {  	[smem:$0x3F9B] =	sst lr;
	_ =	strace $0xD0000000  }
0x3: {  	_ = 	snop  }
0x4: {  	_ = 	snop  }
0x5: {  	_ = 	snop  }
0x6: {  	_ = 	snop  }
0x7: {  	_ = 	snop  }
__scs_overlays_trampoline_lowered:
0x8: {  	[smem:$0x3FAA] =	sst s0  }
0x9: {  	[smem:$0x3FAB] =	sst s1  }
0xa: {  	[smem:$0x3FAC] =	sst s2  }
0xb: {  	[smem:$0x3FAD] =	sst s3  }
0xc: {  	[smem:$0x3FAE] =	sst s4  }
0xd: {  	[smem:$0x3FAF] =	sst s5  }
0xe: {  	[smem:$0x3FB0] =	sst s6  }
0xf: {  	[smem:$0x3FB1] =	sst s7  }
0x10: {  	[smem:$0x3FB2] =	sst s8  }
0x11: {  	[smem:$0x3FB3] =	sst s9;
	s0 =	simm.s32 @!p0 $0x0  }
0x12: {  	s1 =	sld [smem:$0x3F99];
	s0 =	simm.s32 @p0 $0x1  }
0x13: {  	[smem:$0x3FB4] =	sst s0;
	s0 =	simm.s32 @!p1 $0x0  }
0x14: {  	s2 =	sld [smem:$0x3F98];
	s0 =	simm.s32 @p1 $0x1  }
0x15: {  	[smem:$0x3FB5] =	sst s0;
	s0 =	simm.s32 @!p2 $0x0  }
0x16: {  	s3 =	sld [smem:$0x3FDB];
	s0 =	simm.s32 @p2 $0x1  }
0x17: {  	s4 =	simm.s32 $0x1BF5;
	[smem:$0x3FB7] =	sst s0  }
0x18: {  	s0 =	sld [smem:$0x3F9A];
	_ =	swait.ge [sflag:s4], $0x0  }
0x19: {  	s7 =	sld [smem:$0x3F9B]  }
0x1a: {  	s8 =	sadd.s32 $0xFFFFE003, lr  }
0x1b: {  	s9 =	sadd.s32 $0xFFFFFEF7, lr;
	s5 =	simm.s32 $0xFFFFFFFF;
	p2 =	slt.u32 s8, $0xFFFFF086  }
0x1c: {  	p1 =	slt.u32 s9, $0xF7A;
	s5 =	simm.s32 @!p2 $0x0  }
0x1d: {  	s5 =	simm.s32 @p1 $0x1;
	p0 =	seq.s32 s7, s2  }
0x1e: {  	s7 =	smul.u32 @!p0 $0xF7A, s2;
	p2 =	seq.s32 @!p0 s5, $0x0  }
0x1f: {  	s9 =	smul.u32 $0xF7A, s1;
	s8 =	simm.s32 @!p0 $0x1BF5;
	p2 =	por !p2, p0  }
0x20: {  	[sflag:s8] =	ssyncset.s32 @!p0 $0xFFFFF086;
	s6 =	sadd.s32 @!p0 s3, s7;
	s7 =	simm.s32 @!p0 $0x108  }
0x21: {  	s3 =	sadd.s32 s3, s9;
	s6 =	sadd.s32 @!p0 $0x88, s6;
	s7 =	simm.s32 @p2 $0x1082  }
0x22: {  	[simem:s7], [sflag:s8] =	dma.local @!p0 [hbm:s6], $0xF7A  }
0x23: {  	s9 =	sor.u32 $0xD0000000, s2;
	s6 =	simm.s32 $0x108;
	_ =	swait.ge @!p0 [sflag:s8], $0x0  }
0x24: {  	s3 =	sadd.s32 $0x88, s3;
	s6 =	simm.s32 @!p1 $0x1082;
	[sflag:s4] =	ssyncset.s32 $0xFFFFF086  }
0x25: {  	[simem:s6], [sflag:s4] =	dma.local [hbm:s3], $0xF7A  }
0x26: {  	[smem:$0x3F9B] =	sst s1;
	(tag) =	ssettag s2;
	_ =	strace s9  }
0x27: {  	s1 =	sld [smem:$0x3FAB]  }
0x28: {  	s2 =	sld [smem:$0x3FAC]  }
0x29: {  	s4 =	sld [smem:$0x3FAE]  }
0x2a: {  	p0 =	seq.s32 s5, $0x0;
	s5 =	sld [smem:$0x3FAF]  }
0x2b: {  	s6 =	sld [smem:$0x3FB0]  }
0x2c: {  	s7 =	sld [smem:$0x3FB1]  }
0x2d: {  	s3 =	simm.s32 $0x108;
	s8 =	sld [smem:$0x3FB2]  }
0x2e: {  	s3 =	simm.s32 @!p0 $0x1082;
	s9 =	sld [smem:$0x3FB3]  }
0x2f: {  	lr =	sadd.s32 s0, s3;
	s0 =	sld [smem:$0x3FAA]  }
0x30: {  	s3 =	sld [smem:$0x3FAD]  }
0x31: {  	[smem:$0x3FB6] =	sst s10  }
0x32: {  	s10 =	sld [smem:$0x3FB4];
	_ =	sdelay $0x3  }
0x33: {  	p0 =	seq.s32 s10, $0x1;
	s10 =	sld [smem:$0x3FB6];
	_ =	sdelay $0x3  }
0x34: {  	[smem:$0x3FB6] =	sst s10  }
0x35: {  	s10 =	sld [smem:$0x3FB5];
	_ =	sdelay $0x3  }
0x36: {  	p1 =	seq.s32 s10, $0x1;
	s10 =	sld [smem:$0x3FB6];
	_ =	sdelay $0x3  }
0x37: {  	[smem:$0x3FB6] =	sst s10  }
0x38: {  	s10 =	sld [smem:$0x3FB7]  }
0x39: {  	_ = 	snop;
	(pc) =	sbr.ind lr, $3  }
0x3a: {  	_ = 	snop  }
0x3b: {  	_ = 	snop  }
0x3c: {  	p2 =	seq.s32 s10, $0x1;
	s10 =	sld [smem:$0x3FB6]  }
0x3d: {  	_ =	shalt  }
0x3e: {  	_ =	shalt  }
0x3f: {  	_ =	shalt  }
0x40: {  	_ =	shalt  }
0x41: {  	_ =	shalt  }
0x42: {  	_ =	shalt  }
0x43: {  	_ =	shalt  }
0x44: {  	_ =	shalt  }
0x45: {  	_ =	shalt  }
0x46: {  	_ =	shalt  }
0x47: {  	_ =	shalt  }
0x48: {  	_ =	shalt  }
0x49: {  	_ =	shalt  }
0x4a: {  	_ =	shalt  }
0x4b: {  	_ =	shalt  }
0x4c: {  	_ =	shalt  }
0x4d: {  	_ =	shalt  }
0x4e: {  	_ =	shalt  }
0x4f: {  	_ =	shalt  }
0x50: {  	_ =	shalt  }
0x51: {  	_ =	shalt  }
0x52: {  	_ =	shalt  }
0x53: {  	_ =	shalt  }
0x54: {  	_ =	shalt  }
0x55: {  	_ =	shalt  }
0x56: {  	_ =	shalt  }
0x57: {  	_ =	shalt  }
0x58: {  	_ =	shalt  }
0x59: {  	_ =	shalt  }
0x5a: {  	_ =	shalt  }
0x5b: {  	_ =	shalt  }
0x5c: {  	_ =	shalt  }
0x5d: {  	_ =	shalt  }
0x5e: {  	_ =	shalt  }
0x5f: {  	_ =	shalt  }
0x60: {  	_ =	shalt  }
0x61: {  	_ =	shalt  }
0x62: {  	_ =	shalt  }
0x63: {  	_ =	shalt  }
0x64: {  	_ =	shalt  }
0x65: {  	_ =	shalt  }
0x66: {  	_ =	shalt  }
0x67: {  	_ =	shalt  }
0x68: {  	_ =	shalt  }
0x69: {  	_ =	shalt  }
0x6a: {  	_ =	shalt  }
0x6b: {  	_ =	shalt  }
0x6c: {  	_ =	shalt  }
0x6d: {  	_ =	shalt  }
0x6e: {  	_ =	shalt  }
0x6f: {  	_ =	shalt  }
0x70: {  	_ =	shalt  }
0x71: {  	_ =	shalt  }
0x72: {  	_ =	shalt  }
0x73: {  	_ =	shalt  }
0x74: {  	_ =	shalt  }
0x75: {  	_ =	shalt  }
0x76: {  	_ =	shalt  }
0x77: {  	_ =	shalt  }
0x78: {  	_ =	shalt  }
0x79: {  	_ =	shalt  }
0x7a: {  	_ =	shalt  }
0x7b: {  	_ =	shalt  }
0x7c: {  	_ =	shalt  }
0x7d: {  	_ =	shalt  }
0x7e: {  	_ =	shalt  }
0x7f: {  	_ =	shalt  }
0x80: {  	_ =	shalt  }
0x81: {  	_ =	shalt  }
0x82: {  	_ =	shalt  }
0x83: {  	_ =	shalt  }
0x84: {  	_ =	shalt  }
0x85: {  	_ =	shalt  }
0x86: {  	_ =	shalt  }
0x87: {  	_ =	shalt  }
.Lfunc_end0:
.L_simem_size_0:
called_computation.1_lowered:
.L_overlay_start_0:
0x88: {  	s2 =	sld [smem:$0x3FD9]  }
0x89: {  	s3 =	sld [smem:$0x3FFE];
	_ =	sdelay $0x1  }
0x8a: {  	s1 =	srdreg.scid  }
0x8b: {  	s0 =	sand.u32 $0x1, s1  }
0x8c: {  	s16 =	sshll.u32 s0, $0xA;
	s2 =	sadd.s32 s3, s2  }
0x8d: {  	s2 =	sadd.s32 s2, s16  }
0x8e: {  	[smem:$0x3FC2] =	sst s2  }
0x8f: {  	_ = 	snop  }
0x90: {  	(tm) =	ssettm $0x1  }
0x91: {  	s17 =	sld [smem:$0x3FFB];
	_ =	sdelay $0x3  }
0x92: {  	_ =	strace s17  }
0x93: {  	s2 =	sld [smem:$0x3FFC];
	_ =	sdelay $0x3  }
0x94: {  	_ =	strace s2  }
0x95: {  	s2 =	sld [smem:$0x3FFD];
	_ =	sdelay $0x3  }
0x96: {  	_ =	strace s2  }
0x97: {  	_ =	strace $0x8FFFFFFF  }
0x98: {  	s18 =	sld [smem:$0x3FDB];
	_ =	sdelay $0x1  }
0x99: {  	s19 =	simm.s32 $_scs_section_size  }
0x9a: {  	s4 =	simm.s32 $_size__tile_overlayer_lowered;
	s5 =	simm.s32 $_tile_overlayer_lowered  }
0x9b: {  	s22 =	simm.s32 $0x1BFF;
	s21 =	sshll.u32 s5, $0x1;
	s2 =	sadd.s32 s19, s18  }
0x9c: {  	s6 =	simm.s32 $0x0;
	s20 =	sshll.u32 s4, $0x1;
	s4 =	sadd.s32 s21, s2  }
0x9d: {  	[timem:s6], [sflag:s22] =	dma.local [hbm:s4], s20  }
0x9e: {  	_ =	swait.ge [sflag:s22], s20  }
0x9f: {  	s3 =	ssub.s32 $0x0, s20;
	[sflag:s22] =	ssyncset.done $0x0  }
0xa0: {  	[sflag:s22] =	ssyncadd.s32 s3;
	_ =	sdelay $0x1  }
0xa1: {  	s23 =	simm.s32 $0x1B8B  }
0xa2: {  	_ =	swait.ge [sflag:s23], $0x1  }
0xa3: {  	[sflag:s23] =	ssyncset.done $0x0  }
0xa4: {  	s25 =	simm.s32 $0x1B8E;
	s24 =	sld [smem:$0x3FFE];
	[sflag:s23] =	ssyncadd.s32 $0xFFFFFFFF  }
0xa5: {  	s26 =	simm.s32 $execute0_lowered;
	[smem:$0x3FD2] =	sst s25  }
0xa6: {  	s4 =	sshll.u32 s26, $0x1;
	_ =	strace $0x80000049;
	[dreg:$0x1] =	wrdreg $0xFFFFFFFF  }
0xa7: {  	s28 =	simm.s32 $_size_execute0_lowered;
	s2 =	sadd.s32 s2, s4;
	[dreg:$0x0] =	wrdreg $0x0  }
0xa8: {  	s4 =	sshll.u32 s28, $0x1;
	[dreg:$0x2] =	wrdreg s2  }
0xa9: {  	[dreg:$0x3] =	wrdreg s4  }
0xaa: {  	[dreg:$0x4] =	wrdreg $0xC0  }
0xab: {  	_ =	task [dreg:s6], $0x5FFFF  }
0xac: {  	[dreg:$0x1] =	wrdreg $0xFFFFFFFF  }
0xad: {  	[dreg:$0x0] =	wrdreg $0x60  }
0xae: {  	[dreg:$0x2] =	wrdreg s24  }
0xaf: {  	[dreg:$0x3] =	wrdreg $0x122000  }
0xb0: {  	[dreg:$0x4] =	wrdreg $0x9  }
0xb1: {  	_ =	task.clear_ibuf [dreg:s6], $0x5FFFF;
	_ =	strace $0x90000049  }
0xb2: {  	s29 =	simm.s32 $0x9;
	_ =	strace $0x8000004B  }
0xb3: {  	_ =	swait.ge [sflag:s29], $0x1  }
0xb4: {  	[sflag:s29] =	ssyncadd.s32 $0xFFFFFFFF  }
0xb5: {  	_ =	strace $0x9000004B  }
0xb6: {  	_ =	sfence  }
0xb7: {  	s30 =	sld [smem:$0x0];
	_ =	sdelay $0x2  }
0xb8: {  	s31 =	sshll.u32 s1, $0xD;
	s1 =	sshrl.u32 s1, $0x2  }
0xb9: {  	s3 =	sand.u32 $0x4000, s31;
	s1 =	sadd.s32 s1, s30  }
0xba: {  	s0 =	sor.u32 s3, s0;
	s1 =	sshll.u32 s1, $0x11  }
0xbb: {  	s0 =	sor.u32 s1, s0  }
0xbc: {  	s0 =	sadd.s32 $0x8F2B, s0  }
0xbd: {  	[sflag:s0] =	ssyncadd.remote.s32 $0x1  }
0xbe: {  	_ =	sfence.sel $0xFFFF  }
0xbf: {  	[dreg:$0x0] =	wrdreg $0xFFFFFFFF;
	(pc) =	sbr.abs _section_cstart, $3  }
0xc0: {  	[dreg:$0x1] =	wrdreg $0xFFFFFFFF  }
0xc1: {  	_ =	task.clear_ibuf [dreg:s6], $0x2FFFF;
	_ =	strace $0x9FFFFFFF  }
0xc2: {  	(tm) =	ssettm $0x7FFFFFFF  }
0xc3: {  	_ =	shalt  }
tec
execute0_lowered:
.L_overlay_start_1:
0x0: {  	(tag) =	ssettag $0x1  }
0x1: {  	s0 =	rddreg [dreg:$0x0]  }
0x2: {  	s2 =	rddreg [dreg:$0x1]  }
0x3: {  	s1 =	srdreg.scid;
	s9 =	stileid.u32  }
0x4: {  	s4 =	simm.s32 $0x0;
	s13 =	simm.s32 $0x7D;
	s14 =	simm.s32 $0x2800  }
0x5: {  	s16 =	simm.s32 $0x4740;
	s18 =	simm.s32 $0x6680;
	s20 =	simm.s32 $0x85C0  }
0x6: {  	s22 =	simm.s32 $0xA500;
	s28 =	simm.s32 $0xE380;
	s30 =	simm.s32 $0x102C0  }
0x7: {  	s31 =	simm.s32 $0x1;
	s12 =	simm.s32 $0x4;
	s15 =	simm.s32 $0x5  }
0x8: {  	s17 =	simm.s32 $0x6;
	s19 =	simm.s32 $0x7;
	s21 =	simm.s32 $0x8  }
0x9: {  	s23 =	simm.s32 $0x9;
	s29 =	simm.s32 $0xB;
	s1 =	sand.u32 $0x1, s1  }
0xa: {  	s3 =	sshll.u32 s9, $0x1;
	[smem:$0x7FF] =	sst s4;
	s5 =	smul.u32 $0xA000, s9  }
0xb: {  	s4 =	sadd.s32 $0xC200, s0;
	s24 =	sshll.u32 s9, $0x6;
	s26 =	smul.u32 $0x2800, s9  }
0xc: {  	s9 =	simm.s32 $0xF;
	s3 =	sor.u32 s1, s3;
	_ =	strace $0x8000004A  }
0xd: {  	s7 =	smul.u32 $0x28000, s1;
	s1 =	ssub.s32 $0x2, s1;
	s10 =	sor.u32 $0x1C11, s24  }
0xe: {  	s24 =	simm.s32 $0x10;
	s3 =	smul.u32 $0x280, s3;
	s6 =	sshrl.u32 s5, $0x3  }
0xf: {  	s8 =	sshrl.u32 s1, $0x1;
	s5 =	sadd.s32 s5, s2;
	[dreg:$0x4] =	wrdreg s10  }
0x10: {  	s6 =	sadd.s32 s6, s0;
	s1 =	ssub.s32 s1, s8;
	s11 =	sshrl.u32 s5, $0x3  }
0x11: {  	s5 =	simm.s32 $0xC;
	s8 =	simm.s32 $0xE;
	s3 =	sadd.s32 s3, s0  }
0x12: {  	s0 =	sadd.s32 s7, s0;
	s6 =	sadd.s32 $0x33400, s6;
	[dreg:$0x8] =	wrdreg s11  }
0x13: {  	s1 =	smax.u32 s1, $0x1;
	s7 =	simm.s32 $0xD;
	[dreg:$0x3] =	wrdreg s6  }
.Ltmp0:
0x14: {  	s25 =	sadd.s32 $0x5C200, s3;
	[dreg:$0x7] =	wrdreg s1;
	(pc) =	sbr.rel .LBB2_1-.Ltmp0, $4  }
0x15: {  	s3 =	sadd.s32 $0x2200, s3;
	s0 =	sadd.s32 $0x61200, s0;
	[dreg:$0x5] =	wrdreg s25  }
0x16: {  	s1 =	simm.s32 $0x3;
	s6 =	simm.s32 $0x0;
	[dreg:$0x6] =	wrdreg s3  }
0x17: {  	s0 =	sadd.s32 s26, s0;
	s25 =	simm.s32 $0xC440;
	[dreg:$0xa] =	wrdreg s6  }
0x18: {  	s26 =	simm.s32 $0xA;
	[dreg:$0x9] =	wrdreg s0;
	s0 =	simm.s32 $0x2  }
.LBB2_3:
0x19: {  	_ =	swait.ge [sflag:s26], $0x1F40  }
0x1a: {  	[sflag:s26] =	ssyncset.done $0x0  }
0x1b: {  	[sflag:s26] =	ssyncadd.s32 $0xFFFFE0C0  }
0x1c: {  	_ =	swait.ge [sflag:s29], $0x1F40  }
0x1d: {  	[sflag:s29] =	ssyncset.done $0x0  }
0x1e: {  	[sflag:s29] =	ssyncadd.s32 $0xFFFFE0C0  }
0x1f: {  	_ =	swait.ge [sflag:s5], $0x1F40  }
0x20: {  	[sflag:s5] =	ssyncset.done $0x0  }
0x21: {  	[sflag:s5] =	ssyncadd.s32 $0xFFFFE0C0  }
0x22: {  	_ =	swait.ge [sflag:s7], $0x1F40  }
0x23: {  	[sflag:s7] =	ssyncset.done $0x0  }
0x24: {  	[sflag:s7] =	ssyncadd.s32 $0xFFFFE0C0  }
0x25: {  	_ =	swait.ge [sflag:s8], $0x1F40  }
0x26: {  	[sflag:s8] =	ssyncset.done $0x0  }
0x27: {  	[sflag:s8] =	ssyncadd.s32 $0xFFFFE0C0  }
0x28: {  	_ =	swait.ge [sflag:s9], $0x1F40  }
0x29: {  	[sflag:s9] =	ssyncset.done $0x0  }
0x2a: {  	[sflag:s9] =	ssyncadd.s32 $0xFFFFE0C0  }
0x2b: {  	_ =	swait.ge [sflag:s24], $0x1F40  }
0x2c: {  	[sflag:s24] =	ssyncset.done $0x0  }
0x2d: {  	[sflag:s24] =	ssyncadd.s32 $0xFFFFE0C0  }
.LBB2_5:
0x2e: {  	[bflag:$0x0] =	sbarrier.arrive $0xFFFF  }
0x2f: {  	s10 =	rddreg [dreg:$0x4]  }
0x30: {  	s11 =	rddreg [dreg:$0x8]  }
0x31: {  	s6 =	simm.s32 $0x11;
	s3 =	rddreg [dreg:$0x9]  }
0x32: {  	[hbm:s3@s24], [sflag:s10] =	dma.strided [spmem:s11@s21], $0x1400, s31, $0x8   }
0x33: {  	_ =	swait.ge [sflag:s6], $0x1400  }
0x34: {  	s3 =	rddreg [dreg:$0xa]  }
0x35: {  	[sflag:s6] =	ssyncset.done $0x0;
	s6 =	rddreg [dreg:$0x7];
	s3 =	sadd.s32 $0x1, s3  }
0x36: {  	p0 =	sne.s32 s3, s6  }
.Ltmp1:
0x37: {  	_ = 	snop;
	(pc) =	sbr.rel @!p0 .LBB2_6-.Ltmp1, $3  }
0x38: {  	_ =	sdelay $0x1  }
0x39: {  	s6 =	simm.s32 $0x11  }
0x3a: {  	[dreg:$0xa] =	wrdreg s3;
	[sflag:s6] =	ssyncadd.s32 $0xFFFFEC00  }
.LBB2_1:
0x3b: {  	s3 =	simm.s32 $0x11;
	s6 =	rddreg [dreg:$0x3]  }
0x3c: {  	[spmem:s11], [sflag:s10] =	dma.local [hbm:s6], $0x1400  }
0x3d: {  	_ =	swait.ge [sflag:s3], $0x1400  }
0x3e: {  	[sflag:s3] =	ssyncset.done $0x0  }
0x3f: {  	s6 =	simm.s32 $0x0;
	s11 =	rddreg [dreg:$0x5];
	[sflag:s3] =	ssyncadd.s32 $0xFFFFEC00  }
0x40: {  	[tilespmem:s6], [sflag:$0x11] =	stream.linear.gather [hbm4b:s11+s6], $0x1400, $0x38;
	[tilespmem:$0x1C200] =	vst v63  }
0x41: {  	_ =	swait.ge [sflag:s3], $0x1400  }
0x42: {  	[sflag:s3] =	ssyncset.done $0x0  }
0x43: {  	s11 =	simm.s32 $0x1400;
	s10 =	rddreg [dreg:$0x6];
	[sflag:s3] =	ssyncadd.s32 $0xFFFFEC00  }
0x44: {  	[tilespmem:s11], [sflag:$0x11] =	stream.linear.gather [hbm4b:s10+s6], $0x1400, $0x38;
	[tilespmem:$0x1C200] =	vst v63  }
0x45: {  	_ =	swait.ge [sflag:s3], $0x1400  }
0x46: {  	[sflag:s3] =	ssyncset.done $0x0  }
0x47: {  	[sflag:s3] =	ssyncadd.s32 $0xFFFFEC00  }
0x48: {  	[bflag:$0x0] =	sbarrier.arrive $0xFFFF  }
0x49: {  	[tilespmem:s14], [sflag:$0x1] =	stream.indirect.gather [hbm4b:s4+s13], $0x40, s6, s13, $0xb8;
	[tilespmem:$0x1C200] =	vst v63  }
0x4a: {  	s11 =	simm.s32 $0x80  }
0x4b: {  	[tilespmem:s16], [sflag:$0x2] =	stream.indirect.gather [hbm4b:s4+s13], $0x40, s11, s13, $0xb8;
	[tilespmem:$0x1C200] =	vst v63  }
0x4c: {  	s6 =	simm.s32 $0x100  }
0x4d: {  	[tilespmem:s18], [sflag:$0x3] =	stream.indirect.gather [hbm4b:s4+s13], $0x40, s6, s13, $0xb8;
	[tilespmem:$0x1C200] =	vst v63  }
0x4e: {  	s10 =	simm.s32 $0x180  }
0x4f: {  	[tilespmem:s20], [sflag:$0x4] =	stream.indirect.gather [hbm4b:s4+s13], $0x40, s10, s13, $0xb8;
	[tilespmem:$0x1C200] =	vst v63  }
0x50: {  	s11 =	simm.s32 $0x200  }
0x51: {  	[tilespmem:s22], [sflag:$0x5] =	stream.indirect.gather [hbm4b:s4+s13], $0x40, s11, s13, $0xb8;
	[tilespmem:$0x1C200] =	vst v63  }
0x52: {  	s6 =	simm.s32 $0x280  }
0x53: {  	[tilespmem:s25], [sflag:$0x6] =	stream.indirect.gather [hbm4b:s4+s13], $0x40, s6, s13, $0xb8;
	[tilespmem:$0x1C200] =	vst v63  }
0x54: {  	s10 =	simm.s32 $0x300  }
0x55: {  	[tilespmem:s28], [sflag:$0x7] =	stream.indirect.gather [hbm4b:s4+s13], $0x40, s10, s13, $0xb8;
	[tilespmem:$0x1C200] =	vst v63  }
0x56: {  	s11 =	simm.s32 $0x380;
	s6 =	simm.s32 $0x0  }
0x57: {  	[tilespmem:s30], [sflag:$0x8] =	stream.indirect.gather [hbm4b:s4+s13], $0x40, s11, s13, $0xb8;
	[tilespmem:$0x1C200] =	vst v63  }
.LBB2_2:
0x58: {  	_ =	swait.ge [sflag:s31], $0x1F40  }
0x59: {  	s10 =	sshra.s32 s6, $0x2;
	[sflag:s31] =	ssyncset.done $0x0  }
0x5a: {  	s11 =	sadd.s32 $0x1400, s10;
	[sflag:s31] =	ssyncadd.s32 $0xFFFFE0C0  }
0x5b: {  	[spmem:s2] =	stream.indirect.scatter.add.f32 [tilespmem:s14], [sflag:$0x9], $0x40, s11, s13, $0xb8;
	[tilespmem:$0x1C200] =	vst v63  }
0x5c: {  	_ =	swait.ge [sflag:s0], $0x1F40  }
0x5d: {  	[sflag:s0] =	ssyncset.done $0x0  }
0x5e: {  	s3 =	sadd.s32 $0x1480, s10;
	[sflag:s0] =	ssyncadd.s32 $0xFFFFE0C0  }
0x5f: {  	[spmem:s2] =	stream.indirect.scatter.add.f32 [tilespmem:s16], [sflag:$0xA], $0x40, s3, s13, $0xb8;
	[tilespmem:$0x1C200] =	vst v63  }
0x60: {  	_ =	swait.ge [sflag:s1], $0x1F40  }
0x61: {  	[sflag:s1] =	ssyncset.done $0x0  }
0x62: {  	s3 =	sadd.s32 $0x1500, s10;
	[sflag:s1] =	ssyncadd.s32 $0xFFFFE0C0  }
0x63: {  	[spmem:s2] =	stream.indirect.scatter.add.f32 [tilespmem:s18], [sflag:$0xB], $0x40, s3, s13, $0xb8;
	[tilespmem:$0x1C200] =	vst v63  }
0x64: {  	_ =	swait.ge [sflag:s12], $0x1F40  }
0x65: {  	[sflag:s12] =	ssyncset.done $0x0  }
0x66: {  	s3 =	sadd.s32 $0x1580, s10;
	[sflag:s12] =	ssyncadd.s32 $0xFFFFE0C0  }
0x67: {  	[spmem:s2] =	stream.indirect.scatter.add.f32 [tilespmem:s20], [sflag:$0xC], $0x40, s3, s13, $0xb8;
	[tilespmem:$0x1C200] =	vst v63  }
0x68: {  	_ =	swait.ge [sflag:s15], $0x1F40  }
0x69: {  	[sflag:s15] =	ssyncset.done $0x0  }
0x6a: {  	s3 =	sadd.s32 $0x1600, s10;
	[sflag:s15] =	ssyncadd.s32 $0xFFFFE0C0  }
0x6b: {  	[spmem:s2] =	stream.indirect.scatter.add.f32 [tilespmem:s22], [sflag:$0xD], $0x40, s3, s13, $0xb8;
	[tilespmem:$0x1C200] =	vst v63  }
0x6c: {  	_ =	swait.ge [sflag:s17], $0x1F40  }
0x6d: {  	[sflag:s17] =	ssyncset.done $0x0  }
0x6e: {  	s3 =	sadd.s32 $0x1680, s10;
	[sflag:s17] =	ssyncadd.s32 $0xFFFFE0C0  }
0x6f: {  	[spmem:s2] =	stream.indirect.scatter.add.f32 [tilespmem:s25], [sflag:$0xE], $0x40, s3, s13, $0xb8;
	[tilespmem:$0x1C200] =	vst v63  }
0x70: {  	_ =	swait.ge [sflag:s19], $0x1F40  }
0x71: {  	[sflag:s19] =	ssyncset.done $0x0  }
0x72: {  	s3 =	sadd.s32 $0x1700, s10;
	[sflag:s19] =	ssyncadd.s32 $0xFFFFE0C0  }
0x73: {  	[spmem:s2] =	stream.indirect.scatter.add.f32 [tilespmem:s28], [sflag:$0xF], $0x40, s3, s13, $0xb8;
	[tilespmem:$0x1C200] =	vst v63  }
0x74: {  	_ =	swait.ge [sflag:s21], $0x1F40  }
0x75: {  	p0 =	sne.s32 s6, $0x4000;
	[sflag:s21] =	ssyncset.done $0x0  }
.Ltmp2:
0x76: {  	s3 =	sadd.s32 $0x1780, s10;
	[sflag:s21] =	ssyncadd.s32 $0xFFFFE0C0;
	(pc) =	sbr.rel @!p0 .LBB2_3-.Ltmp2, $4  }
0x77: {  	[spmem:s2] =	stream.indirect.scatter.add.f32 [tilespmem:s30], [sflag:$0x10], $0x40, s3, s13, $0xb8;
	[tilespmem:$0x1C200] =	vst v63  }
0x78: {  	_ =	swait.ge [sflag:s23], $0x1F40  }
0x79: {  	[sflag:s23] =	ssyncset.done $0x0  }
0x7a: {  	[sflag:s23] =	ssyncadd.s32 $0xFFFFE0C0  }
0x7b: {  	s11 =	sadd.s32 $0x400, s10  }
0x7c: {  	[tilespmem:s14], [sflag:$0x1] =	stream.indirect.gather [hbm4b:s4+s13], $0x40, s11, s13, $0xb8;
	[tilespmem:$0x1C200] =	vst v63  }
0x7d: {  	_ =	swait.ge [sflag:s26], $0x1F40  }
0x7e: {  	[sflag:s26] =	ssyncset.done $0x0  }
0x7f: {  	s3 =	sadd.s32 $0x480, s10;
	[sflag:s26] =	ssyncadd.s32 $0xFFFFE0C0  }
0x80: {  	[tilespmem:s16], [sflag:$0x2] =	stream.indirect.gather [hbm4b:s4+s13], $0x40, s3, s13, $0xb8;
	[tilespmem:$0x1C200] =	vst v63  }
0x81: {  	_ =	swait.ge [sflag:s29], $0x1F40  }
0x82: {  	[sflag:s29] =	ssyncset.done $0x0  }
0x83: {  	s3 =	sadd.s32 $0x500, s10;
	[sflag:s29] =	ssyncadd.s32 $0xFFFFE0C0  }
0x84: {  	[tilespmem:s18], [sflag:$0x3] =	stream.indirect.gather [hbm4b:s4+s13], $0x40, s3, s13, $0xb8;
	[tilespmem:$0x1C200] =	vst v63  }
0x85: {  	_ =	swait.ge [sflag:s5], $0x1F40  }
0x86: {  	[sflag:s5] =	ssyncset.done $0x0  }
0x87: {  	s3 =	sadd.s32 $0x580, s10;
	[sflag:s5] =	ssyncadd.s32 $0xFFFFE0C0  }
0x88: {  	[tilespmem:s20], [sflag:$0x4] =	stream.indirect.gather [hbm4b:s4+s13], $0x40, s3, s13, $0xb8;
	[tilespmem:$0x1C200] =	vst v63  }
0x89: {  	_ =	swait.ge [sflag:s7], $0x1F40  }
0x8a: {  	[sflag:s7] =	ssyncset.done $0x0  }
0x8b: {  	s3 =	sadd.s32 $0x600, s10;
	[sflag:s7] =	ssyncadd.s32 $0xFFFFE0C0  }
0x8c: {  	[tilespmem:s22], [sflag:$0x5] =	stream.indirect.gather [hbm4b:s4+s13], $0x40, s3, s13, $0xb8;
	[tilespmem:$0x1C200] =	vst v63  }
0x8d: {  	_ =	swait.ge [sflag:s8], $0x1F40  }
0x8e: {  	[sflag:s8] =	ssyncset.done $0x0  }
0x8f: {  	s3 =	sadd.s32 $0x680, s10;
	[sflag:s8] =	ssyncadd.s32 $0xFFFFE0C0  }
0x90: {  	[tilespmem:s25], [sflag:$0x6] =	stream.indirect.gather [hbm4b:s4+s13], $0x40, s3, s13, $0xb8;
	[tilespmem:$0x1C200] =	vst v63  }
0x91: {  	_ =	swait.ge [sflag:s9], $0x1F40  }
0x92: {  	s6 =	sadd.s32 $0x1000, s6;
	[sflag:s9] =	ssyncset.done $0x0  }
0x93: {  	p0 =	sne.s32 s6, $0x5000;
	s3 =	sadd.s32 $0x700, s10;
	[sflag:s9] =	ssyncadd.s32 $0xFFFFE0C0  }
0x94: {  	[tilespmem:s28], [sflag:$0x7] =	stream.indirect.gather [hbm4b:s4+s13], $0x40, s3, s13, $0xb8;
	[tilespmem:$0x1C200] =	vst v63  }
.Ltmp3:
0x95: {  	_ = 	snop;
	(pc) =	sbr.rel @p0 .LBB2_2-.Ltmp3, $4  }
.Ltmp4:
0x96: {  	_ =	swait.ge [sflag:s24], $0x1F40;
	(pc) =	sbr.rel @!p0 .LBB2_5-.Ltmp4, $4  }
0x97: {  	[sflag:s24] =	ssyncset.done $0x0  }
0x98: {  	s11 =	sadd.s32 $0x780, s10;
	[sflag:s24] =	ssyncadd.s32 $0xFFFFE0C0  }
0x99: {  	[tilespmem:s30], [sflag:$0x8] =	stream.indirect.gather [hbm4b:s4+s13], $0x40, s11, s13, $0xb8;
	[tilespmem:$0x1C200] =	vst v63  }
0x9a: {  	_ = 	snop  }
.LBB2_6:
0x9b: {  	_ =	sfence.sel $0x180000  }
0x9c: {  	[bflag:$0x0] =	sbarrier.arrive $0xFFFF  }
0x9d: {  	_ =	strace $0x9000004A  }
0x9e: {  	s0 =	stileid.u32;
	[bflag:$0x2] =	sbarrier.arrive $0xFFFF  }
0x9f: {  	p0 =	sne.s32 s0, $0x0;
	s0 =	rddreg [dreg:$0x2]  }
0xa0: {  	s0 =	sadd.s32 @!p0 $0x100000, s0  }
0xa1: {  	[sflag:s0] =	ssyncadd.tile.s32 @!p0 $0x1;
	_ =	shalt  }
.Lfunc_end2:
_tile_overlayer_lowered:
.L_overlay_start_2:
0xa2: {  	(tag) =	ssettag $0x2  }
0xa3: {  	s0 =	rddreg [dreg:$0x0];
	s2 =	stileid.u32  }
0xa4: {  	s1 =	rddreg [dreg:$0x1];
	p0 =	sne.s32 s2, $0x0  }
0xa5: {  	s3 =	rddreg [dreg:$0x2];
	[bflag:$0x3] =	sbarrier.arrive $0xFFFF;
	s2 =	simm.s32 @!p0 $0x1C11  }
0xa6: {  	[timem:s3], [sflag:s2] =	dma.local @!p0 [hbm:s0], s1  }
0xa7: {  	s0 =	simm.s32 @!p0 $0x11  }
0xa8: {  	_ =	swait.ge @!p0 [sflag:s0], s1  }
0xa9: {  	s1 =	ssub.s32 @!p0 $0x0, s1;
	[sflag:s0] =	ssyncset.done @!p0 $0x0  }
0xaa: {  	[sflag:s0] =	ssyncadd.s32 @!p0 s1  }
0xab: {  	[bflag:$0x3] =	sbarrier.arrive $0xFFFF  }
0xac: {  	_ =	shalt  }

// kernel: kernel.14.cloned.1.call-start
scs
__scs_entry_jumppad:
0x0: {  	(pc) =	sbr.rel $0x88, $3  }
0x1: {  	(tag) =	ssettag $0x0;
	lr =	simm.s32 $0x1  }
0x2: {  	[smem:$0x3F9B] =	sst lr;
	_ =	strace $0xD0000000  }
0x3: {  	_ = 	snop  }
0x4: {  	_ = 	snop  }
0x5: {  	_ = 	snop  }
0x6: {  	_ = 	snop  }
0x7: {  	_ = 	snop  }
__scs_overlays_trampoline_lowered:
0x8: {  	[smem:$0x3FAA] =	sst s0  }
0x9: {  	[smem:$0x3FAB] =	sst s1  }
0xa: {  	[smem:$0x3FAC] =	sst s2  }
0xb: {  	[smem:$0x3FAD] =	sst s3  }
0xc: {  	[smem:$0x3FAE] =	sst s4  }
0xd: {  	[smem:$0x3FAF] =	sst s5  }
0xe: {  	[smem:$0x3FB0] =	sst s6  }
0xf: {  	[smem:$0x3FB1] =	sst s7  }
0x10: {  	[smem:$0x3FB2] =	sst s8  }
0x11: {  	[smem:$0x3FB3] =	sst s9;
	s0 =	simm.s32 @!p0 $0x0  }
0x12: {  	s1 =	sld [smem:$0x3F99];
	s0 =	simm.s32 @p0 $0x1  }
0x13: {  	[smem:$0x3FB4] =	sst s0;
	s0 =	simm.s32 @!p1 $0x0  }
0x14: {  	s2 =	sld [smem:$0x3F98];
	s0 =	simm.s32 @p1 $0x1  }
0x15: {  	[smem:$0x3FB5] =	sst s0;
	s0 =	simm.s32 @!p2 $0x0  }
0x16: {  	s3 =	sld [smem:$0x3FDB];
	s0 =	simm.s32 @p2 $0x1  }
0x17: {  	s4 =	simm.s32 $0x1BF5;
	[smem:$0x3FB7] =	sst s0  }
0x18: {  	s0 =	sld [smem:$0x3F9A];
	_ =	swait.ge [sflag:s4], $0x0  }
0x19: {  	s7 =	sld [smem:$0x3F9B]  }
0x1a: {  	s8 =	sadd.s32 $0xFFFFE003, lr  }
0x1b: {  	s9 =	sadd.s32 $0xFFFFFEF7, lr;
	s5 =	simm.s32 $0xFFFFFFFF;
	p2 =	slt.u32 s8, $0xFFFFF086  }
0x1c: {  	p1 =	slt.u32 s9, $0xF7A;
	s5 =	simm.s32 @!p2 $0x0  }
0x1d: {  	s5 =	simm.s32 @p1 $0x1;
	p0 =	seq.s32 s7, s2  }
0x1e: {  	s7 =	smul.u32 @!p0 $0xF7A, s2;
	p2 =	seq.s32 @!p0 s5, $0x0  }
0x1f: {  	s9 =	smul.u32 $0xF7A, s1;
	s8 =	simm.s32 @!p0 $0x1BF5;
	p2 =	por !p2, p0  }
0x20: {  	[sflag:s8] =	ssyncset.s32 @!p0 $0xFFFFF086;
	s6 =	sadd.s32 @!p0 s3, s7;
	s7 =	simm.s32 @!p0 $0x108  }
0x21: {  	s3 =	sadd.s32 s3, s9;
	s6 =	sadd.s32 @!p0 $0x88, s6;
	s7 =	simm.s32 @p2 $0x1082  }
0x22: {  	[simem:s7], [sflag:s8] =	dma.local @!p0 [hbm:s6], $0xF7A  }
0x23: {  	s9 =	sor.u32 $0xD0000000, s2;
	s6 =	simm.s32 $0x108;
	_ =	swait.ge @!p0 [sflag:s8], $0x0  }
0x24: {  	s3 =	sadd.s32 $0x88, s3;
	s6 =	simm.s32 @!p1 $0x1082;
	[sflag:s4] =	ssyncset.s32 $0xFFFFF086  }
0x25: {  	[simem:s6], [sflag:s4] =	dma.local [hbm:s3], $0xF7A  }
0x26: {  	[smem:$0x3F9B] =	sst s1;
	(tag) =	ssettag s2;
	_ =	strace s9  }
0x27: {  	s1 =	sld [smem:$0x3FAB]  }
0x28: {  	s2 =	sld [smem:$0x3FAC]  }
0x29: {  	s4 =	sld [smem:$0x3FAE]  }
0x2a: {  	p0 =	seq.s32 s5, $0x0;
	s5 =	sld [smem:$0x3FAF]  }
0x2b: {  	s6 =	sld [smem:$0x3FB0]  }
0x2c: {  	s7 =	sld [smem:$0x3FB1]  }
0x2d: {  	s3 =	simm.s32 $0x108;
	s8 =	sld [smem:$0x3FB2]  }
0x2e: {  	s3 =	simm.s32 @!p0 $0x1082;
	s9 =	sld [smem:$0x3FB3]  }
0x2f: {  	lr =	sadd.s32 s0, s3;
	s0 =	sld [smem:$0x3FAA]  }
0x30: {  	s3 =	sld [smem:$0x3FAD]  }
0x31: {  	[smem:$0x3FB6] =	sst s10  }
0x32: {  	s10 =	sld [smem:$0x3FB4];
	_ =	sdelay $0x3  }
0x33: {  	p0 =	seq.s32 s10, $0x1;
	s10 =	sld [smem:$0x3FB6];
	_ =	sdelay $0x3  }
0x34: {  	[smem:$0x3FB6] =	sst s10  }
0x35: {  	s10 =	sld [smem:$0x3FB5];
	_ =	sdelay $0x3  }
0x36: {  	p1 =	seq.s32 s10, $0x1;
	s10 =	sld [smem:$0x3FB6];
	_ =	sdelay $0x3  }
0x37: {  	[smem:$0x3FB6] =	sst s10  }
0x38: {  	s10 =	sld [smem:$0x3FB7]  }
0x39: {  	_ = 	snop;
	(pc) =	sbr.ind lr, $3  }
0x3a: {  	_ = 	snop  }
0x3b: {  	_ = 	snop  }
0x3c: {  	p2 =	seq.s32 s10, $0x1;
	s10 =	sld [smem:$0x3FB6]  }
0x3d: {  	_ =	shalt  }
0x3e: {  	_ =	shalt  }
0x3f: {  	_ =	shalt  }
0x40: {  	_ =	shalt  }
0x41: {  	_ =	shalt  }
0x42: {  	_ =	shalt  }
0x43: {  	_ =	shalt  }
0x44: {  	_ =	shalt  }
0x45: {  	_ =	shalt  }
0x46: {  	_ =	shalt  }
0x47: {  	_ =	shalt  }
0x48: {  	_ =	shalt  }
0x49: {  	_ =	shalt  }
0x4a: {  	_ =	shalt  }
0x4b: {  	_ =	shalt  }
0x4c: {  	_ =	shalt  }
0x4d: {  	_ =	shalt  }
0x4e: {  	_ =	shalt  }
0x4f: {  	_ =	shalt  }
0x50: {  	_ =	shalt  }
0x51: {  	_ =	shalt  }
0x52: {  	_ =	shalt  }
0x53: {  	_ =	shalt  }
0x54: {  	_ =	shalt  }
0x55: {  	_ =	shalt  }
0x56: {  	_ =	shalt  }
0x57: {  	_ =	shalt  }
0x58: {  	_ =	shalt  }
0x59: {  	_ =	shalt  }
0x5a: {  	_ =	shalt  }
0x5b: {  	_ =	shalt  }
0x5c: {  	_ =	shalt  }
0x5d: {  	_ =	shalt  }
0x5e: {  	_ =	shalt  }
0x5f: {  	_ =	shalt  }
0x60: {  	_ =	shalt  }
0x61: {  	_ =	shalt  }
0x62: {  	_ =	shalt  }
0x63: {  	_ =	shalt  }
0x64: {  	_ =	shalt  }
0x65: {  	_ =	shalt  }
0x66: {  	_ =	shalt  }
0x67: {  	_ =	shalt  }
0x68: {  	_ =	shalt  }
0x69: {  	_ =	shalt  }
0x6a: {  	_ =	shalt  }
0x6b: {  	_ =	shalt  }
0x6c: {  	_ =	shalt  }
0x6d: {  	_ =	shalt  }
0x6e: {  	_ =	shalt  }
0x6f: {  	_ =	shalt  }
0x70: {  	_ =	shalt  }
0x71: {  	_ =	shalt  }
0x72: {  	_ =	shalt  }
0x73: {  	_ =	shalt  }
0x74: {  	_ =	shalt  }
0x75: {  	_ =	shalt  }
0x76: {  	_ =	shalt  }
0x77: {  	_ =	shalt  }
0x78: {  	_ =	shalt  }
0x79: {  	_ =	shalt  }
0x7a: {  	_ =	shalt  }
0x7b: {  	_ =	shalt  }
0x7c: {  	_ =	shalt  }
0x7d: {  	_ =	shalt  }
0x7e: {  	_ =	shalt  }
0x7f: {  	_ =	shalt  }
0x80: {  	_ =	shalt  }
0x81: {  	_ =	shalt  }
0x82: {  	_ =	shalt  }
0x83: {  	_ =	shalt  }
0x84: {  	_ =	shalt  }
0x85: {  	_ =	shalt  }
0x86: {  	_ =	shalt  }
0x87: {  	_ =	shalt  }
.Lfunc_end0:
.L_simem_size_0:
called_computation.2_lowered:
.L_overlay_start_0:
0x88: {  	s2 =	sld [smem:$0x3FD9]  }
0x89: {  	s3 =	sld [smem:$0x3FFE];
	_ =	sdelay $0x1  }
0x8a: {  	s1 =	srdreg.scid  }
0x8b: {  	s0 =	sand.u32 $0x1, s1  }
0x8c: {  	s16 =	sshll.u32 s0, $0xA;
	s2 =	sadd.s32 s3, s2  }
0x8d: {  	s2 =	sadd.s32 s2, s16  }
0x8e: {  	[smem:$0x3FC2] =	sst s2  }
0x8f: {  	_ = 	snop  }
0x90: {  	(tm) =	ssettm $0x1  }
0x91: {  	s17 =	sld [smem:$0x3FFB];
	_ =	sdelay $0x3  }
0x92: {  	_ =	strace s17  }
0x93: {  	s2 =	sld [smem:$0x3FFC];
	_ =	sdelay $0x3  }
0x94: {  	_ =	strace s2  }
0x95: {  	s2 =	sld [smem:$0x3FFD];
	_ =	sdelay $0x3  }
0x96: {  	_ =	strace s2  }
0x97: {  	_ =	strace $0x8FFFFFFF  }
0x98: {  	s18 =	sld [smem:$0x3FDB];
	_ =	sdelay $0x1  }
0x99: {  	s19 =	simm.s32 $_scs_section_size  }
0x9a: {  	s4 =	simm.s32 $_size__tile_overlayer_lowered;
	s5 =	simm.s32 $_tile_overlayer_lowered  }
0x9b: {  	s22 =	simm.s32 $0x1BFF;
	s21 =	sshll.u32 s5, $0x1;
	s2 =	sadd.s32 s19, s18  }
0x9c: {  	s6 =	simm.s32 $0x0;
	s20 =	sshll.u32 s4, $0x1;
	s4 =	sadd.s32 s21, s2  }
0x9d: {  	[timem:s6], [sflag:s22] =	dma.local [hbm:s4], s20  }
0x9e: {  	_ =	swait.ge [sflag:s22], s20  }
0x9f: {  	s3 =	ssub.s32 $0x0, s20;
	[sflag:s22] =	ssyncset.done $0x0  }
0xa0: {  	[sflag:s22] =	ssyncadd.s32 s3;
	_ =	sdelay $0x1  }
0xa1: {  	s23 =	simm.s32 $0x1B8B  }
0xa2: {  	_ =	swait.ge [sflag:s23], $0x1  }
0xa3: {  	[sflag:s23] =	ssyncset.done $0x0  }
0xa4: {  	s25 =	simm.s32 $0x1B8E;
	s24 =	sld [smem:$0x3FFE];
	[sflag:s23] =	ssyncadd.s32 $0xFFFFFFFF  }
0xa5: {  	s26 =	simm.s32 $execute0_lowered;
	[smem:$0x3FD2] =	sst s25  }
0xa6: {  	s4 =	sshll.u32 s26, $0x1;
	_ =	strace $0x8000004C;
	[dreg:$0x1] =	wrdreg $0xFFFFFFFF  }
0xa7: {  	s28 =	simm.s32 $_size_execute0_lowered;
	s2 =	sadd.s32 s2, s4;
	[dreg:$0x0] =	wrdreg $0x0  }
0xa8: {  	s4 =	sshll.u32 s28, $0x1;
	[dreg:$0x2] =	wrdreg s2  }
0xa9: {  	[dreg:$0x3] =	wrdreg s4  }
0xaa: {  	[dreg:$0x4] =	wrdreg $0xC0  }
0xab: {  	_ =	task [dreg:s6], $0x5FFFF  }
0xac: {  	[dreg:$0x1] =	wrdreg $0xFFFFFFFF  }
0xad: {  	[dreg:$0x0] =	wrdreg $0x60  }
0xae: {  	[dreg:$0x2] =	wrdreg s24  }
0xaf: {  	[dreg:$0x3] =	wrdreg $0x76200  }
0xb0: {  	[dreg:$0x4] =	wrdreg $0x9  }
0xb1: {  	_ =	task.clear_ibuf [dreg:s6], $0x5FFFF;
	_ =	strace $0x9000004C  }
0xb2: {  	s29 =	simm.s32 $0x9;
	_ =	strace $0x8000004E  }
0xb3: {  	_ =	swait.ge [sflag:s29], $0x1  }
0xb4: {  	[sflag:s29] =	ssyncadd.s32 $0xFFFFFFFF  }
0xb5: {  	_ =	strace $0x9000004E  }
0xb6: {  	_ =	sfence  }
0xb7: {  	s30 =	sld [smem:$0x0];
	_ =	sdelay $0x2  }
0xb8: {  	s31 =	sshll.u32 s1, $0xD;
	s1 =	sshrl.u32 s1, $0x2  }
0xb9: {  	s3 =	sand.u32 $0x4000, s31;
	s1 =	sadd.s32 s1, s30  }
0xba: {  	s0 =	sor.u32 s3, s0;
	s1 =	sshll.u32 s1, $0x11  }
0xbb: {  	s0 =	sor.u32 s1, s0  }
0xbc: {  	s0 =	sadd.s32 $0x8F2B, s0  }
0xbd: {  	[sflag:s0] =	ssyncadd.remote.s32 $0x1  }
0xbe: {  	_ =	sfence.sel $0xFFFF  }
0xbf: {  	[dreg:$0x0] =	wrdreg $0xFFFFFFFF;
	(pc) =	sbr.abs _section_cstart, $3  }
0xc0: {  	[dreg:$0x1] =	wrdreg $0xFFFFFFFF  }
0xc1: {  	_ =	task.clear_ibuf [dreg:s6], $0x2FFFF;
	_ =	strace $0x9FFFFFFF  }
0xc2: {  	(tm) =	ssettm $0x7FFFFFFF  }
0xc3: {  	_ =	shalt  }
tec
execute0_lowered:
.L_overlay_start_1:
0x0: {  	(tag) =	ssettag $0x1  }
0x1: {  	s0 =	srdreg.scid;
	s1 =	rddreg [dreg:$0x0]  }
0x2: {  	s8 =	stileid.u32;
	s2 =	rddreg [dreg:$0x1]  }
0x3: {  	s4 =	simm.s32 $0x0;
	s13 =	simm.s32 $0x7D;
	s17 =	simm.s32 $0x6E50  }
0x4: {  	s31 =	simm.s32 $0x8;
	s9 =	simm.s32 $0xD;
	s10 =	simm.s32 $0x11  }
0x5: {  	s11 =	simm.s32 $0x12;
	s14 =	simm.s32 $0x13;
	s16 =	simm.s32 $0x14  }
0x6: {  	s28 =	simm.s32 $0x2FD0;
	s30 =	simm.s32 $0x37A0;
	s12 =	simm.s32 $0x4740  }
0x7: {  	s19 =	simm.s32 $0x4F10;
	s21 =	simm.s32 $0x56E0;
	s15 =	simm.s32 $0x6680  }
0x8: {  	s29 =	simm.s32 $0x2;
	s0 =	sand.u32 $0x1, s0;
	s3 =	sshll.u32 s8, $0x1  }
0x9: {  	[smem:$0x7FF] =	sst s4;
	s5 =	smul.u32 $0x2800, s8;
	s4 =	sadd.s32 $0xC200, s1  }
0xa: {  	s8 =	sshll.u32 s8, $0x6;
	s3 =	sor.u32 s0, s3;
	_ =	strace $0x8000004D  }
0xb: {  	s6 =	smul.u32 $0x28000, s0;
	s0 =	ssub.s32 $0x2, s0;
	s20 =	sor.u32 $0x1C15, s8  }
0xc: {  	s8 =	simm.s32 $0xC;
	s3 =	smul.u32 $0x280, s3;
	s7 =	sshrl.u32 s5, $0x3  }
0xd: {  	s23 =	sshrl.u32 s0, $0x1;
	s24 =	sadd.s32 s5, s2;
	[dreg:$0x4] =	wrdreg s20  }
0xe: {  	s7 =	sadd.s32 s7, s1;
	s0 =	ssub.s32 s0, s23;
	s22 =	sshrl.u32 s24, $0x3  }
0xf: {  	s24 =	simm.s32 $0xE;
	s23 =	simm.s32 $0x5EB0;
	s3 =	sadd.s32 s3, s1  }
0x10: {  	s1 =	sadd.s32 s6, s1;
	s7 =	sadd.s32 $0x7200, s7;
	[dreg:$0x8] =	wrdreg s22  }
0x11: {  	s0 =	smax.u32 s0, $0x1;
	s6 =	simm.s32 $0x10;
	[dreg:$0x3] =	wrdreg s7  }
.Ltmp0:
0x12: {  	s25 =	sadd.s32 $0x47400, s3;
	[dreg:$0x7] =	wrdreg s0;
	(pc) =	sbr.rel .LBB2_1-.Ltmp0, $4  }
0x13: {  	s3 =	sadd.s32 $0x2200, s3;
	s1 =	sadd.s32 $0x4C400, s1;
	[dreg:$0x5] =	wrdreg s25  }
0x14: {  	s0 =	simm.s32 $0x9;
	s7 =	simm.s32 $0xB;
	[dreg:$0x6] =	wrdreg s3  }
0x15: {  	s26 =	sadd.s32 s5, s1;
	s5 =	simm.s32 $0xA;
	s3 =	simm.s32 $0xF  }
0x16: {  	s1 =	simm.s32 $0x0;
	[dreg:$0x9] =	wrdreg s26;
	s26 =	simm.s32 $0x1  }
.LBB2_3:
0x17: {  	_ =	swait.ge [sflag:s8], $0x7D0  }
0x18: {  	[sflag:s8] =	ssyncset.done $0x0  }
0x19: {  	[sflag:s8] =	ssyncadd.s32 $0xFFFFF830  }
0x1a: {  	_ =	swait.ge [sflag:s9], $0x7D0  }
0x1b: {  	[sflag:s9] =	ssyncset.done $0x0  }
0x1c: {  	[sflag:s9] =	ssyncadd.s32 $0xFFFFF830  }
0x1d: {  	_ =	swait.ge [sflag:s24], $0x7D0  }
0x1e: {  	[sflag:s24] =	ssyncset.done $0x0  }
0x1f: {  	[sflag:s24] =	ssyncadd.s32 $0xFFFFF830  }
0x20: {  	_ =	swait.ge [sflag:s3], $0x7D0  }
0x21: {  	[sflag:s3] =	ssyncset.done $0x0  }
0x22: {  	[sflag:s3] =	ssyncadd.s32 $0xFFFFF830  }
0x23: {  	_ =	swait.ge [sflag:s6], $0x7D0  }
0x24: {  	[sflag:s6] =	ssyncset.done $0x0  }
0x25: {  	[sflag:s6] =	ssyncadd.s32 $0xFFFFF830  }
0x26: {  	_ =	swait.ge [sflag:s10], $0x7D0  }
0x27: {  	[sflag:s10] =	ssyncset.done $0x0  }
0x28: {  	[sflag:s10] =	ssyncadd.s32 $0xFFFFF830  }
0x29: {  	_ =	swait.ge [sflag:s11], $0x7D0  }
0x2a: {  	[sflag:s11] =	ssyncset.done $0x0  }
0x2b: {  	[sflag:s11] =	ssyncadd.s32 $0xFFFFF830  }
0x2c: {  	_ =	swait.ge [sflag:s14], $0x7D0  }
0x2d: {  	[sflag:s14] =	ssyncset.done $0x0  }
0x2e: {  	[sflag:s14] =	ssyncadd.s32 $0xFFFFF830  }
0x2f: {  	_ =	swait.ge [sflag:s16], $0x7D0  }
0x30: {  	[sflag:s16] =	ssyncset.done $0x0  }
0x31: {  	[sflag:s16] =	ssyncadd.s32 $0xFFFFF830  }
.LBB2_5:
0x32: {  	[bflag:$0x0] =	sbarrier.arrive $0xFFFF  }
0x33: {  	s20 =	rddreg [dreg:$0x4]  }
0x34: {  	s22 =	rddreg [dreg:$0x8]  }
0x35: {  	s18 =	simm.s32 $0x15;
	s1 =	rddreg [dreg:$0x9]  }
0x36: {  	[hbm:s1@s6], [sflag:s20] =	dma.strided [spmem:s22@s29], $0x500, s26, $0x2   }
0x37: {  	_ =	swait.ge [sflag:s18], $0x500  }
0x38: {  	s25 =	rddreg [dreg:$0xa]  }
0x39: {  	s17 =	rddreg [dreg:$0x7];
	s1 =	sadd.s32 $0x1, s25  }
0x3a: {  	p0 =	sne.s32 s1, s17  }
.Ltmp1:
0x3b: {  	_ = 	snop;
	(pc) =	sbr.rel @!p0 .LBB2_6-.Ltmp1, $3  }
0x3c: {  	_ =	sdelay $0x1  }
0x3d: {  	[sflag:s18] =	ssyncset.done $0x0;
	s25 =	simm.s32 $0x15  }
0x3e: {  	[sflag:s25] =	ssyncadd.s32 $0xFFFFFB00;
	s17 =	simm.s32 $0x6E50  }
.LBB2_1:
0x3f: {  	[dreg:$0xa] =	wrdreg s1  }
0x40: {  	s25 =	simm.s32 $0x15;
	s18 =	rddreg [dreg:$0x3]  }
0x41: {  	[spmem:s22], [sflag:s20] =	dma.local [hbm:s18], $0x500  }
0x42: {  	_ =	swait.ge [sflag:s25], $0x500  }
0x43: {  	[sflag:s25] =	ssyncset.done $0x0  }
0x44: {  	s18 =	simm.s32 $0x0;
	s1 =	rddreg [dreg:$0x5];
	[sflag:s25] =	ssyncadd.s32 $0xFFFFFB00  }
0x45: {  	[tilespmem:s18], [sflag:$0x15] =	stream.linear.gather [hbm4b:s1+s18], $0x1400, $0x38;
	[tilespmem:$0x9E20] =	vst v63  }
0x46: {  	_ =	swait.ge [sflag:s25], $0x1400  }
0x47: {  	[sflag:s25] =	ssyncset.done $0x0  }
0x48: {  	s1 =	simm.s32 $0x1400;
	s22 =	rddreg [dreg:$0x6];
	[sflag:s25] =	ssyncadd.s32 $0xFFFFEC00  }
0x49: {  	[tilespmem:s1], [sflag:$0x15] =	stream.linear.gather [hbm4b:s22+s18], $0x1400, $0x38;
	[tilespmem:$0x9E20] =	vst v63  }
0x4a: {  	_ =	swait.ge [sflag:s25], $0x1400  }
0x4b: {  	[sflag:s25] =	ssyncset.done $0x0  }
0x4c: {  	[sflag:s25] =	ssyncadd.s32 $0xFFFFEC00  }
0x4d: {  	s25 =	simm.s32 $0x2800;
	[bflag:$0x0] =	sbarrier.arrive $0xFFFF  }
0x4e: {  	[tilespmem:s25], [sflag:$0x1] =	stream.indirect.gather [hbm4b:s4+s13], $0x10, s18, s13, $0xb8;
	[tilespmem:$0x9E20] =	vst v63  }
0x4f: {  	s1 =	simm.s32 $0x80  }
0x50: {  	[tilespmem:s28], [sflag:$0x2] =	stream.indirect.gather [hbm4b:s4+s13], $0x10, s1, s13, $0xb8;
	[tilespmem:$0x9E20] =	vst v63  }
0x51: {  	s20 =	simm.s32 $0x100  }
0x52: {  	[tilespmem:s30], [sflag:$0x3] =	stream.indirect.gather [hbm4b:s4+s13], $0x10, s20, s13, $0xb8;
	[tilespmem:$0x9E20] =	vst v63  }
0x53: {  	s22 =	simm.s32 $0x180;
	s1 =	simm.s32 $0x3F70  }
0x54: {  	[tilespmem:s1], [sflag:$0x4] =	stream.indirect.gather [hbm4b:s4+s13], $0x10, s22, s13, $0xb8;
	[tilespmem:$0x9E20] =	vst v63  }
0x55: {  	s20 =	simm.s32 $0x200  }
0x56: {  	[tilespmem:s12], [sflag:$0x5] =	stream.indirect.gather [hbm4b:s4+s13], $0x10, s20, s13, $0xb8;
	[tilespmem:$0x9E20] =	vst v63  }
0x57: {  	s22 =	simm.s32 $0x280  }
0x58: {  	[tilespmem:s19], [sflag:$0x6] =	stream.indirect.gather [hbm4b:s4+s13], $0x10, s22, s13, $0xb8;
	[tilespmem:$0x9E20] =	vst v63  }
0x59: {  	s20 =	simm.s32 $0x300  }
0x5a: {  	[tilespmem:s21], [sflag:$0x7] =	stream.indirect.gather [hbm4b:s4+s13], $0x10, s20, s13, $0xb8;
	[tilespmem:$0x9E20] =	vst v63  }
0x5b: {  	s22 =	simm.s32 $0x380  }
0x5c: {  	[tilespmem:s23], [sflag:$0x8] =	stream.indirect.gather [hbm4b:s4+s13], $0x10, s22, s13, $0xb8;
	[tilespmem:$0x9E20] =	vst v63  }
0x5d: {  	s20 =	simm.s32 $0x400  }
0x5e: {  	[tilespmem:s15], [sflag:$0x9] =	stream.indirect.gather [hbm4b:s4+s13], $0x10, s20, s13, $0xb8;
	[tilespmem:$0x9E20] =	vst v63  }
0x5f: {  	s22 =	simm.s32 $0x480  }
0x60: {  	[tilespmem:s17], [sflag:$0xA] =	stream.indirect.gather [hbm4b:s4+s13], $0x10, s22, s13, $0xb8;
	[tilespmem:$0x9E20] =	vst v63  }
0x61: {  	s18 =	simm.s32 $0x0;
	s17 =	simm.s32 $0x6E50  }
.LBB2_2:
0x62: {  	s22 =	simm.s32 $0x1  }
0x63: {  	_ =	swait.ge [sflag:s22], $0x7D0  }
0x64: {  	s20 =	sshra.s32 s18, $0x2;
	[sflag:s22] =	ssyncset.done $0x0  }
0x65: {  	[sflag:s22] =	ssyncadd.s32 $0xFFFFF830;
	s22 =	sadd.s32 $0x1400, s20  }
0x66: {  	[spmem:s2] =	stream.indirect.scatter.add.f32 [tilespmem:s25], [sflag:$0xB], $0x10, s22, s13, $0xb8;
	[tilespmem:$0x9E20] =	vst v63  }
0x67: {  	s22 =	simm.s32 $0x2  }
0x68: {  	_ =	swait.ge [sflag:s22], $0x7D0  }
0x69: {  	[sflag:s22] =	ssyncset.done $0x0  }
0x6a: {  	[sflag:s22] =	ssyncadd.s32 $0xFFFFF830;
	s22 =	sadd.s32 $0x1480, s20  }
0x6b: {  	[spmem:s2] =	stream.indirect.scatter.add.f32 [tilespmem:s28], [sflag:$0xC], $0x10, s22, s13, $0xb8;
	[tilespmem:$0x9E20] =	vst v63  }
0x6c: {  	s22 =	simm.s32 $0x3  }
0x6d: {  	_ =	swait.ge [sflag:s22], $0x7D0  }
0x6e: {  	[sflag:s22] =	ssyncset.done $0x0  }
0x6f: {  	[sflag:s22] =	ssyncadd.s32 $0xFFFFF830;
	s22 =	sadd.s32 $0x1500, s20  }
0x70: {  	[spmem:s2] =	stream.indirect.scatter.add.f32 [tilespmem:s30], [sflag:$0xD], $0x10, s22, s13, $0xb8;
	[tilespmem:$0x9E20] =	vst v63  }
0x71: {  	s22 =	simm.s32 $0x4  }
0x72: {  	_ =	swait.ge [sflag:s22], $0x7D0  }
0x73: {  	[sflag:s22] =	ssyncset.done $0x0  }
0x74: {  	[sflag:s22] =	ssyncadd.s32 $0xFFFFF830;
	s22 =	sadd.s32 $0x1580, s20  }
0x75: {  	[spmem:s2] =	stream.indirect.scatter.add.f32 [tilespmem:s1], [sflag:$0xE], $0x10, s22, s13, $0xb8;
	[tilespmem:$0x9E20] =	vst v63  }
0x76: {  	s22 =	simm.s32 $0x5  }
0x77: {  	_ =	swait.ge [sflag:s22], $0x7D0  }
0x78: {  	[sflag:s22] =	ssyncset.done $0x0  }
0x79: {  	[sflag:s22] =	ssyncadd.s32 $0xFFFFF830;
	s22 =	sadd.s32 $0x1600, s20  }
0x7a: {  	[spmem:s2] =	stream.indirect.scatter.add.f32 [tilespmem:s12], [sflag:$0xF], $0x10, s22, s13, $0xb8;
	[tilespmem:$0x9E20] =	vst v63  }
0x7b: {  	s22 =	simm.s32 $0x6  }
0x7c: {  	_ =	swait.ge [sflag:s22], $0x7D0  }
0x7d: {  	[sflag:s22] =	ssyncset.done $0x0  }
0x7e: {  	[sflag:s22] =	ssyncadd.s32 $0xFFFFF830;
	s22 =	sadd.s32 $0x1680, s20  }
0x7f: {  	[spmem:s2] =	stream.indirect.scatter.add.f32 [tilespmem:s19], [sflag:$0x10], $0x10, s22, s13, $0xb8;
	[tilespmem:$0x9E20] =	vst v63  }
0x80: {  	s22 =	simm.s32 $0x7  }
0x81: {  	_ =	swait.ge [sflag:s22], $0x7D0  }
0x82: {  	[sflag:s22] =	ssyncset.done $0x0  }
0x83: {  	[sflag:s22] =	ssyncadd.s32 $0xFFFFF830;
	s22 =	sadd.s32 $0x1700, s20  }
0x84: {  	[spmem:s2] =	stream.indirect.scatter.add.f32 [tilespmem:s21], [sflag:$0x11], $0x10, s22, s13, $0xb8;
	[tilespmem:$0x9E20] =	vst v63  }
0x85: {  	_ =	swait.ge [sflag:s31], $0x7D0  }
0x86: {  	[sflag:s31] =	ssyncset.done $0x0  }
0x87: {  	s22 =	sadd.s32 $0x1780, s20;
	[sflag:s31] =	ssyncadd.s32 $0xFFFFF830  }
0x88: {  	[spmem:s2] =	stream.indirect.scatter.add.f32 [tilespmem:s23], [sflag:$0x12], $0x10, s22, s13, $0xb8;
	[tilespmem:$0x9E20] =	vst v63  }
0x89: {  	_ =	swait.ge [sflag:s0], $0x7D0  }
0x8a: {  	[sflag:s0] =	ssyncset.done $0x0  }
0x8b: {  	s22 =	sadd.s32 $0x1800, s20;
	[sflag:s0] =	ssyncadd.s32 $0xFFFFF830  }
0x8c: {  	[spmem:s2] =	stream.indirect.scatter.add.f32 [tilespmem:s15], [sflag:$0x13], $0x10, s22, s13, $0xb8;
	[tilespmem:$0x9E20] =	vst v63  }
0x8d: {  	_ =	swait.ge [sflag:s5], $0x7D0  }
0x8e: {  	p0 =	sne.s32 s18, $0x3C00;
	[sflag:s5] =	ssyncset.done $0x0  }
.Ltmp2:
0x8f: {  	s22 =	sadd.s32 $0x1880, s20;
	[sflag:s5] =	ssyncadd.s32 $0xFFFFF830;
	(pc) =	sbr.rel @!p0 .LBB2_3-.Ltmp2, $4  }
0x90: {  	[spmem:s2] =	stream.indirect.scatter.add.f32 [tilespmem:s17], [sflag:$0x14], $0x10, s22, s13, $0xb8;
	[tilespmem:$0x9E20] =	vst v63  }
0x91: {  	_ =	swait.ge [sflag:s7], $0x7D0  }
0x92: {  	[sflag:s7] =	ssyncset.done $0x0  }
0x93: {  	[sflag:s7] =	ssyncadd.s32 $0xFFFFF830  }
0x94: {  	s22 =	sadd.s32 $0x500, s20  }
0x95: {  	[tilespmem:s25], [sflag:$0x1] =	stream.indirect.gather [hbm4b:s4+s13], $0x10, s22, s13, $0xb8;
	[tilespmem:$0x9E20] =	vst v63  }
0x96: {  	_ =	swait.ge [sflag:s8], $0x7D0  }
0x97: {  	[sflag:s8] =	ssyncset.done $0x0  }
0x98: {  	s22 =	sadd.s32 $0x580, s20;
	[sflag:s8] =	ssyncadd.s32 $0xFFFFF830  }
0x99: {  	[tilespmem:s28], [sflag:$0x2] =	stream.indirect.gather [hbm4b:s4+s13], $0x10, s22, s13, $0xb8;
	[tilespmem:$0x9E20] =	vst v63  }
0x9a: {  	_ =	swait.ge [sflag:s9], $0x7D0  }
0x9b: {  	[sflag:s9] =	ssyncset.done $0x0  }
0x9c: {  	s22 =	sadd.s32 $0x600, s20;
	[sflag:s9] =	ssyncadd.s32 $0xFFFFF830  }
0x9d: {  	[tilespmem:s30], [sflag:$0x3] =	stream.indirect.gather [hbm4b:s4+s13], $0x10, s22, s13, $0xb8;
	[tilespmem:$0x9E20] =	vst v63  }
0x9e: {  	_ =	swait.ge [sflag:s24], $0x7D0  }
0x9f: {  	[sflag:s24] =	ssyncset.done $0x0  }
0xa0: {  	s22 =	sadd.s32 $0x680, s20;
	[sflag:s24] =	ssyncadd.s32 $0xFFFFF830  }
0xa1: {  	[tilespmem:s1], [sflag:$0x4] =	stream.indirect.gather [hbm4b:s4+s13], $0x10, s22, s13, $0xb8;
	[tilespmem:$0x9E20] =	vst v63  }
0xa2: {  	_ =	swait.ge [sflag:s3], $0x7D0  }
0xa3: {  	[sflag:s3] =	ssyncset.done $0x0  }
0xa4: {  	s22 =	sadd.s32 $0x700, s20;
	[sflag:s3] =	ssyncadd.s32 $0xFFFFF830  }
0xa5: {  	[tilespmem:s12], [sflag:$0x5] =	stream.indirect.gather [hbm4b:s4+s13], $0x10, s22, s13, $0xb8;
	[tilespmem:$0x9E20] =	vst v63  }
0xa6: {  	_ =	swait.ge [sflag:s6], $0x7D0  }
0xa7: {  	[sflag:s6] =	ssyncset.done $0x0  }
0xa8: {  	s22 =	sadd.s32 $0x780, s20;
	[sflag:s6] =	ssyncadd.s32 $0xFFFFF830  }
0xa9: {  	[tilespmem:s19], [sflag:$0x6] =	stream.indirect.gather [hbm4b:s4+s13], $0x10, s22, s13, $0xb8;
	[tilespmem:$0x9E20] =	vst v63  }
0xaa: {  	_ =	swait.ge [sflag:s10], $0x7D0  }
0xab: {  	[sflag:s10] =	ssyncset.done $0x0  }
0xac: {  	s22 =	sadd.s32 $0x800, s20;
	[sflag:s10] =	ssyncadd.s32 $0xFFFFF830  }
0xad: {  	[tilespmem:s21], [sflag:$0x7] =	stream.indirect.gather [hbm4b:s4+s13], $0x10, s22, s13, $0xb8;
	[tilespmem:$0x9E20] =	vst v63  }
0xae: {  	_ =	swait.ge [sflag:s11], $0x7D0  }
0xaf: {  	[sflag:s11] =	ssyncset.done $0x0  }
0xb0: {  	s22 =	sadd.s32 $0x880, s20;
	[sflag:s11] =	ssyncadd.s32 $0xFFFFF830  }
0xb1: {  	[tilespmem:s23], [sflag:$0x8] =	stream.indirect.gather [hbm4b:s4+s13], $0x10, s22, s13, $0xb8;
	[tilespmem:$0x9E20] =	vst v63  }
0xb2: {  	_ =	swait.ge [sflag:s14], $0x7D0  }
0xb3: {  	s18 =	sadd.s32 $0x1400, s18;
	[sflag:s14] =	ssyncset.done $0x0  }
0xb4: {  	p0 =	sne.s32 s18, $0x5000;
	s22 =	sadd.s32 $0x900, s20;
	[sflag:s14] =	ssyncadd.s32 $0xFFFFF830  }
0xb5: {  	[tilespmem:s15], [sflag:$0x9] =	stream.indirect.gather [hbm4b:s4+s13], $0x10, s22, s13, $0xb8;
	[tilespmem:$0x9E20] =	vst v63  }
.Ltmp3:
0xb6: {  	_ = 	snop;
	(pc) =	sbr.rel @p0 .LBB2_2-.Ltmp3, $4  }
.Ltmp4:
0xb7: {  	_ =	swait.ge [sflag:s16], $0x7D0;
	(pc) =	sbr.rel @!p0 .LBB2_5-.Ltmp4, $4  }
0xb8: {  	[sflag:s16] =	ssyncset.done $0x0  }
0xb9: {  	s22 =	sadd.s32 $0x980, s20;
	[sflag:s16] =	ssyncadd.s32 $0xFFFFF830  }
0xba: {  	[tilespmem:s17], [sflag:$0xA] =	stream.indirect.gather [hbm4b:s4+s13], $0x10, s22, s13, $0xb8;
	[tilespmem:$0x9E20] =	vst v63  }
0xbb: {  	_ = 	snop  }
.LBB2_6:
0xbc: {  	_ =	sfence.sel $0x180000  }
0xbd: {  	[bflag:$0x0] =	sbarrier.arrive $0xFFFF  }
0xbe: {  	_ =	strace $0x9000004D  }
0xbf: {  	s0 =	stileid.u32;
	[bflag:$0x2] =	sbarrier.arrive $0xFFFF  }
0xc0: {  	p0 =	sne.s32 s0, $0x0;
	s0 =	rddreg [dreg:$0x2]  }
0xc1: {  	s0 =	sadd.s32 @!p0 $0x100000, s0  }
0xc2: {  	[sflag:s0] =	ssyncadd.tile.s32 @!p0 $0x1;
	_ =	shalt  }
.Lfunc_end2:
_tile_overlayer_lowered:
.L_overlay_start_2:
0xc3: {  	(tag) =	ssettag $0x2  }
0xc4: {  	s0 =	rddreg [dreg:$0x0];
	s2 =	stileid.u32  }
0xc5: {  	s1 =	rddreg [dreg:$0x1];
	p0 =	sne.s32 s2, $0x0  }
0xc6: {  	s3 =	rddreg [dreg:$0x2];
	[bflag:$0x3] =	sbarrier.arrive $0xFFFF;
	s2 =	simm.s32 @!p0 $0x1C15  }
0xc7: {  	[timem:s3], [sflag:s2] =	dma.local @!p0 [hbm:s0], s1  }
0xc8: {  	s0 =	simm.s32 @!p0 $0x15  }
0xc9: {  	_ =	swait.ge @!p0 [sflag:s0], s1  }
0xca: {  	s1 =	ssub.s32 @!p0 $0x0, s1;
	[sflag:s0] =	ssyncset.done @!p0 $0x0  }
0xcb: {  	[sflag:s0] =	ssyncadd.s32 @!p0 s1  }
0xcc: {  	[bflag:$0x3] =	sbarrier.arrive $0xFFFF  }
0xcd: {  	_ =	shalt  }

// kernel: kernel.8.cloned.1.call-start
scs
__scs_entry_jumppad:
0x0: {  	(pc) =	sbr.rel $0x88, $3  }
0x1: {  	(tag) =	ssettag $0x0;
	lr =	simm.s32 $0x1  }
0x2: {  	[smem:$0x3F9B] =	sst lr;
	_ =	strace $0xD0000000  }
0x3: {  	_ = 	snop  }
0x4: {  	_ = 	snop  }
0x5: {  	_ = 	snop  }
0x6: {  	_ = 	snop  }
0x7: {  	_ = 	snop  }
__scs_overlays_trampoline_lowered:
0x8: {  	[smem:$0x3FAA] =	sst s0  }
0x9: {  	[smem:$0x3FAB] =	sst s1  }
0xa: {  	[smem:$0x3FAC] =	sst s2  }
0xb: {  	[smem:$0x3FAD] =	sst s3  }
0xc: {  	[smem:$0x3FAE] =	sst s4  }
0xd: {  	[smem:$0x3FAF] =	sst s5  }
0xe: {  	[smem:$0x3FB0] =	sst s6  }
0xf: {  	[smem:$0x3FB1] =	sst s7  }
0x10: {  	[smem:$0x3FB2] =	sst s8  }
0x11: {  	[smem:$0x3FB3] =	sst s9;
	s0 =	simm.s32 @!p0 $0x0  }
0x12: {  	s1 =	sld [smem:$0x3F99];
	s0 =	simm.s32 @p0 $0x1  }
0x13: {  	[smem:$0x3FB4] =	sst s0;
	s0 =	simm.s32 @!p1 $0x0  }
0x14: {  	s2 =	sld [smem:$0x3F98];
	s0 =	simm.s32 @p1 $0x1  }
0x15: {  	[smem:$0x3FB5] =	sst s0;
	s0 =	simm.s32 @!p2 $0x0  }
0x16: {  	s3 =	sld [smem:$0x3FDB];
	s0 =	simm.s32 @p2 $0x1  }
0x17: {  	s4 =	simm.s32 $0x1BF5;
	[smem:$0x3FB7] =	sst s0  }
0x18: {  	s0 =	sld [smem:$0x3F9A];
	_ =	swait.ge [sflag:s4], $0x0  }
0x19: {  	s7 =	sld [smem:$0x3F9B]  }
0x1a: {  	s8 =	sadd.s32 $0xFFFFE003, lr  }
0x1b: {  	s9 =	sadd.s32 $0xFFFFFEF7, lr;
	s5 =	simm.s32 $0xFFFFFFFF;
	p2 =	slt.u32 s8, $0xFFFFF086  }
0x1c: {  	p1 =	slt.u32 s9, $0xF7A;
	s5 =	simm.s32 @!p2 $0x0  }
0x1d: {  	s5 =	simm.s32 @p1 $0x1;
	p0 =	seq.s32 s7, s2  }
0x1e: {  	s7 =	smul.u32 @!p0 $0xF7A, s2;
	p2 =	seq.s32 @!p0 s5, $0x0  }
0x1f: {  	s9 =	smul.u32 $0xF7A, s1;
	s8 =	simm.s32 @!p0 $0x1BF5;
	p2 =	por !p2, p0  }
0x20: {  	[sflag:s8] =	ssyncset.s32 @!p0 $0xFFFFF086;
	s6 =	sadd.s32 @!p0 s3, s7;
	s7 =	simm.s32 @!p0 $0x108  }
0x21: {  	s3 =	sadd.s32 s3, s9;
	s6 =	sadd.s32 @!p0 $0x88, s6;
	s7 =	simm.s32 @p2 $0x1082  }
0x22: {  	[simem:s7], [sflag:s8] =	dma.local @!p0 [hbm:s6], $0xF7A  }
0x23: {  	s9 =	sor.u32 $0xD0000000, s2;
	s6 =	simm.s32 $0x108;
	_ =	swait.ge @!p0 [sflag:s8], $0x0  }
0x24: {  	s3 =	sadd.s32 $0x88, s3;
	s6 =	simm.s32 @!p1 $0x1082;
	[sflag:s4] =	ssyncset.s32 $0xFFFFF086  }
0x25: {  	[simem:s6], [sflag:s4] =	dma.local [hbm:s3], $0xF7A  }
0x26: {  	[smem:$0x3F9B] =	sst s1;
	(tag) =	ssettag s2;
	_ =	strace s9  }
0x27: {  	s1 =	sld [smem:$0x3FAB]  }
0x28: {  	s2 =	sld [smem:$0x3FAC]  }
0x29: {  	s4 =	sld [smem:$0x3FAE]  }
0x2a: {  	p0 =	seq.s32 s5, $0x0;
	s5 =	sld [smem:$0x3FAF]  }
0x2b: {  	s6 =	sld [smem:$0x3FB0]  }
0x2c: {  	s7 =	sld [smem:$0x3FB1]  }
0x2d: {  	s3 =	simm.s32 $0x108;
	s8 =	sld [smem:$0x3FB2]  }
0x2e: {  	s3 =	simm.s32 @!p0 $0x1082;
	s9 =	sld [smem:$0x3FB3]  }
0x2f: {  	lr =	sadd.s32 s0, s3;
	s0 =	sld [smem:$0x3FAA]  }
0x30: {  	s3 =	sld [smem:$0x3FAD]  }
0x31: {  	[smem:$0x3FB6] =	sst s10  }
0x32: {  	s10 =	sld [smem:$0x3FB4];
	_ =	sdelay $0x3  }
0x33: {  	p0 =	seq.s32 s10, $0x1;
	s10 =	sld [smem:$0x3FB6];
	_ =	sdelay $0x3  }
0x34: {  	[smem:$0x3FB6] =	sst s10  }
0x35: {  	s10 =	sld [smem:$0x3FB5];
	_ =	sdelay $0x3  }
0x36: {  	p1 =	seq.s32 s10, $0x1;
	s10 =	sld [smem:$0x3FB6];
	_ =	sdelay $0x3  }
0x37: {  	[smem:$0x3FB6] =	sst s10  }
0x38: {  	s10 =	sld [smem:$0x3FB7]  }
0x39: {  	_ = 	snop;
	(pc) =	sbr.ind lr, $3  }
0x3a: {  	_ = 	snop  }
0x3b: {  	_ = 	snop  }
0x3c: {  	p2 =	seq.s32 s10, $0x1;
	s10 =	sld [smem:$0x3FB6]  }
0x3d: {  	_ =	shalt  }
0x3e: {  	_ =	shalt  }
0x3f: {  	_ =	shalt  }
0x40: {  	_ =	shalt  }
0x41: {  	_ =	shalt  }
0x42: {  	_ =	shalt  }
0x43: {  	_ =	shalt  }
0x44: {  	_ =	shalt  }
0x45: {  	_ =	shalt  }
0x46: {  	_ =	shalt  }
0x47: {  	_ =	shalt  }
0x48: {  	_ =	shalt  }
0x49: {  	_ =	shalt  }
0x4a: {  	_ =	shalt  }
0x4b: {  	_ =	shalt  }
0x4c: {  	_ =	shalt  }
0x4d: {  	_ =	shalt  }
0x4e: {  	_ =	shalt  }
0x4f: {  	_ =	shalt  }
0x50: {  	_ =	shalt  }
0x51: {  	_ =	shalt  }
0x52: {  	_ =	shalt  }
0x53: {  	_ =	shalt  }
0x54: {  	_ =	shalt  }
0x55: {  	_ =	shalt  }
0x56: {  	_ =	shalt  }
0x57: {  	_ =	shalt  }
0x58: {  	_ =	shalt  }
0x59: {  	_ =	shalt  }
0x5a: {  	_ =	shalt  }
0x5b: {  	_ =	shalt  }
0x5c: {  	_ =	shalt  }
0x5d: {  	_ =	shalt  }
0x5e: {  	_ =	shalt  }
0x5f: {  	_ =	shalt  }
0x60: {  	_ =	shalt  }
0x61: {  	_ =	shalt  }
0x62: {  	_ =	shalt  }
0x63: {  	_ =	shalt  }
0x64: {  	_ =	shalt  }
0x65: {  	_ =	shalt  }
0x66: {  	_ =	shalt  }
0x67: {  	_ =	shalt  }
0x68: {  	_ =	shalt  }
0x69: {  	_ =	shalt  }
0x6a: {  	_ =	shalt  }
0x6b: {  	_ =	shalt  }
0x6c: {  	_ =	shalt  }
0x6d: {  	_ =	shalt  }
0x6e: {  	_ =	shalt  }
0x6f: {  	_ =	shalt  }
0x70: {  	_ =	shalt  }
0x71: {  	_ =	shalt  }
0x72: {  	_ =	shalt  }
0x73: {  	_ =	shalt  }
0x74: {  	_ =	shalt  }
0x75: {  	_ =	shalt  }
0x76: {  	_ =	shalt  }
0x77: {  	_ =	shalt  }
0x78: {  	_ =	shalt  }
0x79: {  	_ =	shalt  }
0x7a: {  	_ =	shalt  }
0x7b: {  	_ =	shalt  }
0x7c: {  	_ =	shalt  }
0x7d: {  	_ =	shalt  }
0x7e: {  	_ =	shalt  }
0x7f: {  	_ =	shalt  }
0x80: {  	_ =	shalt  }
0x81: {  	_ =	shalt  }
0x82: {  	_ =	shalt  }
0x83: {  	_ =	shalt  }
0x84: {  	_ =	shalt  }
0x85: {  	_ =	shalt  }
0x86: {  	_ =	shalt  }
0x87: {  	_ =	shalt  }
.Lfunc_end0:
.L_simem_size_0:
called_computation_lowered:
.L_overlay_start_0:
0x88: {  	s2 =	sld [smem:$0x3FD9]  }
0x89: {  	s3 =	sld [smem:$0x3FFE];
	_ =	sdelay $0x1  }
0x8a: {  	s1 =	srdreg.scid  }
0x8b: {  	s0 =	sand.u32 $0x1, s1  }
0x8c: {  	s17 =	sshll.u32 s0, $0xA;
	s2 =	sadd.s32 s3, s2  }
0x8d: {  	s2 =	sadd.s32 s2, s17  }
0x8e: {  	[smem:$0x3FC2] =	sst s2  }
0x8f: {  	_ = 	snop  }
0x90: {  	s2 =	sld [smem:$0x3FD0];
	(tm) =	ssettm $0x1  }
0x91: {  	s18 =	sld [smem:$0x3FFB];
	_ =	sdelay $0x3  }
0x92: {  	_ =	strace s18  }
0x93: {  	s3 =	sld [smem:$0x3FFC];
	_ =	sdelay $0x3  }
0x94: {  	_ =	strace s3  }
0x95: {  	s3 =	sld [smem:$0x3FFD];
	_ =	sdelay $0x3  }
0x96: {  	_ =	strace s3  }
0x97: {  	_ =	strace $0x8FFFFFFF  }
0x98: {  	s19 =	sld [smem:$0x3FDB];
	_ =	sdelay $0x1  }
0x99: {  	s4 =	simm.s32 $_scs_section_size  }
0x9a: {  	s5 =	simm.s32 $_size__tile_overlayer_lowered;
	s6 =	simm.s32 $_tile_overlayer_lowered  }
0x9b: {  	s22 =	simm.s32 $0x1BFF;
	s21 =	sshll.u32 s6, $0x1;
	s3 =	sadd.s32 s4, s19  }
0x9c: {  	s7 =	simm.s32 $0x0;
	s20 =	sshll.u32 s5, $0x1;
	s5 =	sadd.s32 s21, s3  }
0x9d: {  	[timem:s7], [sflag:s22] =	dma.local [hbm:s5], s20  }
0x9e: {  	_ =	swait.ge [sflag:s22], s20  }
0x9f: {  	s4 =	ssub.s32 $0x0, s20;
	[sflag:s22] =	ssyncset.done $0x0  }
0xa0: {  	[sflag:s22] =	ssyncadd.s32 s4;
	_ =	sdelay $0x1  }
0xa1: {  	s23 =	simm.s32 $0x1B8B  }
0xa2: {  	_ =	swait.ge [sflag:s23], $0x1  }
0xa3: {  	[sflag:s23] =	ssyncset.done $0x0  }
0xa4: {  	s25 =	simm.s32 $0x1B8E;
	s24 =	sld [smem:$0x3FFE];
	[sflag:s23] =	ssyncadd.s32 $0xFFFFFFFF  }
0xa5: {  	s26 =	simm.s32 $execute0_lowered;
	[smem:$0x3FD2] =	sst s25  }
0xa6: {  	s5 =	sshll.u32 s26, $0x1;
	_ =	strace $0x80000046;
	[dreg:$0x1] =	wrdreg $0xFFFFFFFF  }
0xa7: {  	s28 =	simm.s32 $_size_execute0_lowered;
	s3 =	sadd.s32 s3, s5;
	[dreg:$0x0] =	wrdreg $0x0  }
0xa8: {  	s5 =	sshll.u32 s28, $0x1;
	[dreg:$0x2] =	wrdreg s3  }
0xa9: {  	[dreg:$0x3] =	wrdreg s5  }
0xaa: {  	[dreg:$0x4] =	wrdreg $0xC0  }
0xab: {  	_ =	task [dreg:s7], $0x5FFFF  }
0xac: {  	[dreg:$0x1] =	wrdreg $0xFFFFFFFF  }
0xad: {  	[dreg:$0x0] =	wrdreg $0x60  }
0xae: {  	[dreg:$0x2] =	wrdreg s24  }
0xaf: {  	[dreg:$0x3] =	wrdreg s2  }
0xb0: {  	[dreg:$0x4] =	wrdreg $0x1BD00  }
0xb1: {  	[dreg:$0x5] =	wrdreg $0x9  }
0xb2: {  	_ =	task.clear_ibuf [dreg:s7], $0x6FFFF;
	_ =	strace $0x90000046  }
0xb3: {  	s29 =	simm.s32 $0x9;
	_ =	strace $0x80000048  }
0xb4: {  	_ =	swait.ge [sflag:s29], $0x1  }
0xb5: {  	[sflag:s29] =	ssyncadd.s32 $0xFFFFFFFF  }
0xb6: {  	_ =	strace $0x90000048  }
0xb7: {  	_ =	sfence  }
0xb8: {  	s30 =	sld [smem:$0x0];
	_ =	sdelay $0x2  }
0xb9: {  	s31 =	sshll.u32 s1, $0xD;
	s1 =	sshrl.u32 s1, $0x2  }
0xba: {  	s3 =	sand.u32 $0x4000, s31;
	s1 =	sadd.s32 s1, s30  }
0xbb: {  	s0 =	sor.u32 s3, s0;
	s1 =	sshll.u32 s1, $0x11  }
0xbc: {  	s0 =	sor.u32 s1, s0  }
0xbd: {  	s0 =	sadd.s32 $0x8F2B, s0  }
0xbe: {  	[sflag:s0] =	ssyncadd.remote.s32 $0x1  }
0xbf: {  	_ =	sfence.sel $0xFFFF  }
0xc0: {  	[dreg:$0x0] =	wrdreg $0xFFFFFFFF;
	(pc) =	sbr.abs _section_cstart, $3  }
0xc1: {  	[dreg:$0x1] =	wrdreg $0xFFFFFFFF  }
0xc2: {  	_ =	task.clear_ibuf [dreg:s7], $0x2FFFF;
	_ =	strace $0x9FFFFFFF  }
0xc3: {  	(tm) =	ssettm $0x7FFFFFFF  }
tec
execute0_lowered:
.L_overlay_start_1:
0x0: {  	(tag) =	ssettag $0x1  }
0x1: {  	s0 =	rddreg [dreg:$0x0]  }
0x2: {  	s1 =	srdreg.scid;
	s8 =	stileid.u32  }
0x3: {  	s3 =	rddreg [dreg:$0x2];
	s4 =	simm.s32 $0x0;
	s10 =	simm.s32 $0x2  }
0x4: {  	s11 =	simm.s32 $0x1400;
	s12 =	simm.s32 $0x7D;
	s16 =	simm.s32 $0xC00  }
0x5: {  	s17 =	simm.s32 $0xC80;
	s18 =	simm.s32 $0xD00;
	s19 =	simm.s32 $0xD80  }
0x6: {  	s20 =	simm.s32 $0xE00;
	s21 =	simm.s32 $0xE80;
	s22 =	simm.s32 $0xF00  }
0x7: {  	s23 =	simm.s32 $0xF80;
	s25 =	simm.s32 $0x1000;
	s28 =	simm.s32 $0x1100  }
0x8: {  	s29 =	simm.s32 $0x1180;
	s30 =	simm.s32 $0x1200;
	s31 =	simm.s32 $0x1280  }
0x9: {  	s14 =	simm.s32 $0x0;
	s1 =	sand.u32 $0x1, s1;
	s2 =	sshll.u32 s8, $0x1  }
0xa: {  	[smem:$0x7FF] =	sst s4;
	s13 =	smul.u32 $0x2800, s8;
	s26 =	sshll.u32 s8, $0x6  }
0xb: {  	s2 =	sor.u32 s1, s2;
	_ =	strace $0x80000047;
	s5 =	smul.u32 $0x28000, s1  }
0xc: {  	s1 =	ssub.s32 $0x2, s1;
	s2 =	smul.u32 $0x280, s2;
	s6 =	sshrl.u32 s13, $0x3  }
0xd: {  	s7 =	sshrl.u32 s1, $0x1;
	s9 =	sadd.s32 s13, s3;
	s6 =	sadd.s32 s6, s0  }
0xe: {  	s1 =	ssub.s32 s1, s7;
	s9 =	sshrl.u32 s9, $0x3;
	s2 =	sadd.s32 s2, s0  }
0xf: {  	s0 =	sadd.s32 s5, s0;
	s5 =	sadd.s32 $0x7200, s6;
	s6 =	sor.u32 $0x1C02, s26  }
0x10: {  	s8 =	smax.u32 s1, $0x1;
	s26 =	simm.s32 $0x1080;
	s1 =	simm.s32 $0x1300  }
0x11: {  	s7 =	sadd.s32 $0x2200, s2;
	s0 =	sadd.s32 $0xC200, s0;
	s2 =	simm.s32 $0x1  }
0x12: {  	s24 =	sadd.s32 s13, s0;
	s0 =	simm.s32 $0x1380;
	s13 =	simm.s32 $0x10  }
.LBB2_1:
0x13: {  	[spmem:s9], [sflag:s6] =	dma.local [hbm:s5], $0x500  }
0x14: {  	_ =	swait.ge [sflag:s10], $0x500  }
0x15: {  	[sflag:s10] =	ssyncset.done $0x0  }
0x16: {  	[sflag:s10] =	ssyncadd.s32 $0xFFFFFB00  }
0x17: {  	s15 =	rddreg [dreg:$0x1]  }
0x18: {  	[tilespmem:s11], [sflag:$0x2] =	stream.linear.gather [hbm4b:s15+s4], $0x7D0, $0x38;
	[tilespmem:$0x43D0] =	vst v63  }
0x19: {  	_ =	swait.ge [sflag:s10], $0x7D0  }
0x1a: {  	[sflag:s10] =	ssyncset.done $0x0  }
0x1b: {  	[sflag:s10] =	ssyncadd.s32 $0xFFFFF830  }
0x1c: {  	[tilespmem:s4], [sflag:$0x2] =	stream.linear.gather [hbm4b:s7+s4], $0x1400, $0x38;
	[tilespmem:$0x43D0] =	vst v63  }
0x1d: {  	_ =	swait.ge [sflag:s10], $0x1400  }
0x1e: {  	[sflag:s10] =	ssyncset.done $0x0  }
0x1f: {  	[sflag:s10] =	ssyncadd.s32 $0xFFFFEC00  }
0x20: {  	[bflag:$0x0] =	sbarrier.arrive $0xFFFF  }
0x21: {  	[spmem:s3] =	stream.indirect.scatter.add.f32 [tilespmem:s11], [sflag:$0x1], $0x10, s4, s12, $0xb8;
	[tilespmem:$0x43D0] =	vst v63  }
0x22: {  	s15 =	simm.s32 $0x80  }
0x23: {  	[spmem:s3] =	stream.indirect.scatter.add.f32 [tilespmem:s11], [sflag:$0x1], $0x10, s15, s12, $0xb8;
	[tilespmem:$0x43D0] =	vst v63  }
0x24: {  	s15 =	simm.s32 $0x100  }
0x25: {  	[spmem:s3] =	stream.indirect.scatter.add.f32 [tilespmem:s11], [sflag:$0x1], $0x10, s15, s12, $0xb8;
	[tilespmem:$0x43D0] =	vst v63  }
0x26: {  	s15 =	simm.s32 $0x180  }
0x27: {  	[spmem:s3] =	stream.indirect.scatter.add.f32 [tilespmem:s11], [sflag:$0x1], $0x10, s15, s12, $0xb8;
	[tilespmem:$0x43D0] =	vst v63  }
0x28: {  	s15 =	simm.s32 $0x200  }
0x29: {  	[spmem:s3] =	stream.indirect.scatter.add.f32 [tilespmem:s11], [sflag:$0x1], $0x10, s15, s12, $0xb8;
	[tilespmem:$0x43D0] =	vst v63  }
0x2a: {  	s15 =	simm.s32 $0x280  }
0x2b: {  	[spmem:s3] =	stream.indirect.scatter.add.f32 [tilespmem:s11], [sflag:$0x1], $0x10, s15, s12, $0xb8;
	[tilespmem:$0x43D0] =	vst v63  }
0x2c: {  	s15 =	simm.s32 $0x300  }
0x2d: {  	[spmem:s3] =	stream.indirect.scatter.add.f32 [tilespmem:s11], [sflag:$0x1], $0x10, s15, s12, $0xb8;
	[tilespmem:$0x43D0] =	vst v63  }
0x2e: {  	s15 =	simm.s32 $0x380  }
0x2f: {  	[spmem:s3] =	stream.indirect.scatter.add.f32 [tilespmem:s11], [sflag:$0x1], $0x10, s15, s12, $0xb8;
	[tilespmem:$0x43D0] =	vst v63  }
0x30: {  	s15 =	simm.s32 $0x400  }
0x31: {  	[spmem:s3] =	stream.indirect.scatter.add.f32 [tilespmem:s11], [sflag:$0x1], $0x10, s15, s12, $0xb8;
	[tilespmem:$0x43D0] =	vst v63  }
0x32: {  	s15 =	simm.s32 $0x480  }
0x33: {  	[spmem:s3] =	stream.indirect.scatter.add.f32 [tilespmem:s11], [sflag:$0x1], $0x10, s15, s12, $0xb8;
	[tilespmem:$0x43D0] =	vst v63  }
0x34: {  	s15 =	simm.s32 $0x500  }
0x35: {  	[spmem:s3] =	stream.indirect.scatter.add.f32 [tilespmem:s11], [sflag:$0x1], $0x10, s15, s12, $0xb8;
	[tilespmem:$0x43D0] =	vst v63  }
0x36: {  	s15 =	simm.s32 $0x580  }
0x37: {  	[spmem:s3] =	stream.indirect.scatter.add.f32 [tilespmem:s11], [sflag:$0x1], $0x10, s15, s12, $0xb8;
	[tilespmem:$0x43D0] =	vst v63  }
0x38: {  	s15 =	simm.s32 $0x600  }
0x39: {  	[spmem:s3] =	stream.indirect.scatter.add.f32 [tilespmem:s11], [sflag:$0x1], $0x10, s15, s12, $0xb8;
	[tilespmem:$0x43D0] =	vst v63  }
0x3a: {  	s15 =	simm.s32 $0x680  }
0x3b: {  	[spmem:s3] =	stream.indirect.scatter.add.f32 [tilespmem:s11], [sflag:$0x1], $0x10, s15, s12, $0xb8;
	[tilespmem:$0x43D0] =	vst v63  }
0x3c: {  	s15 =	simm.s32 $0x700  }
0x3d: {  	[spmem:s3] =	stream.indirect.scatter.add.f32 [tilespmem:s11], [sflag:$0x1], $0x10, s15, s12, $0xb8;
	[tilespmem:$0x43D0] =	vst v63  }
0x3e: {  	s15 =	simm.s32 $0x780  }
0x3f: {  	[spmem:s3] =	stream.indirect.scatter.add.f32 [tilespmem:s11], [sflag:$0x1], $0x10, s15, s12, $0xb8;
	[tilespmem:$0x43D0] =	vst v63  }
0x40: {  	s15 =	simm.s32 $0x800  }
0x41: {  	[spmem:s3] =	stream.indirect.scatter.add.f32 [tilespmem:s11], [sflag:$0x1], $0x10, s15, s12, $0xb8;
	[tilespmem:$0x43D0] =	vst v63  }
0x42: {  	s15 =	simm.s32 $0x880  }
0x43: {  	[spmem:s3] =	stream.indirect.scatter.add.f32 [tilespmem:s11], [sflag:$0x1], $0x10, s15, s12, $0xb8;
	[tilespmem:$0x43D0] =	vst v63  }
0x44: {  	s15 =	simm.s32 $0x900  }
0x45: {  	[spmem:s3] =	stream.indirect.scatter.add.f32 [tilespmem:s11], [sflag:$0x1], $0x10, s15, s12, $0xb8;
	[tilespmem:$0x43D0] =	vst v63  }
0x46: {  	s15 =	simm.s32 $0x980  }
0x47: {  	[spmem:s3] =	stream.indirect.scatter.add.f32 [tilespmem:s11], [sflag:$0x1], $0x10, s15, s12, $0xb8;
	[tilespmem:$0x43D0] =	vst v63  }
0x48: {  	s15 =	simm.s32 $0xA00  }
0x49: {  	[spmem:s3] =	stream.indirect.scatter.add.f32 [tilespmem:s11], [sflag:$0x1], $0x10, s15, s12, $0xb8;
	[tilespmem:$0x43D0] =	vst v63  }
0x4a: {  	s15 =	simm.s32 $0xA80  }
0x4b: {  	[spmem:s3] =	stream.indirect.scatter.add.f32 [tilespmem:s11], [sflag:$0x1], $0x10, s15, s12, $0xb8;
	[tilespmem:$0x43D0] =	vst v63  }
0x4c: {  	s15 =	simm.s32 $0xB00  }
0x4d: {  	[spmem:s3] =	stream.indirect.scatter.add.f32 [tilespmem:s11], [sflag:$0x1], $0x10, s15, s12, $0xb8;
	[tilespmem:$0x43D0] =	vst v63  }
0x4e: {  	s15 =	simm.s32 $0xB80  }
0x4f: {  	[spmem:s3] =	stream.indirect.scatter.add.f32 [tilespmem:s11], [sflag:$0x1], $0x10, s15, s12, $0xb8;
	[tilespmem:$0x43D0] =	vst v63  }
0x50: {  	_ = 	snop  }
0x51: {  	[spmem:s3] =	stream.indirect.scatter.add.f32 [tilespmem:s11], [sflag:$0x1], $0x10, s16, s12, $0xb8;
	[tilespmem:$0x43D0] =	vst v63  }
0x52: {  	_ = 	snop  }
0x53: {  	[spmem:s3] =	stream.indirect.scatter.add.f32 [tilespmem:s11], [sflag:$0x1], $0x10, s17, s12, $0xb8;
	[tilespmem:$0x43D0] =	vst v63  }
0x54: {  	_ = 	snop  }
0x55: {  	[spmem:s3] =	stream.indirect.scatter.add.f32 [tilespmem:s11], [sflag:$0x1], $0x10, s18, s12, $0xb8;
	[tilespmem:$0x43D0] =	vst v63  }
0x56: {  	_ = 	snop  }
0x57: {  	[spmem:s3] =	stream.indirect.scatter.add.f32 [tilespmem:s11], [sflag:$0x1], $0x10, s19, s12, $0xb8;
	[tilespmem:$0x43D0] =	vst v63  }
0x58: {  	_ = 	snop  }
0x59: {  	[spmem:s3] =	stream.indirect.scatter.add.f32 [tilespmem:s11], [sflag:$0x1], $0x10, s20, s12, $0xb8;
	[tilespmem:$0x43D0] =	vst v63  }
0x5a: {  	_ = 	snop  }
0x5b: {  	[spmem:s3] =	stream.indirect.scatter.add.f32 [tilespmem:s11], [sflag:$0x1], $0x10, s21, s12, $0xb8;
	[tilespmem:$0x43D0] =	vst v63  }
0x5c: {  	_ = 	snop  }
0x5d: {  	[spmem:s3] =	stream.indirect.scatter.add.f32 [tilespmem:s11], [sflag:$0x1], $0x10, s22, s12, $0xb8;
	[tilespmem:$0x43D0] =	vst v63  }
0x5e: {  	_ = 	snop  }
0x5f: {  	[spmem:s3] =	stream.indirect.scatter.add.f32 [tilespmem:s11], [sflag:$0x1], $0x10, s23, s12, $0xb8;
	[tilespmem:$0x43D0] =	vst v63  }
0x60: {  	_ = 	snop  }
0x61: {  	[spmem:s3] =	stream.indirect.scatter.add.f32 [tilespmem:s11], [sflag:$0x1], $0x10, s25, s12, $0xb8;
	[tilespmem:$0x43D0] =	vst v63  }
0x62: {  	_ = 	snop  }
0x63: {  	[spmem:s3] =	stream.indirect.scatter.add.f32 [tilespmem:s11], [sflag:$0x1], $0x10, s26, s12, $0xb8;
	[tilespmem:$0x43D0] =	vst v63  }
0x64: {  	_ = 	snop  }
0x65: {  	[spmem:s3] =	stream.indirect.scatter.add.f32 [tilespmem:s11], [sflag:$0x1], $0x10, s28, s12, $0xb8;
	[tilespmem:$0x43D0] =	vst v63  }
0x66: {  	_ = 	snop  }
0x67: {  	[spmem:s3] =	stream.indirect.scatter.add.f32 [tilespmem:s11], [sflag:$0x1], $0x10, s29, s12, $0xb8;
	[tilespmem:$0x43D0] =	vst v63  }
0x68: {  	_ = 	snop  }
0x69: {  	[spmem:s3] =	stream.indirect.scatter.add.f32 [tilespmem:s11], [sflag:$0x1], $0x10, s30, s12, $0xb8;
	[tilespmem:$0x43D0] =	vst v63  }
0x6a: {  	_ = 	snop  }
0x6b: {  	[spmem:s3] =	stream.indirect.scatter.add.f32 [tilespmem:s11], [sflag:$0x1], $0x10, s31, s12, $0xb8;
	[tilespmem:$0x43D0] =	vst v63  }
0x6c: {  	_ = 	snop  }
0x6d: {  	[spmem:s3] =	stream.indirect.scatter.add.f32 [tilespmem:s11], [sflag:$0x1], $0x10, s1, s12, $0xb8;
	[tilespmem:$0x43D0] =	vst v63  }
0x6e: {  	_ = 	snop  }
0x6f: {  	[spmem:s3] =	stream.indirect.scatter.add.f32 [tilespmem:s11], [sflag:$0x1], $0x10, s0, s12, $0xb8;
	[tilespmem:$0x43D0] =	vst v63  }
0x70: {  	_ =	swait.ge [sflag:s2], $0x7D0  }
0x71: {  	s15 =	simm.s32 $0x27;
	[sflag:s2] =	ssyncset.done $0x0  }
.LBB2_2:
0x72: {  	p0 =	sne.s32 s15, $0x1;
	s15 =	sadd.s32 $0xFFFFFFFF, s15;
	[sflag:s2] =	ssyncadd.s32 $0xFFFFF830  }
.Ltmp0:
0x73: {  	(pc) =	sbr.rel @p0 .LBB2_2-.Ltmp0, $3  }
0x74: {  	_ =	sdelay $0x1  }
0x75: {  	_ =	swait.ge [sflag:s2], $0x7D0  }
0x76: {  	[sflag:s2] =	ssyncset.done $0x0  }
0x77: {  	s14 =	sadd.s32 $0x1, s14  }
0x78: {  	[sflag:s2] =	ssyncadd.s32 $0xFFFFF830;
	p0 =	sne.s32 s14, s8  }
.Ltmp1:
0x79: {  	[bflag:$0x0] =	sbarrier.arrive $0xFFFF;
	(pc) =	sbr.rel @p0 .LBB2_1-.Ltmp1, $4  }
0x7a: {  	[hbm:s24@s13], [sflag:s6] =	dma.strided [spmem:s9@s10], $0x500, s2, $0x2   }
0x7b: {  	_ =	swait.ge [sflag:s10], $0x500  }
0x7c: {  	[sflag:s10] =	ssyncset.done $0x0  }
0x7d: {  	[sflag:s10] =	ssyncadd.s32 $0xFFFFFB00  }
0x7e: {  	_ =	sfence.sel $0x180000  }
0x7f: {  	[bflag:$0x0] =	sbarrier.arrive $0xFFFF  }
0x80: {  	_ =	strace $0x90000047  }
0x81: {  	s0 =	stileid.u32;
	[bflag:$0x2] =	sbarrier.arrive $0xFFFF  }
0x82: {  	p0 =	sne.s32 s0, $0x0;
	s0 =	rddreg [dreg:$0x3]  }
0x83: {  	s0 =	sadd.s32 @!p0 $0x100000, s0  }
0x84: {  	[sflag:s0] =	ssyncadd.tile.s32 @!p0 $0x1;
	_ =	shalt  }
.Lfunc_end2:
_tile_overlayer_lowered:
.L_overlay_start_2:
0x85: {  	(tag) =	ssettag $0x2  }
0x86: {  	s0 =	rddreg [dreg:$0x0];
	s2 =	stileid.u32  }
0x87: {  	s1 =	rddreg [dreg:$0x1];
	p0 =	sne.s32 s2, $0x0  }
0x88: {  	s3 =	rddreg [dreg:$0x2];
	[bflag:$0x3] =	sbarrier.arrive $0xFFFF;
	s2 =	simm.s32 @!p0 $0x1C02  }
0x89: {  	[timem:s3], [sflag:s2] =	dma.local @!p0 [hbm:s0], s1  }
0x8a: {  	s0 =	simm.s32 @!p0 $0x2  }
0x8b: {  	_ =	swait.ge @!p0 [sflag:s0], s1  }
0x8c: {  	s1 =	ssub.s32 @!p0 $0x0, s1;
	[sflag:s0] =	ssyncset.done @!p0 $0x0  }
0x8d: {  	[sflag:s0] =	ssyncadd.s32 @!p0 s1  }
0x8e: {  	[bflag:$0x3] =	sbarrier.arrive $0xFFFF  }
0x8f: {  	_ =	shalt  }

</sc_bundles>
